<compile_context>
chip_gen: v7x
topology: tpu7x:2x2x1
jax: 0.10.2.dev20260603
libtpu: 0.0.44.dev20260713+nightly
codegen_flags: <defaults>
</compile_context>

<pallas_src>
import functools

import jax
import jax.numpy as jnp
from jax import lax
from jax.experimental import pallas as pl
from jax.experimental.pallas import tpu as pltpu
from jax.experimental.pallas import tpu_sc as plsc

_N_TIMES = 1000
_N_LOCS = 1000
_N_APPS = 8000
_N_NODES = 10000
_DIM = 128
_SEQ = 20

_NP = 10240
_TRASH = 10100
_CH = 128
_NSUB = 16
_NW = 32
_ROWS_PW = _NP // _NSUB


def _sc_aggregate(table_p, table_n, src, dst, act_p, act_n, with_deg):
    ep = src.shape[0]
    epw = ep // _NSUB
    nch = epw // _CH
    assert nch % 2 == 0
    mesh = plsc.VectorSubcoreMesh(core_axis_name="c", subcore_axis_name="s")

    out_type = [jax.ShapeDtypeStruct((_NW, _ROWS_PW, _DIM), jnp.float32)]
    scratch = [
        pltpu.VMEM((_CH,), jnp.int32),
        pltpu.VMEM((_CH,), jnp.int32),
        pltpu.VMEM((_CH,), jnp.int32),
        pltpu.VMEM((_CH,), jnp.int32),
        pltpu.VMEM((_CH, _DIM), jnp.float32),
        pltpu.VMEM((_CH, _DIM), jnp.float32),
        pltpu.VMEM_SHARED((_NP, _DIM), jnp.float32),
        pltpu.SemaphoreType.DMA,
        pltpu.SemaphoreType.DMA,
        pltpu.SemaphoreType.DMA,
        pltpu.SemaphoreType.DMA,
        pltpu.SemaphoreType.DMA,
        pltpu.SemaphoreType.DMA,
    ]
    if with_deg:
        out_type.append(jax.ShapeDtypeStruct((_NW, _ROWS_PW), jnp.int32))
        scratch += [pltpu.VMEM((_CH,), jnp.int32),
                    pltpu.VMEM((_CH,), jnp.int32),
                    pltpu.SemaphoreType.DMA,
                    pltpu.SemaphoreType.DMA,
                    pltpu.SemaphoreType.DMA,
                    pltpu.SemaphoreType.DMA,
                    pltpu.VMEM_SHARED((_NP,), jnp.int32)]

    @functools.partial(pl.kernel, out_type=out_type, mesh=mesh,
                       scratch_types=scratch)
    def k(tp_h, tn_h, src_h, dst_h, actp_h, actn_h, zeros_h, zeros1_h,
          *rest):
        if with_deg:
            (out_h, deg_out_h, sva, svb, dva, dvb, rva, rvb, acc_sh,
             s_sta, s_stb, s_ra, s_rb, s_wa, s_wb, ava, avb, s_aa, s_ab,
             s_da, s_db, deg_sh) = rest
        else:
            (out_h, sva, svb, dva, dvb, rva, rvb, acc_sh,
             s_sta, s_stb, s_ra, s_rb, s_wa, s_wb) = rest
            ava = avb = s_aa = s_ab = s_da = s_db = deg_sh = None
        c = lax.axis_index("c")
        s = lax.axis_index("s")
        wid = c * _NSUB + s
        pltpu.sync_copy(zeros_h, acc_sh.at[pl.ds(s * _ROWS_PW, _ROWS_PW)])
        if with_deg:
            pltpu.sync_copy(zeros1_h,
                            deg_sh.at[pl.ds(s * _ROWS_PW, _ROWS_PW)])
        plsc.subcore_barrier()
        base = s * epw

        def stage(off, sv, dv, sem):
            pltpu.async_copy(src_h.at[pl.ds(off, _CH)], sv, sem)
            pltpu.async_copy(dst_h.at[pl.ds(off, _CH)], dv, sem)

        def stage_wait(off, sv, dv, sem):
            pltpu.make_async_copy(src_h.at[pl.ds(off, _CH)], sv, sem).wait()
            pltpu.make_async_copy(dst_h.at[pl.ds(off, _CH)], dv, sem).wait()

        def issue_gathers(sv, av, rv, s_a, s_r):
            @pl.when(c == 0)
            def _():
                pltpu.async_copy(tp_h.at[sv], rv, s_r)
                if with_deg:
                    pltpu.async_copy(actp_h.at[sv], av, s_a)

            @pl.when(c == 1)
            def _():
                pltpu.async_copy(tn_h.at[sv], rv, s_r)
                if with_deg:
                    pltpu.async_copy(actn_h.at[sv], av, s_a)

        def finish(sv, dv, av, rv, s_a, s_r, s_w, s_d):
            pltpu.make_async_copy(tp_h.at[sv], rv, s_r).wait()
            pltpu.async_copy(rv, acc_sh.at[dv], s_w, add=True)
            if with_deg:
                pltpu.make_async_copy(actp_h.at[sv], av, s_a).wait()
                pltpu.async_copy(av, deg_sh.at[dv], s_d, add=True)

        def drain(dv, av, rv, s_w, s_d):
            pltpu.make_async_copy(rv, acc_sh.at[dv], s_w).wait()
            if with_deg:
                pltpu.make_async_copy(av, deg_sh.at[dv], s_d).wait()

        def body(t, carry):
            @pl.when(t > 0)
            def _():
                drain(dva, ava, rva, s_wa, s_da)
                drain(dvb, avb, rvb, s_wb, s_db)

            off_a = base + (2 * t) * _CH
            off_b = off_a + _CH
            stage(off_a, sva, dva, s_sta)
            stage(off_b, svb, dvb, s_stb)
            stage_wait(off_a, sva, dva, s_sta)
            issue_gathers(sva, ava, rva, s_aa, s_ra)
            stage_wait(off_b, svb, dvb, s_stb)
            issue_gathers(svb, avb, rvb, s_ab, s_rb)
            finish(sva, dva, ava, rva, s_aa, s_ra, s_wa, s_da)
            finish(svb, dvb, avb, rvb, s_ab, s_rb, s_wb, s_db)
            return carry

        lax.fori_loop(0, nch // 2, body, 0)
        drain(dva, ava, rva, s_wa, s_da)
        drain(dvb, avb, rvb, s_wb, s_db)
        plsc.subcore_barrier()
        pltpu.sync_copy(acc_sh.at[pl.ds(s * _ROWS_PW, _ROWS_PW)],
                        out_h.at[wid])
        if with_deg:
            pltpu.sync_copy(deg_sh.at[pl.ds(s * _ROWS_PW, _ROWS_PW)],
                            deg_out_h.at[wid])

    zeros = jnp.zeros((_ROWS_PW, _DIM), jnp.float32)
    zeros1 = jnp.zeros((_ROWS_PW,), jnp.int32)
    if with_deg:
        out, deg = k(table_p, table_n, src, dst, act_p, act_n, zeros,
                     zeros1)
        return (out.reshape(2, _NP, _DIM), deg.reshape(2, _NP))
    (out,) = k(table_p, table_n, src, dst, act_p, act_n, zeros, zeros1)
    return out.reshape(2, _NP, _DIM)


def _sc_gather(table, idx):
    n = idx.shape[0]
    per_w = n // _NW
    nch = per_w // _CH
    assert nch % 2 == 0
    mesh = plsc.VectorSubcoreMesh(core_axis_name="c", subcore_axis_name="s")

    @functools.partial(
        pl.kernel,
        out_type=jax.ShapeDtypeStruct((n, _DIM), jnp.float32),
        mesh=mesh,
        scratch_types=[
            pltpu.VMEM((_CH,), jnp.int32),
            pltpu.VMEM((_CH,), jnp.int32),
            pltpu.VMEM((_CH, _DIM), jnp.float32),
            pltpu.VMEM((_CH, _DIM), jnp.float32),
            pltpu.SemaphoreType.DMA,
            pltpu.SemaphoreType.DMA,
            pltpu.SemaphoreType.DMA,
            pltpu.SemaphoreType.DMA,
        ],
    )
    def k(table_h, idx_h, out_h, iva, ivb, rva, rvb, s_ia, s_ib, s_ra,
          s_rb):
        c = lax.axis_index("c")
        s = lax.axis_index("s")
        base = (c * _NSUB + s) * per_w

        def body(t, carry):
            off_a = base + (2 * t) * _CH
            off_b = off_a + _CH
            pltpu.async_copy(idx_h.at[pl.ds(off_a, _CH)], iva, s_ia)
            pltpu.async_copy(idx_h.at[pl.ds(off_b, _CH)], ivb, s_ib)
            pltpu.make_async_copy(idx_h.at[pl.ds(off_a, _CH)], iva,
                                  s_ia).wait()
            pltpu.async_copy(table_h.at[iva], rva, s_ra)
            pltpu.make_async_copy(idx_h.at[pl.ds(off_b, _CH)], ivb,
                                  s_ib).wait()
            pltpu.async_copy(table_h.at[ivb], rvb, s_rb)
            pltpu.make_async_copy(table_h.at[iva], rva, s_ra).wait()
            pltpu.sync_copy(rva, out_h.at[pl.ds(off_a, _CH)])
            pltpu.make_async_copy(table_h.at[ivb], rvb, s_rb).wait()
            pltpu.sync_copy(rvb, out_h.at[pl.ds(off_b, _CH)])
            return carry

        lax.fori_loop(0, nch // 2, body, 0)

    return k(table, idx)


_RB = 1024


def _mm_body(x_ref, sp_ref, sn_ref, dp_ref, dn_ref, ap_ref, an_ref,
             ws_ref, wn_ref, b_ref, hap_ref, han_ref, hb_ref):
    x = x_ref[...]
    ws = ws_ref[...]
    wn = wn_ref[...]
    b = b_ref[...]
    s = lax.dot_general(x, ws, (((1,), (1,)), ((), ())),
                        preferred_element_type=jnp.float32)
    np_ = sp_ref[...] / jnp.maximum(dp_ref[...][:, 0:1], 1.0)
    nn_ = sn_ref[...] / jnp.maximum(dn_ref[...][:, 0:1], 1.0)
    mp = lax.dot_general(np_, wn, (((1,), (1,)), ((), ())),
                         preferred_element_type=jnp.float32)
    mn = lax.dot_general(nn_, wn, (((1,), (1,)), ((), ())),
                         preferred_element_type=jnp.float32)
    hap_ref[...] = jnp.maximum(s + mp + b, 0.0) * ap_ref[...][:, 0:1]
    han_ref[...] = jnp.maximum(s + mn + b, 0.0) * an_ref[...][:, 0:1]
    hb_ref[...] = jnp.maximum(s + b, 0.0)


def _tc_sage(x, sum_p, sum_n, deg_p, deg_n, act_p16, act_n16, Ws, Wn, b):
    grid = (_NP // _RB,)
    row = pl.BlockSpec((_RB, _DIM), lambda i: (i, 0))
    dcol = pl.BlockSpec((_RB, 16), lambda i: (i, 0))
    full = pl.BlockSpec((_DIM, _DIM), lambda i: (0, 0))
    bspec = pl.BlockSpec((1, _DIM), lambda i: (0, 0))
    out_sh = jax.ShapeDtypeStruct((_NP, _DIM), jnp.float32)
    return pl.pallas_call(
        _mm_body,
        grid=grid,
        in_specs=[row, row, row, dcol, dcol, dcol, dcol, full, full, bspec],
        out_specs=[row, row, row],
        out_shape=[out_sh, out_sh, out_sh],
    )(x, sum_p, sum_n, deg_p, deg_n, act_p16, act_n16, Ws, Wn,
      b.reshape(1, _DIM))


def _mm2_body(xp_ref, xn_ref, xb_ref, sp_ref, sn_ref, dp_ref, dn_ref,
              ws_ref, wn_ref, b_ref, hap_ref, han_ref, hb_ref):
    ws = ws_ref[...]
    wn = wn_ref[...]
    b = b_ref[...]
    dot = lambda a, w: lax.dot_general(a, w, (((1,), (1,)), ((), ())),
                                       preferred_element_type=jnp.float32)
    np_ = sp_ref[...] / jnp.maximum(dp_ref[...][:, 0:1], 1.0)
    nn_ = sn_ref[...] / jnp.maximum(dn_ref[...][:, 0:1], 1.0)
    hap_ref[...] = jnp.maximum(dot(xp_ref[...], ws) + dot(np_, wn) + b, 0.0)
    han_ref[...] = jnp.maximum(dot(xn_ref[...], ws) + dot(nn_, wn) + b, 0.0)
    hb_ref[...] = jnp.maximum(dot(xb_ref[...], ws) + b, 0.0)


def _tc_sage2(xp, xn, xb, sum_p, sum_n, deg_p, deg_n, Ws, Wn, b):
    grid = (_NP // _RB,)
    row = pl.BlockSpec((_RB, _DIM), lambda i: (i, 0))
    dcol = pl.BlockSpec((_RB, 16), lambda i: (i, 0))
    full = pl.BlockSpec((_DIM, _DIM), lambda i: (0, 0))
    bspec = pl.BlockSpec((1, _DIM), lambda i: (0, 0))
    out_sh = jax.ShapeDtypeStruct((_NP, _DIM), jnp.float32)
    return pl.pallas_call(
        _mm2_body,
        grid=grid,
        in_specs=[row, row, row, row, row, dcol, dcol, full, full, bspec],
        out_specs=[row, row, row],
        out_shape=[out_sh, out_sh, out_sh],
    )(xp, xn, xb, sum_p, sum_n, deg_p, deg_n, Ws, Wn, b.reshape(1, _DIM))


_SB = 128
_GRP = 24


def _sim_body(g_ref, out_ref):
    h = g_ref[...]
    t = h[:, 0, :]
    l = h[:, 1, :]
    a = h[:, 2:_SEQ + 2, :]
    nt2 = jnp.sum(t * t, axis=-1, keepdims=True)
    nl2 = jnp.sum(l * l, axis=-1, keepdims=True)
    stl = jnp.sum(t * l, axis=-1, keepdims=True)
    na2 = jnp.sum(a * a, axis=-1)
    p = jnp.sum(t[:, None, :] * a, axis=-1)
    q = jnp.sum(l[:, None, :] * a, axis=-1)
    nt = jnp.sqrt(nt2)
    nl = jnp.sqrt(nl2)
    ntl = jnp.sqrt(nt2 + 2.0 * stl + nl2)
    nu = jnp.sqrt(nl2 + 2.0 * q + na2)
    nv = jnp.sqrt(nt2 + 2.0 * p + na2)
    na = jnp.sqrt(na2)
    sim_t = jnp.sum((stl + p) / (nt * nu), axis=-1)
    sim_l = jnp.sum((stl + q) / (nl * nv), axis=-1)
    sim_a = jnp.sum((p + q) / (na * ntl), axis=-1)
    out_ref[...] = sim_t + sim_l + sim_a


def _tc_sim(g, nrows):
    grid = (nrows // _SB,)
    return pl.pallas_call(
        _sim_body,
        grid=grid,
        in_specs=[pl.BlockSpec((_SB, _GRP, _DIM), lambda i: (i, 0, 0))],
        out_specs=pl.BlockSpec((_SB,), lambda i: (i,)),
        out_shape=jax.ShapeDtypeStruct((nrows,), jnp.float32),
    )(g)


def kernel(users, times, locs, app_seq, edge_index, tla_emb,
           Ws1, Wn1, b1, Ws2, Wn2, b2):
    batch = users.shape[0]
    m = batch * (_SEQ + 2)
    nodes_idx = jnp.concatenate(
        [_N_APPS + _N_LOCS + times, _N_APPS + locs, app_seq],
        axis=1).reshape(-1)
    nk = jax.random.key(42)
    nks = jax.random.split(nk, 4)
    neg_t = jax.random.randint(nks[1], (batch, 1), 0, _N_TIMES)
    neg_l = jax.random.randint(nks[2], (batch, 1), 0, _N_LOCS)
    neg_a = jax.random.randint(nks[3], (batch, _SEQ), 0, _N_APPS)
    neg_nodes_idx = jnp.concatenate(
        [_N_APPS + _N_LOCS + neg_t, _N_APPS + neg_l, neg_a],
        axis=1).reshape(-1)

    ar = jnp.arange(m, dtype=jnp.int32)
    lp_pos = jnp.full((_NP,), -1, jnp.int32).at[nodes_idx].max(ar)
    lp_neg = jnp.full((_NP,), -1, jnp.int32).at[neg_nodes_idx].max(ar)
    act_p = (lp_pos >= 0).astype(jnp.int32)
    act_n = (lp_neg >= 0).astype(jnp.int32)
    islast_p = jnp.zeros((m,), jnp.int32).at[
        jnp.where(lp_pos >= 0, lp_pos, m)].set(1, mode="drop")
    islast_n = jnp.zeros((m,), jnp.int32).at[
        jnp.where(lp_neg >= 0, lp_neg, m)].set(1, mode="drop")

    src, dst = edge_index[0], edge_index[1]
    e = src.shape[0]
    ep = -(-e // (_NSUB * _CH * 2)) * (_NSUB * _CH * 2)
    pad = ep - e
    src_p = jnp.concatenate([src.astype(jnp.int32),
                             jnp.zeros((pad,), jnp.int32)])
    dst_p = jnp.concatenate([dst.astype(jnp.int32),
                             jnp.full((pad,), _TRASH, jnp.int32)])

    x_pad = jnp.zeros((_NP, _DIM), jnp.float32).at[:_N_NODES].set(tla_emb)
    x_mp = x_pad * act_p.astype(jnp.float32)[:, None]
    x_mn = x_pad * act_n.astype(jnp.float32)[:, None]

    acc_a, deg = _sc_aggregate(x_mp, x_mn, src_p, dst_p,
                               act_p, act_n, True)
    sum1_p, sum1_n = acc_a[0], acc_a[1]
    degf = deg.astype(jnp.float32)
    dg_p = jnp.broadcast_to(degf[0][:, None], (_NP, 16))
    dg_n = jnp.broadcast_to(degf[1][:, None], (_NP, 16))
    ap16 = jnp.broadcast_to(act_p.astype(jnp.float32)[:, None], (_NP, 16))
    an16 = jnp.broadcast_to(act_n.astype(jnp.float32)[:, None], (_NP, 16))

    h1a_p, h1a_n, h1b = _tc_sage(x_pad, sum1_p, sum1_n, dg_p, dg_n,
                                 ap16, an16, Ws1, Wn1, b1)

    acc_b = _sc_aggregate(h1a_p, h1a_n, src_p, dst_p, act_p, act_n, False)
    sum2_p, sum2_n = acc_b[0], acc_b[1]

    h2a_p, h2a_n, h2b = _tc_sage2(h1a_p, h1a_n, h1b, sum2_p, sum2_n,
                                  dg_p, dg_n, Ws2, Wn2, b2)

    tf = jnp.concatenate([h2a_p, h2a_n, h2b], axis=0)
    idx_pos = jnp.where(islast_p == 1, nodes_idx, nodes_idx + 2 * _NP)
    idx_neg = jnp.where(islast_n == 1, neg_nodes_idx + _NP,
                        neg_nodes_idx + 2 * _NP)
    idx_all = jnp.concatenate([idx_pos, idx_neg]).astype(jnp.int32)
    dummy = (jnp.arange(2 * batch, dtype=jnp.int32) % _N_NODES)[:, None]
    idx24 = jnp.concatenate(
        [idx_all.reshape(2 * batch, _SEQ + 2),
         jnp.broadcast_to(dummy, (2 * batch, _GRP - _SEQ - 2))],
        axis=1).reshape(-1)
    g = _sc_gather(tf, idx24)
    loss = _tc_sim(g.reshape(2 * batch, _GRP, _DIM), 2 * batch)
    return loss[:batch], loss[batch:]

# --- scband reference (transcript-rebuilt; emitter-appended) ---
"""Pipeline reference for scband-gnn-90348932038673 (READ-ONLY COPY).

The authoritative reference and input builder live on the scoring server;
editing this copy changes nothing except your own understanding.
"""

import jax, jax.numpy as jnp
import numpy as np

N_USERS = 10000
N_TIMES = 1000
N_LOCS = 1000
N_APPS = 8000
N_NODES = N_TIMES + N_LOCS + N_APPS
N_EDGES = 320000
DIM = 128
SEQ = 20
B = 4096


def setup_inputs(seed: int = 0) -> dict:
    key = jax.random.key(seed)
    ks = jax.random.split(key, 12)
    users = jax.random.randint(ks[0], (B, 1), 0, N_USERS)
    times = jax.random.randint(ks[1], (B, 1), 0, N_TIMES)
    locs = jax.random.randint(ks[2], (B, 1), 0, N_LOCS)
    app_seq = jax.random.randint(ks[3], (B, SEQ), 0, N_APPS)
    edge_index = jax.random.randint(ks[4], (2, N_EDGES), 0, N_NODES)
    s = 1.0 / np.sqrt(DIM)
    tla_emb = jax.random.normal(ks[5], (N_NODES, DIM), dtype=jnp.float32)
    Ws1 = jax.random.uniform(ks[6], (DIM, DIM), minval=-s, maxval=s, dtype=jnp.float32)
    Wn1 = jax.random.uniform(ks[7], (DIM, DIM), minval=-s, maxval=s, dtype=jnp.float32)
    b1 = jnp.zeros((DIM,), dtype=jnp.float32)
    Ws2 = jax.random.uniform(ks[8], (DIM, DIM), minval=-s, maxval=s, dtype=jnp.float32)
    Wn2 = jax.random.uniform(ks[9], (DIM, DIM), minval=-s, maxval=s, dtype=jnp.float32)
    b2 = jnp.zeros((DIM,), dtype=jnp.float32)
    return {"users": users, "times": times, "locs": locs, "app_seq": app_seq,
            "edge_index": edge_index, "tla_emb": tla_emb,
            "Ws1": Ws1, "Wn1": Wn1, "b1": b1, "Ws2": Ws2, "Wn2": Wn2, "b2": b2}


def _sage_layer(h, src_l, dst_l, w, Ws, Wn, b):
    # DGL SAGEConv with 'mean' aggregator: fc_self(h) + fc_neigh(mean_neigh(h)) + bias
    M = h.shape[0]
    msg = jnp.zeros((M, h.shape[1]), dtype=h.dtype).at[dst_l].add(h[src_l] * w[:, None])
    deg = jnp.zeros((M,), dtype=h.dtype).at[dst_l].add(w)
    neigh = msg / jnp.maximum(deg, 1.0)[:, None]
    return jax.nn.relu(h @ Ws.T + neigh @ Wn.T + b)


def _graph_layer(nodes_idx, edge_index, tla_emb, params):
    # dgl.node_subgraph: induced subgraph on nodes_idx with relabeled node ids
    M = nodes_idx.shape[0]
    mapping = jnp.full((N_NODES,), -1, dtype=jnp.int32).at[nodes_idx].set(
        jnp.arange(M, dtype=jnp.int32))
    ms = mapping[edge_index[0]]
    md = mapping[edge_index[1]]
    valid = (ms >= 0) & (md >= 0)
    src_l = jnp.where(valid, ms, 0)
    dst_l = jnp.where(valid, md, 0)
    w = valid.astype(tla_emb.dtype)
    h = tla_emb[nodes_idx]  # srcdata['feature'] is the node id; tla_emb lookup
    for (Ws, Wn, b) in params:
        h = _sage_layer(h, src_l, dst_l, w, Ws, Wn, b)
    return h


def _cosine_sim(v1, v2):
    n1 = v1 / jnp.linalg.norm(v1, axis=-1, keepdims=True)
    n2 = v2 / jnp.linalg.norm(v2, axis=-1, keepdims=True)
    return (n1 * n2).sum(-1)


def _compute_sim(h, batch):
    h = h.reshape(batch, SEQ + 2, DIM)
    t = h[:, 0:1, :]
    l = h[:, 1:2, :]
    a = h[:, 2:, :]
    sim_t = _cosine_sim(t, (l + a) / 2).sum(-1)
    sim_l = _cosine_sim(l, (t + a) / 2).sum(-1)
    sim_a = _cosine_sim(a, (t + l) / 2).sum(-1)
    return sim_t + sim_l + sim_a


def reference(users, times, locs, app_seq, edge_index, tla_emb,
              Ws1, Wn1, b1, Ws2, Wn2, b2):
    batch = users.shape[0]
    nodes_idx = jnp.concatenate(
        [N_APPS + N_LOCS + times, N_APPS + locs, app_seq], axis=1).reshape(-1)
    # negative sampling (torch.randint in original forward; fixed key here)
    nk = jax.random.key(42)
    nks = jax.random.split(nk, 4)
    neg_t = jax.random.randint(nks[1], (batch, 1), 0, N_TIMES)
    neg_l = jax.random.randint(nks[2], (batch, 1), 0, N_LOCS)
    neg_a = jax.random.randint(nks[3], (batch, SEQ), 0, N_APPS)
    neg_nodes_idx = jnp.concatenate(
        [N_APPS + N_LOCS + neg_t, N_APPS + neg_l, neg_a], axis=1).reshape(-1)
    params = [(Ws1, Wn1, b1), (Ws2, Wn2, b2)]
    pos_h = _graph_layer(nodes_idx, edge_index, tla_emb, params)
    pos_loss = _compute_sim(pos_h, batch)
    neg_h = _graph_layer(neg_nodes_idx, edge_index, tla_emb, params)
    neg_loss = _compute_sim(neg_h, batch)
    return (pos_loss, neg_loss)

if __name__ == "__main__":
    import jax
    _d = setup_inputs()
    print(jax.jit(kernel)(*tuple(_d.values())))

</pallas_src>

<mosaic_0001>
#map = affine_map<(d0, d1) -> (0, 0)>
#map1 = affine_map<(d0, d1) -> (0)>
#map2 = affine_map<(d0, d1) -> (0, 0, 0)>
module attributes {stable_mosaic.version = 14 : i64} {
  func.func @k(%arg0: i32, %arg1: i32, %arg2: memref<10240x128xf32, #tpu.memory_space<hbm>>, %arg3: memref<10240x128xf32, #tpu.memory_space<hbm>>, %arg4: memref<323584xi32, #tpu.memory_space<hbm>>, %arg5: memref<323584xi32, #tpu.memory_space<hbm>>, %arg6: memref<10240xi32, #tpu.memory_space<hbm>>, %arg7: memref<10240xi32, #tpu.memory_space<hbm>>, %arg8: memref<640x128xf32, #tpu.memory_space<hbm>>, %arg9: memref<640xi32, #tpu.memory_space<hbm>>, %arg10: memref<32x640x128xf32, #tpu.memory_space<hbm>>, %arg11: memref<128xi32, #tpu.memory_space<vmem>>, %arg12: memref<128xi32, #tpu.memory_space<vmem>>, %arg13: memref<128xi32, #tpu.memory_space<vmem>>, %arg14: memref<128xi32, #tpu.memory_space<vmem>>, %arg15: memref<128x128xf32, #tpu.memory_space<vmem>>, %arg16: memref<128x128xf32, #tpu.memory_space<vmem>>, %arg17: memref<10240x128xf32, #tpu.memory_space<vmem_shared>>, %arg18: memref<!tpu.dma_semaphore, #tpu.memory_space<semaphore_mem>>, %arg19: memref<!tpu.dma_semaphore, #tpu.memory_space<semaphore_mem>>, %arg20: memref<!tpu.dma_semaphore, #tpu.memory_space<semaphore_mem>>, %arg21: memref<!tpu.dma_semaphore, #tpu.memory_space<semaphore_mem>>, %arg22: memref<!tpu.dma_semaphore, #tpu.memory_space<semaphore_mem>>, %arg23: memref<!tpu.dma_semaphore, #tpu.memory_space<semaphore_mem>>) attributes {dimension_semantics = [#tpu.dimension_semantics<core_parallel>, #tpu.dimension_semantics<subcore_parallel>], iteration_bounds = array<i64: 2, 16>, scalar_prefetch = 0 : i64, scratch_operands = 13 : i64, tpu.core_type = #tpu.core_type<sc_vector_subcore>, window_params = [{transform_indices = #map}, {transform_indices = #map}, {transform_indices = #map1}, {transform_indices = #map1}, {transform_indices = #map1}, {transform_indices = #map1}, {transform_indices = #map}, {transform_indices = #map1}, {transform_indices = #map2}]} {
    %mul3A = arith.constant 16 : i32
    %mul3A_0 = arith.muli %arg0, %mul3A : i32
    %add3A = arith.addi %mul3A_0, %arg1 : i32
    %mul3A_1 = arith.constant 640 : i32
    %mul3A_2 = arith.muli %arg1, %mul3A_1 : i32
    "tpu.region"() ({
      %run_scoped3A = tpu.sem_alloc : memref<!tpu.dma_semaphore, #tpu.memory_space<semaphore_mem>>
      %dma_start3A = arith.constant 0 : i32
      %dma_start3A_18 = tpu.memref_slice %arg17[%mul3A_2, %dma_start3A] : memref<10240x128xf32, #tpu.memory_space<vmem_shared>> -> memref<640x128xf32, #tpu.memory_space<vmem_shared>>
      tpu.enqueue_dma source(%arg8 : memref<640x128xf32, #tpu.memory_space<hbm>>) target(%dma_start3A_18 : memref<640x128xf32, #tpu.memory_space<vmem_shared>>) target_semaphore(%run_scoped3A : memref<!tpu.dma_semaphore, #tpu.memory_space<semaphore_mem>>)
      %dma_wait3A_19 = arith.constant 0 : i32
      %dma_wait3A_20 = tpu.memref_slice %arg17[%mul3A_2, %dma_wait3A_19] : memref<10240x128xf32, #tpu.memory_space<vmem_shared>> -> memref<640x128xf32, #tpu.memory_space<vmem_shared>>
      tpu.wait_dma2 semaphore(%run_scoped3A : memref<!tpu.dma_semaphore, #tpu.memory_space<semaphore_mem>>) src(%arg8 : memref<640x128xf32, #tpu.memory_space<hbm>>) dst(%dma_wait3A_20 : memref<640x128xf32, #tpu.memory_space<vmem_shared>>)
      tpu.yield
    }) : () -> ()
    %barrier3A = arith.constant 0 : index
    tpu.barrier barrier_id(%barrier3A)
    %mul3A_3 = arith.constant 20224 : i32
    %mul3A_4 = arith.muli %arg1, %mul3A_3 : i32
    %scan3A = arith.constant 0 : i32
    %scan3A_5 = arith.constant 0 : i32
    %scan3A_6 = arith.constant 79 : i32
    %scan3A_7 = arith.addi %scan3A_5, %scan3A_6 : i32
    %scan3A_8 = arith.constant 1 : i32
    scf.for %scan3A_18 = %scan3A_5 to %scan3A_7 step %scan3A_8  : i32 {
      %gt3A = arith.constant 0 : i32
      %gt3A_19 = arith.cmpi sgt, %scan3A_18, %gt3A : i32
      %convert_element_type3A = arith.extui %gt3A_19 : i1 to i32
      %cond3A = arith.constant 0 : i32
      %cond3A_20 = arith.cmpi ne, %convert_element_type3A, %cond3A : i32
      scf.if %cond3A_20 {
        %dma_wait3A_74 = arith.constant 0 : i32
        %dma_wait3A_75 = arith.constant 0 : i32
        %dma_wait3A_76 = tpu.memref_slice %arg17[%dma_wait3A_74, %dma_wait3A_75] : memref<10240x128xf32, #tpu.memory_space<vmem_shared>> -> memref<10240x128xf32, #tpu.memory_space<vmem_shared>>
        tpu.wait_indirect_dma semaphore(%arg22 : memref<!tpu.dma_semaphore, #tpu.memory_space<semaphore_mem>>) src(%arg15 : memref<128x128xf32, #tpu.memory_space<vmem>>) dst(%dma_wait3A_76 : memref<10240x128xf32, #tpu.memory_space<vmem_shared>>)
        %dma_wait3A_77 = arith.constant 0 : i32
        %dma_wait3A_78 = arith.constant 0 : i32
        %dma_wait3A_79 = tpu.memref_slice %arg17[%dma_wait3A_77, %dma_wait3A_78] : memref<10240x128xf32, #tpu.memory_space<vmem_shared>> -> memref<10240x128xf32, #tpu.memory_space<vmem_shared>>
        tpu.wait_indirect_dma semaphore(%arg23 : memref<!tpu.dma_semaphore, #tpu.memory_space<semaphore_mem>>) src(%arg16 : memref<128x128xf32, #tpu.memory_space<vmem>>) dst(%dma_wait3A_79 : memref<10240x128xf32, #tpu.memory_space<vmem_shared>>)
      } else {
      }
      %mul3A_21 = arith.constant 2 : i32
      %mul3A_22 = arith.muli %mul3A_21, %scan3A_18 : i32
      %mul3A_23 = arith.constant 128 : i32
      %mul3A_24 = arith.muli %mul3A_22, %mul3A_23 : i32
      %add3A_25 = arith.addi %mul3A_4, %mul3A_24 : i32
      %add3A_26 = arith.constant 128 : i32
      %add3A_27 = arith.addi %add3A_25, %add3A_26 : i32
      %dma_start3A = tpu.memref_slice %arg4[%add3A_25] : memref<323584xi32, #tpu.memory_space<hbm>> -> memref<128xi32, #tpu.memory_space<hbm>>
      %dma_start3A_28 = tpu.memref_slice %arg4[%add3A_25] : memref<323584xi32, #tpu.memory_space<hbm>> -> memref<128xi32, #tpu.memory_space<hbm>>
      tpu.enqueue_dma source(%dma_start3A_28 : memref<128xi32, #tpu.memory_space<hbm>>) target(%arg11 : memref<128xi32, #tpu.memory_space<vmem>>) target_semaphore(%arg18 : memref<!tpu.dma_semaphore, #tpu.memory_space<semaphore_mem>>)
      %dma_start3A_29 = tpu.memref_slice %arg5[%add3A_25] : memref<323584xi32, #tpu.memory_space<hbm>> -> memref<128xi32, #tpu.memory_space<hbm>>
      %dma_start3A_30 = tpu.memref_slice %arg5[%add3A_25] : memref<323584xi32, #tpu.memory_space<hbm>> -> memref<128xi32, #tpu.memory_space<hbm>>
      tpu.enqueue_dma source(%dma_start3A_30 : memref<128xi32, #tpu.memory_space<hbm>>) target(%arg13 : memref<128xi32, #tpu.memory_space<vmem>>) target_semaphore(%arg18 : memref<!tpu.dma_semaphore, #tpu.memory_space<semaphore_mem>>)
      %dma_start3A_31 = tpu.memref_slice %arg4[%add3A_27] : memref<323584xi32, #tpu.memory_space<hbm>> -> memref<128xi32, #tpu.memory_space<hbm>>
      %dma_start3A_32 = tpu.memref_slice %arg4[%add3A_27] : memref<323584xi32, #tpu.memory_space<hbm>> -> memref<128xi32, #tpu.memory_space<hbm>>
      tpu.enqueue_dma source(%dma_start3A_32 : memref<128xi32, #tpu.memory_space<hbm>>) target(%arg12 : memref<128xi32, #tpu.memory_space<vmem>>) target_semaphore(%arg19 : memref<!tpu.dma_semaphore, #tpu.memory_space<semaphore_mem>>)
      %dma_start3A_33 = tpu.memref_slice %arg5[%add3A_27] : memref<323584xi32, #tpu.memory_space<hbm>> -> memref<128xi32, #tpu.memory_space<hbm>>
      %dma_start3A_34 = tpu.memref_slice %arg5[%add3A_27] : memref<323584xi32, #tpu.memory_space<hbm>> -> memref<128xi32, #tpu.memory_space<hbm>>
      tpu.enqueue_dma source(%dma_start3A_34 : memref<128xi32, #tpu.memory_space<hbm>>) target(%arg14 : memref<128xi32, #tpu.memory_space<vmem>>) target_semaphore(%arg19 : memref<!tpu.dma_semaphore, #tpu.memory_space<semaphore_mem>>)
      %dma_wait3A_35 = tpu.memref_slice %arg4[%add3A_25] : memref<323584xi32, #tpu.memory_space<hbm>> -> memref<128xi32, #tpu.memory_space<hbm>>
      %dma_wait3A_36 = tpu.memref_slice %arg4[%add3A_25] : memref<323584xi32, #tpu.memory_space<hbm>> -> memref<128xi32, #tpu.memory_space<hbm>>
      tpu.wait_dma2 semaphore(%arg18 : memref<!tpu.dma_semaphore, #tpu.memory_space<semaphore_mem>>) src(%dma_wait3A_36 : memref<128xi32, #tpu.memory_space<hbm>>) dst(%arg11 : memref<128xi32, #tpu.memory_space<vmem>>)
      %dma_wait3A_37 = tpu.memref_slice %arg5[%add3A_25] : memref<323584xi32, #tpu.memory_space<hbm>> -> memref<128xi32, #tpu.memory_space<hbm>>
      %dma_wait3A_38 = tpu.memref_slice %arg5[%add3A_25] : memref<323584xi32, #tpu.memory_space<hbm>> -> memref<128xi32, #tpu.memory_space<hbm>>
      tpu.wait_dma2 semaphore(%arg18 : memref<!tpu.dma_semaphore, #tpu.memory_space<semaphore_mem>>) src(%dma_wait3A_38 : memref<128xi32, #tpu.memory_space<hbm>>) dst(%arg13 : memref<128xi32, #tpu.memory_space<vmem>>)
      %eq3A = arith.constant 0 : i32
      %eq3A_39 = arith.cmpi eq, %arg0, %eq3A : i32
      %convert_element_type3A_40 = arith.extui %eq3A_39 : i1 to i32
      %cond3A_41 = arith.constant 0 : i32
      %cond3A_42 = arith.cmpi ne, %convert_element_type3A_40, %cond3A_41 : i32
      scf.if %cond3A_42 {
        %dma_start3A_74 = arith.constant 0 : i32
        %dma_start3A_75 = arith.constant 0 : i32
        %dma_start3A_76 = tpu.memref_slice %arg2[%dma_start3A_74, %dma_start3A_75] : memref<10240x128xf32, #tpu.memory_space<hbm>> -> memref<10240x128xf32, #tpu.memory_space<hbm>>
        tpu.enqueue_indirect_dma source(%dma_start3A_76 : memref<10240x128xf32, #tpu.memory_space<hbm>>) target(%arg15 : memref<128x128xf32, #tpu.memory_space<vmem>>) offsets(%arg11 : memref<128xi32, #tpu.memory_space<vmem>>) semaphore(%arg20 : memref<!tpu.dma_semaphore, #tpu.memory_space<semaphore_mem>>)
      } else {
      }
      %eq3A_43 = arith.constant 1 : i32
      %eq3A_44 = arith.cmpi eq, %arg0, %eq3A_43 : i32
      %convert_element_type3A_45 = arith.extui %eq3A_44 : i1 to i32
      %cond3A_46 = arith.constant 0 : i32
      %cond3A_47 = arith.cmpi ne, %convert_element_type3A_45, %cond3A_46 : i32
      scf.if %cond3A_47 {
        %dma_start3A_74 = arith.constant 0 : i32
        %dma_start3A_75 = arith.constant 0 : i32
        %dma_start3A_76 = tpu.memref_slice %arg3[%dma_start3A_74, %dma_start3A_75] : memref<10240x128xf32, #tpu.memory_space<hbm>> -> memref<10240x128xf32, #tpu.memory_space<hbm>>
        tpu.enqueue_indirect_dma source(%dma_start3A_76 : memref<10240x128xf32, #tpu.memory_space<hbm>>) target(%arg15 : memref<128x128xf32, #tpu.memory_space<vmem>>) offsets(%arg11 : memref<128xi32, #tpu.memory_space<vmem>>) semaphore(%arg20 : memref<!tpu.dma_semaphore, #tpu.memory_space<semaphore_mem>>)
      } else {
      }
      %dma_wait3A_48 = tpu.memref_slice %arg4[%add3A_27] : memref<323584xi32, #tpu.memory_space<hbm>> -> memref<128xi32, #tpu.memory_space<hbm>>
      %dma_wait3A_49 = tpu.memref_slice %arg4[%add3A_27] : memref<323584xi32, #tpu.memory_space<hbm>> -> memref<128xi32, #tpu.memory_space<hbm>>
      tpu.wait_dma2 semaphore(%arg19 : memref<!tpu.dma_semaphore, #tpu.memory_space<semaphore_mem>>) src(%dma_wait3A_49 : memref<128xi32, #tpu.memory_space<hbm>>) dst(%arg12 : memref<128xi32, #tpu.memory_space<vmem>>)
      %dma_wait3A_50 = tpu.memref_slice %arg5[%add3A_27] : memref<323584xi32, #tpu.memory_space<hbm>> -> memref<128xi32, #tpu.memory_space<hbm>>
      %dma_wait3A_51 = tpu.memref_slice %arg5[%add3A_27] : memref<323584xi32, #tpu.memory_space<hbm>> -> memref<128xi32, #tpu.memory_space<hbm>>
      tpu.wait_dma2 semaphore(%arg19 : memref<!tpu.dma_semaphore, #tpu.memory_space<semaphore_mem>>) src(%dma_wait3A_51 : memref<128xi32, #tpu.memory_space<hbm>>) dst(%arg14 : memref<128xi32, #tpu.memory_space<vmem>>)
      %eq3A_52 = arith.constant 0 : i32
      %eq3A_53 = arith.cmpi eq, %arg0, %eq3A_52 : i32
      %convert_element_type3A_54 = arith.extui %eq3A_53 : i1 to i32
      %cond3A_55 = arith.constant 0 : i32
      %cond3A_56 = arith.cmpi ne, %convert_element_type3A_54, %cond3A_55 : i32
      scf.if %cond3A_56 {
        %dma_start3A_74 = arith.constant 0 : i32
        %dma_start3A_75 = arith.constant 0 : i32
        %dma_start3A_76 = tpu.memref_slice %arg2[%dma_start3A_74, %dma_start3A_75] : memref<10240x128xf32, #tpu.memory_space<hbm>> -> memref<10240x128xf32, #tpu.memory_space<hbm>>
        tpu.enqueue_indirect_dma source(%dma_start3A_76 : memref<10240x128xf32, #tpu.memory_space<hbm>>) target(%arg16 : memref<128x128xf32, #tpu.memory_space<vmem>>) offsets(%arg12 : memref<128xi32, #tpu.memory_space<vmem>>) semaphore(%arg21 : memref<!tpu.dma_semaphore, #tpu.memory_space<semaphore_mem>>)
      } else {
      }
      %eq3A_57 = arith.constant 1 : i32
      %eq3A_58 = arith.cmpi eq, %arg0, %eq3A_57 : i32
      %convert_element_type3A_59 = arith.extui %eq3A_58 : i1 to i32
      %cond3A_60 = arith.constant 0 : i32
      %cond3A_61 = arith.cmpi ne, %convert_element_type3A_59, %cond3A_60 : i32
      scf.if %cond3A_61 {
        %dma_start3A_74 = arith.constant 0 : i32
        %dma_start3A_75 = arith.constant 0 : i32
        %dma_start3A_76 = tpu.memref_slice %arg3[%dma_start3A_74, %dma_start3A_75] : memref<10240x128xf32, #tpu.memory_space<hbm>> -> memref<10240x128xf32, #tpu.memory_space<hbm>>
        tpu.enqueue_indirect_dma source(%dma_start3A_76 : memref<10240x128xf32, #tpu.memory_space<hbm>>) target(%arg16 : memref<128x128xf32, #tpu.memory_space<vmem>>) offsets(%arg12 : memref<128xi32, #tpu.memory_space<vmem>>) semaphore(%arg21 : memref<!tpu.dma_semaphore, #tpu.memory_space<semaphore_mem>>)
      } else {
      }
      %dma_wait3A_62 = arith.constant 0 : i32
      %dma_wait3A_63 = arith.constant 0 : i32
      %dma_wait3A_64 = tpu.memref_slice %arg2[%dma_wait3A_62, %dma_wait3A_63] : memref<10240x128xf32, #tpu.memory_space<hbm>> -> memref<10240x128xf32, #tpu.memory_space<hbm>>
      tpu.wait_indirect_dma semaphore(%arg20 : memref<!tpu.dma_semaphore, #tpu.memory_space<semaphore_mem>>) src(%dma_wait3A_64 : memref<10240x128xf32, #tpu.memory_space<hbm>>) dst(%arg15 : memref<128x128xf32, #tpu.memory_space<vmem>>)
      %dma_start3A_65 = arith.constant 0 : i32
      %dma_start3A_66 = arith.constant 0 : i32
      %dma_start3A_67 = tpu.memref_slice %arg17[%dma_start3A_65, %dma_start3A_66] : memref<10240x128xf32, #tpu.memory_space<vmem_shared>> -> memref<10240x128xf32, #tpu.memory_space<vmem_shared>>
      tpu.enqueue_indirect_dma source(%arg15 : memref<128x128xf32, #tpu.memory_space<vmem>>) target(%dma_start3A_67 : memref<10240x128xf32, #tpu.memory_space<vmem_shared>>) offsets(%arg13 : memref<128xi32, #tpu.memory_space<vmem>>) semaphore(%arg22 : memref<!tpu.dma_semaphore, #tpu.memory_space<semaphore_mem>>) {add = true}
      %dma_wait3A_68 = arith.constant 0 : i32
      %dma_wait3A_69 = arith.constant 0 : i32
      %dma_wait3A_70 = tpu.memref_slice %arg2[%dma_wait3A_68, %dma_wait3A_69] : memref<10240x128xf32, #tpu.memory_space<hbm>> -> memref<10240x128xf32, #tpu.memory_space<hbm>>
      tpu.wait_indirect_dma semaphore(%arg21 : memref<!tpu.dma_semaphore, #tpu.memory_space<semaphore_mem>>) src(%dma_wait3A_70 : memref<10240x128xf32, #tpu.memory_space<hbm>>) dst(%arg16 : memref<128x128xf32, #tpu.memory_space<vmem>>)
      %dma_start3A_71 = arith.constant 0 : i32
      %dma_start3A_72 = arith.constant 0 : i32
      %dma_start3A_73 = tpu.memref_slice %arg17[%dma_start3A_71, %dma_start3A_72] : memref<10240x128xf32, #tpu.memory_space<vmem_shared>> -> memref<10240x128xf32, #tpu.memory_space<vmem_shared>>
      tpu.enqueue_indirect_dma source(%arg16 : memref<128x128xf32, #tpu.memory_space<vmem>>) target(%dma_start3A_73 : memref<10240x128xf32, #tpu.memory_space<vmem_shared>>) offsets(%arg14 : memref<128xi32, #tpu.memory_space<vmem>>) semaphore(%arg23 : memref<!tpu.dma_semaphore, #tpu.memory_space<semaphore_mem>>) {add = true}
    }
    %scan3A_9 = arith.constant 79 : i32
    %dma_wait3A = arith.constant 0 : i32
    %dma_wait3A_10 = arith.constant 0 : i32
    %dma_wait3A_11 = tpu.memref_slice %arg17[%dma_wait3A, %dma_wait3A_10] : memref<10240x128xf32, #tpu.memory_space<vmem_shared>> -> memref<10240x128xf32, #tpu.memory_space<vmem_shared>>
    tpu.wait_indirect_dma semaphore(%arg22 : memref<!tpu.dma_semaphore, #tpu.memory_space<semaphore_mem>>) src(%arg15 : memref<128x128xf32, #tpu.memory_space<vmem>>) dst(%dma_wait3A_11 : memref<10240x128xf32, #tpu.memory_space<vmem_shared>>)
    %dma_wait3A_12 = arith.constant 0 : i32
    %dma_wait3A_13 = arith.constant 0 : i32
    %dma_wait3A_14 = tpu.memref_slice %arg17[%dma_wait3A_12, %dma_wait3A_13] : memref<10240x128xf32, #tpu.memory_space<vmem_shared>> -> memref<10240x128xf32, #tpu.memory_space<vmem_shared>>
    tpu.wait_indirect_dma semaphore(%arg23 : memref<!tpu.dma_semaphore, #tpu.memory_space<semaphore_mem>>) src(%arg16 : memref<128x128xf32, #tpu.memory_space<vmem>>) dst(%dma_wait3A_14 : memref<10240x128xf32, #tpu.memory_space<vmem_shared>>)
    %barrier3A_15 = arith.constant 0 : index
    tpu.barrier barrier_id(%barrier3A_15)
    %mul3A_16 = arith.constant 640 : i32
    %mul3A_17 = arith.muli %arg1, %mul3A_16 : i32
    "tpu.region"() ({
      %run_scoped3A = tpu.sem_alloc : memref<!tpu.dma_semaphore, #tpu.memory_space<semaphore_mem>>
      %dma_start3A = arith.constant 0 : i32
      %dma_start3A_18 = arith.constant 0 : i32
      %dma_start3A_19 = tpu.memref_slice %arg10[%add3A, %dma_start3A, %dma_start3A_18] : memref<32x640x128xf32, #tpu.memory_space<hbm>> -> memref<1x640x128xf32, #tpu.memory_space<hbm>>
      %dma_start3A_20 = tpu.memref_squeeze %dma_start3A_19 : memref<1x640x128xf32, #tpu.memory_space<hbm>> -> memref<640x128xf32, #tpu.memory_space<hbm>>
      %dma_start3A_21 = arith.constant 0 : i32
      %dma_start3A_22 = tpu.memref_slice %arg17[%mul3A_17, %dma_start3A_21] : memref<10240x128xf32, #tpu.memory_space<vmem_shared>> -> memref<640x128xf32, #tpu.memory_space<vmem_shared>>
      tpu.enqueue_dma source(%dma_start3A_22 : memref<640x128xf32, #tpu.memory_space<vmem_shared>>) target(%dma_start3A_20 : memref<640x128xf32, #tpu.memory_space<hbm>>) target_semaphore(%run_scoped3A : memref<!tpu.dma_semaphore, #tpu.memory_space<semaphore_mem>>)
      %dma_wait3A_23 = arith.constant 0 : i32
      %dma_wait3A_24 = arith.constant 0 : i32
      %dma_wait3A_25 = tpu.memref_slice %arg10[%add3A, %dma_wait3A_23, %dma_wait3A_24] : memref<32x640x128xf32, #tpu.memory_space<hbm>> -> memref<1x640x128xf32, #tpu.memory_space<hbm>>
      %dma_wait3A_26 = tpu.memref_squeeze %dma_wait3A_25 : memref<1x640x128xf32, #tpu.memory_space<hbm>> -> memref<640x128xf32, #tpu.memory_space<hbm>>
      %dma_wait3A_27 = arith.constant 0 : i32
      %dma_wait3A_28 = tpu.memref_slice %arg17[%mul3A_17, %dma_wait3A_27] : memref<10240x128xf32, #tpu.memory_space<vmem_shared>> -> memref<640x128xf32, #tpu.memory_space<vmem_shared>>
      tpu.wait_dma2 semaphore(%run_scoped3A : memref<!tpu.dma_semaphore, #tpu.memory_space<semaphore_mem>>) src(%dma_wait3A_28 : memref<640x128xf32, #tpu.memory_space<vmem_shared>>) dst(%dma_wait3A_26 : memref<640x128xf32, #tpu.memory_space<hbm>>)
      tpu.yield
    }) : () -> ()
    return
  }
}

#map = affine_map<(d0, d1) -> (0, 0)>
#map1 = affine_map<(d0, d1) -> (0)>
module attributes {stable_mosaic.version = 14 : i64} {
  func.func @k(%arg0: i32, %arg1: i32, %arg2: memref<30720x128xf32, #tpu.memory_space<hbm>>, %arg3: memref<196608xi32, #tpu.memory_space<hbm>>, %arg4: memref<196608x128xf32, #tpu.memory_space<hbm>>, %arg5: memref<128xi32, #tpu.memory_space<vmem>>, %arg6: memref<128xi32, #tpu.memory_space<vmem>>, %arg7: memref<128x128xf32, #tpu.memory_space<vmem>>, %arg8: memref<128x128xf32, #tpu.memory_space<vmem>>, %arg9: memref<!tpu.dma_semaphore, #tpu.memory_space<semaphore_mem>>, %arg10: memref<!tpu.dma_semaphore, #tpu.memory_space<semaphore_mem>>, %arg11: memref<!tpu.dma_semaphore, #tpu.memory_space<semaphore_mem>>, %arg12: memref<!tpu.dma_semaphore, #tpu.memory_space<semaphore_mem>>) attributes {dimension_semantics = [#tpu.dimension_semantics<core_parallel>, #tpu.dimension_semantics<subcore_parallel>], iteration_bounds = array<i64: 2, 16>, scalar_prefetch = 0 : i64, scratch_operands = 8 : i64, tpu.core_type = #tpu.core_type<sc_vector_subcore>, window_params = [{transform_indices = #map}, {transform_indices = #map1}, {transform_indices = #map}]} {
    %mul3A = arith.constant 16 : i32
    %mul3A_0 = arith.muli %arg0, %mul3A : i32
    %add3A = arith.addi %mul3A_0, %arg1 : i32
    %mul3A_1 = arith.constant 6144 : i32
    %mul3A_2 = arith.muli %add3A, %mul3A_1 : i32
    %scan3A = arith.constant 0 : i32
    %scan3A_3 = arith.constant 0 : i32
    %scan3A_4 = arith.constant 24 : i32
    %scan3A_5 = arith.addi %scan3A_3, %scan3A_4 : i32
    %scan3A_6 = arith.constant 1 : i32
    scf.for %scan3A_8 = %scan3A_3 to %scan3A_5 step %scan3A_6  : i32 {
      %mul3A_9 = arith.constant 2 : i32
      %mul3A_10 = arith.muli %mul3A_9, %scan3A_8 : i32
      %mul3A_11 = arith.constant 128 : i32
      %mul3A_12 = arith.muli %mul3A_10, %mul3A_11 : i32
      %add3A_13 = arith.addi %mul3A_2, %mul3A_12 : i32
      %add3A_14 = arith.constant 128 : i32
      %add3A_15 = arith.addi %add3A_13, %add3A_14 : i32
      %dma_start3A = tpu.memref_slice %arg3[%add3A_13] : memref<196608xi32, #tpu.memory_space<hbm>> -> memref<128xi32, #tpu.memory_space<hbm>>
      %dma_start3A_16 = tpu.memref_slice %arg3[%add3A_13] : memref<196608xi32, #tpu.memory_space<hbm>> -> memref<128xi32, #tpu.memory_space<hbm>>
      tpu.enqueue_dma source(%dma_start3A_16 : memref<128xi32, #tpu.memory_space<hbm>>) target(%arg5 : memref<128xi32, #tpu.memory_space<vmem>>) target_semaphore(%arg9 : memref<!tpu.dma_semaphore, #tpu.memory_space<semaphore_mem>>)
      %dma_start3A_17 = tpu.memref_slice %arg3[%add3A_15] : memref<196608xi32, #tpu.memory_space<hbm>> -> memref<128xi32, #tpu.memory_space<hbm>>
      %dma_start3A_18 = tpu.memref_slice %arg3[%add3A_15] : memref<196608xi32, #tpu.memory_space<hbm>> -> memref<128xi32, #tpu.memory_space<hbm>>
      tpu.enqueue_dma source(%dma_start3A_18 : memref<128xi32, #tpu.memory_space<hbm>>) target(%arg6 : memref<128xi32, #tpu.memory_space<vmem>>) target_semaphore(%arg10 : memref<!tpu.dma_semaphore, #tpu.memory_space<semaphore_mem>>)
      %dma_wait3A = tpu.memref_slice %arg3[%add3A_13] : memref<196608xi32, #tpu.memory_space<hbm>> -> memref<128xi32, #tpu.memory_space<hbm>>
      %dma_wait3A_19 = tpu.memref_slice %arg3[%add3A_13] : memref<196608xi32, #tpu.memory_space<hbm>> -> memref<128xi32, #tpu.memory_space<hbm>>
      tpu.wait_dma2 semaphore(%arg9 : memref<!tpu.dma_semaphore, #tpu.memory_space<semaphore_mem>>) src(%dma_wait3A_19 : memref<128xi32, #tpu.memory_space<hbm>>) dst(%arg5 : memref<128xi32, #tpu.memory_space<vmem>>)
      %dma_start3A_20 = arith.constant 0 : i32
      %dma_start3A_21 = arith.constant 0 : i32
      %dma_start3A_22 = tpu.memref_slice %arg2[%dma_start3A_20, %dma_start3A_21] : memref<30720x128xf32, #tpu.memory_space<hbm>> -> memref<30720x128xf32, #tpu.memory_space<hbm>>
      tpu.enqueue_indirect_dma source(%dma_start3A_22 : memref<30720x128xf32, #tpu.memory_space<hbm>>) target(%arg7 : memref<128x128xf32, #tpu.memory_space<vmem>>) offsets(%arg5 : memref<128xi32, #tpu.memory_space<vmem>>) semaphore(%arg11 : memref<!tpu.dma_semaphore, #tpu.memory_space<semaphore_mem>>)
      %dma_wait3A_23 = tpu.memref_slice %arg3[%add3A_15] : memref<196608xi32, #tpu.memory_space<hbm>> -> memref<128xi32, #tpu.memory_space<hbm>>
      %dma_wait3A_24 = tpu.memref_slice %arg3[%add3A_15] : memref<196608xi32, #tpu.memory_space<hbm>> -> memref<128xi32, #tpu.memory_space<hbm>>
      tpu.wait_dma2 semaphore(%arg10 : memref<!tpu.dma_semaphore, #tpu.memory_space<semaphore_mem>>) src(%dma_wait3A_24 : memref<128xi32, #tpu.memory_space<hbm>>) dst(%arg6 : memref<128xi32, #tpu.memory_space<vmem>>)
      %dma_start3A_25 = arith.constant 0 : i32
      %dma_start3A_26 = arith.constant 0 : i32
      %dma_start3A_27 = tpu.memref_slice %arg2[%dma_start3A_25, %dma_start3A_26] : memref<30720x128xf32, #tpu.memory_space<hbm>> -> memref<30720x128xf32, #tpu.memory_space<hbm>>
      tpu.enqueue_indirect_dma source(%dma_start3A_27 : memref<30720x128xf32, #tpu.memory_space<hbm>>) target(%arg8 : memref<128x128xf32, #tpu.memory_space<vmem>>) offsets(%arg6 : memref<128xi32, #tpu.memory_space<vmem>>) semaphore(%arg12 : memref<!tpu.dma_semaphore, #tpu.memory_space<semaphore_mem>>)
      %dma_wait3A_28 = arith.constant 0 : i32
      %dma_wait3A_29 = arith.constant 0 : i32
      %dma_wait3A_30 = tpu.memref_slice %arg2[%dma_wait3A_28, %dma_wait3A_29] : memref<30720x128xf32, #tpu.memory_space<hbm>> -> memref<30720x128xf32, #tpu.memory_space<hbm>>
      tpu.wait_indirect_dma semaphore(%arg11 : memref<!tpu.dma_semaphore, #tpu.memory_space<semaphore_mem>>) src(%dma_wait3A_30 : memref<30720x128xf32, #tpu.memory_space<hbm>>) dst(%arg7 : memref<128x128xf32, #tpu.memory_space<vmem>>)
      "tpu.region"() ({
        %run_scoped3A = tpu.sem_alloc : memref<!tpu.dma_semaphore, #tpu.memory_space<semaphore_mem>>
        %dma_start3A_34 = arith.constant 0 : i32
        %dma_start3A_35 = tpu.memref_slice %arg4[%add3A_13, %dma_start3A_34] : memref<196608x128xf32, #tpu.memory_space<hbm>> -> memref<128x128xf32, #tpu.memory_space<hbm>>
        %dma_start3A_36 = arith.constant 0 : i32
        %dma_start3A_37 = tpu.memref_slice %arg4[%add3A_13, %dma_start3A_36] : memref<196608x128xf32, #tpu.memory_space<hbm>> -> memref<128x128xf32, #tpu.memory_space<hbm>>
        tpu.enqueue_dma source(%arg7 : memref<128x128xf32, #tpu.memory_space<vmem>>) target(%dma_start3A_37 : memref<128x128xf32, #tpu.memory_space<hbm>>) target_semaphore(%run_scoped3A : memref<!tpu.dma_semaphore, #tpu.memory_space<semaphore_mem>>)
        %dma_wait3A_38 = arith.constant 0 : i32
        %dma_wait3A_39 = tpu.memref_slice %arg4[%add3A_13, %dma_wait3A_38] : memref<196608x128xf32, #tpu.memory_space<hbm>> -> memref<128x128xf32, #tpu.memory_space<hbm>>
        %dma_wait3A_40 = arith.constant 0 : i32
        %dma_wait3A_41 = tpu.memref_slice %arg4[%add3A_13, %dma_wait3A_40] : memref<196608x128xf32, #tpu.memory_space<hbm>> -> memref<128x128xf32, #tpu.memory_space<hbm>>
        tpu.wait_dma2 semaphore(%run_scoped3A : memref<!tpu.dma_semaphore, #tpu.memory_space<semaphore_mem>>) src(%arg7 : memref<128x128xf32, #tpu.memory_space<vmem>>) dst(%dma_wait3A_41 : memref<128x128xf32, #tpu.memory_space<hbm>>)
        tpu.yield
      }) : () -> ()
      %dma_wait3A_31 = arith.constant 0 : i32
      %dma_wait3A_32 = arith.constant 0 : i32
      %dma_wait3A_33 = tpu.memref_slice %arg2[%dma_wait3A_31, %dma_wait3A_32] : memref<30720x128xf32, #tpu.memory_space<hbm>> -> memref<30720x128xf32, #tpu.memory_space<hbm>>
      tpu.wait_indirect_dma semaphore(%arg12 : memref<!tpu.dma_semaphore, #tpu.memory_space<semaphore_mem>>) src(%dma_wait3A_33 : memref<30720x128xf32, #tpu.memory_space<hbm>>) dst(%arg8 : memref<128x128xf32, #tpu.memory_space<vmem>>)
      "tpu.region"() ({
        %run_scoped3A = tpu.sem_alloc : memref<!tpu.dma_semaphore, #tpu.memory_space<semaphore_mem>>
        %dma_start3A_34 = arith.constant 0 : i32
        %dma_start3A_35 = tpu.memref_slice %arg4[%add3A_15, %dma_start3A_34] : memref<196608x128xf32, #tpu.memory_space<hbm>> -> memref<128x128xf32, #tpu.memory_space<hbm>>
        %dma_start3A_36 = arith.constant 0 : i32
        %dma_start3A_37 = tpu.memref_slice %arg4[%add3A_15, %dma_start3A_36] : memref<196608x128xf32, #tpu.memory_space<hbm>> -> memref<128x128xf32, #tpu.memory_space<hbm>>
        tpu.enqueue_dma source(%arg8 : memref<128x128xf32, #tpu.memory_space<vmem>>) target(%dma_start3A_37 : memref<128x128xf32, #tpu.memory_space<hbm>>) target_semaphore(%run_scoped3A : memref<!tpu.dma_semaphore, #tpu.memory_space<semaphore_mem>>)
        %dma_wait3A_38 = arith.constant 0 : i32
        %dma_wait3A_39 = tpu.memref_slice %arg4[%add3A_15, %dma_wait3A_38] : memref<196608x128xf32, #tpu.memory_space<hbm>> -> memref<128x128xf32, #tpu.memory_space<hbm>>
        %dma_wait3A_40 = arith.constant 0 : i32
        %dma_wait3A_41 = tpu.memref_slice %arg4[%add3A_15, %dma_wait3A_40] : memref<196608x128xf32, #tpu.memory_space<hbm>> -> memref<128x128xf32, #tpu.memory_space<hbm>>
        tpu.wait_dma2 semaphore(%run_scoped3A : memref<!tpu.dma_semaphore, #tpu.memory_space<semaphore_mem>>) src(%arg8 : memref<128x128xf32, #tpu.memory_space<vmem>>) dst(%dma_wait3A_41 : memref<128x128xf32, #tpu.memory_space<hbm>>)
        tpu.yield
      }) : () -> ()
    }
    %scan3A_7 = arith.constant 24 : i32
    return
  }
}

#map = affine_map<(d0, d1) -> (0, 0)>
#map1 = affine_map<(d0, d1) -> (0)>
#map2 = affine_map<(d0, d1) -> (0, 0, 0)>
module attributes {stable_mosaic.version = 14 : i64} {
  func.func @k(%arg0: i32, %arg1: i32, %arg2: memref<10240x128xf32, #tpu.memory_space<hbm>>, %arg3: memref<10240x128xf32, #tpu.memory_space<hbm>>, %arg4: memref<323584xi32, #tpu.memory_space<hbm>>, %arg5: memref<323584xi32, #tpu.memory_space<hbm>>, %arg6: memref<10240xi32, #tpu.memory_space<hbm>>, %arg7: memref<10240xi32, #tpu.memory_space<hbm>>, %arg8: memref<640x128xf32, #tpu.memory_space<hbm>>, %arg9: memref<640xi32, #tpu.memory_space<hbm>>, %arg10: memref<32x640x128xf32, #tpu.memory_space<hbm>>, %arg11: memref<32x640xi32, #tpu.memory_space<hbm>>, %arg12: memref<128xi32, #tpu.memory_space<vmem>>, %arg13: memref<128xi32, #tpu.memory_space<vmem>>, %arg14: memref<128xi32, #tpu.memory_space<vmem>>, %arg15: memref<128xi32, #tpu.memory_space<vmem>>, %arg16: memref<128x128xf32, #tpu.memory_space<vmem>>, %arg17: memref<128x128xf32, #tpu.memory_space<vmem>>, %arg18: memref<10240x128xf32, #tpu.memory_space<vmem_shared>>, %arg19: memref<!tpu.dma_semaphore, #tpu.memory_space<semaphore_mem>>, %arg20: memref<!tpu.dma_semaphore, #tpu.memory_space<semaphore_mem>>, %arg21: memref<!tpu.dma_semaphore, #tpu.memory_space<semaphore_mem>>, %arg22: memref<!tpu.dma_semaphore, #tpu.memory_space<semaphore_mem>>, %arg23: memref<!tpu.dma_semaphore, #tpu.memory_space<semaphore_mem>>, %arg24: memref<!tpu.dma_semaphore, #tpu.memory_space<semaphore_mem>>, %arg25: memref<128xi32, #tpu.memory_space<vmem>>, %arg26: memref<128xi32, #tpu.memory_space<vmem>>, %arg27: memref<!tpu.dma_semaphore, #tpu.memory_space<semaphore_mem>>, %arg28: memref<!tpu.dma_semaphore, #tpu.memory_space<semaphore_mem>>, %arg29: memref<!tpu.dma_semaphore, #tpu.memory_space<semaphore_mem>>, %arg30: memref<!tpu.dma_semaphore, #tpu.memory_space<semaphore_mem>>, %arg31: memref<10240xi32, #tpu.memory_space<vmem_shared>>) attributes {dimension_semantics = [#tpu.dimension_semantics<core_parallel>, #tpu.dimension_semantics<subcore_parallel>], iteration_bounds = array<i64: 2, 16>, scalar_prefetch = 0 : i64, scratch_operands = 20 : i64, tpu.core_type = #tpu.core_type<sc_vector_subcore>, window_params = [{transform_indices = #map}, {transform_indices = #map}, {transform_indices = #map1}, {transform_indices = #map1}, {transform_indices = #map1}, {transform_indices = #map1}, {transform_indices = #map}, {transform_indices = #map1}, {transform_indices = #map2}, {transform_indices = #map}]} {
    %mul3A = arith.constant 16 : i32
    %mul3A_0 = arith.muli %arg0, %mul3A : i32
    %add3A = arith.addi %mul3A_0, %arg1 : i32
    %mul3A_1 = arith.constant 640 : i32
    %mul3A_2 = arith.muli %arg1, %mul3A_1 : i32
    "tpu.region"() ({
      %run_scoped3A = tpu.sem_alloc : memref<!tpu.dma_semaphore, #tpu.memory_space<semaphore_mem>>
      %dma_start3A = arith.constant 0 : i32
      %dma_start3A_26 = tpu.memref_slice %arg18[%mul3A_2, %dma_start3A] : memref<10240x128xf32, #tpu.memory_space<vmem_shared>> -> memref<640x128xf32, #tpu.memory_space<vmem_shared>>
      tpu.enqueue_dma source(%arg8 : memref<640x128xf32, #tpu.memory_space<hbm>>) target(%dma_start3A_26 : memref<640x128xf32, #tpu.memory_space<vmem_shared>>) target_semaphore(%run_scoped3A : memref<!tpu.dma_semaphore, #tpu.memory_space<semaphore_mem>>)
      %dma_wait3A_27 = arith.constant 0 : i32
      %dma_wait3A_28 = tpu.memref_slice %arg18[%mul3A_2, %dma_wait3A_27] : memref<10240x128xf32, #tpu.memory_space<vmem_shared>> -> memref<640x128xf32, #tpu.memory_space<vmem_shared>>
      tpu.wait_dma2 semaphore(%run_scoped3A : memref<!tpu.dma_semaphore, #tpu.memory_space<semaphore_mem>>) src(%arg8 : memref<640x128xf32, #tpu.memory_space<hbm>>) dst(%dma_wait3A_28 : memref<640x128xf32, #tpu.memory_space<vmem_shared>>)
      tpu.yield
    }) : () -> ()
    %mul3A_3 = arith.constant 640 : i32
    %mul3A_4 = arith.muli %arg1, %mul3A_3 : i32
    "tpu.region"() ({
      %run_scoped3A = tpu.sem_alloc : memref<!tpu.dma_semaphore, #tpu.memory_space<semaphore_mem>>
      %dma_start3A = tpu.memref_slice %arg31[%mul3A_4] : memref<10240xi32, #tpu.memory_space<vmem_shared>> -> memref<640xi32, #tpu.memory_space<vmem_shared>>
      tpu.enqueue_dma source(%arg9 : memref<640xi32, #tpu.memory_space<hbm>>) target(%dma_start3A : memref<640xi32, #tpu.memory_space<vmem_shared>>) target_semaphore(%run_scoped3A : memref<!tpu.dma_semaphore, #tpu.memory_space<semaphore_mem>>)
      %dma_wait3A_26 = tpu.memref_slice %arg31[%mul3A_4] : memref<10240xi32, #tpu.memory_space<vmem_shared>> -> memref<640xi32, #tpu.memory_space<vmem_shared>>
      tpu.wait_dma2 semaphore(%run_scoped3A : memref<!tpu.dma_semaphore, #tpu.memory_space<semaphore_mem>>) src(%arg9 : memref<640xi32, #tpu.memory_space<hbm>>) dst(%dma_wait3A_26 : memref<640xi32, #tpu.memory_space<vmem_shared>>)
      tpu.yield
    }) : () -> ()
    %barrier3A = arith.constant 0 : index
    tpu.barrier barrier_id(%barrier3A)
    %mul3A_5 = arith.constant 20224 : i32
    %mul3A_6 = arith.muli %arg1, %mul3A_5 : i32
    %scan3A = arith.constant 0 : i32
    %scan3A_7 = arith.constant 0 : i32
    %scan3A_8 = arith.constant 79 : i32
    %scan3A_9 = arith.addi %scan3A_7, %scan3A_8 : i32
    %scan3A_10 = arith.constant 1 : i32
    scf.for %scan3A_26 = %scan3A_7 to %scan3A_9 step %scan3A_10  : i32 {
      %gt3A = arith.constant 0 : i32
      %gt3A_27 = arith.cmpi sgt, %scan3A_26, %gt3A : i32
      %convert_element_type3A = arith.extui %gt3A_27 : i1 to i32
      %cond3A = arith.constant 0 : i32
      %cond3A_28 = arith.cmpi ne, %convert_element_type3A, %cond3A : i32
      scf.if %cond3A_28 {
        %dma_wait3A_90 = arith.constant 0 : i32
        %dma_wait3A_91 = arith.constant 0 : i32
        %dma_wait3A_92 = tpu.memref_slice %arg18[%dma_wait3A_90, %dma_wait3A_91] : memref<10240x128xf32, #tpu.memory_space<vmem_shared>> -> memref<10240x128xf32, #tpu.memory_space<vmem_shared>>
        tpu.wait_indirect_dma semaphore(%arg23 : memref<!tpu.dma_semaphore, #tpu.memory_space<semaphore_mem>>) src(%arg16 : memref<128x128xf32, #tpu.memory_space<vmem>>) dst(%dma_wait3A_92 : memref<10240x128xf32, #tpu.memory_space<vmem_shared>>)
        %dma_wait3A_93 = arith.constant 0 : i32
        %dma_wait3A_94 = tpu.memref_slice %arg31[%dma_wait3A_93] : memref<10240xi32, #tpu.memory_space<vmem_shared>> -> memref<10240xi32, #tpu.memory_space<vmem_shared>>
        tpu.wait_indirect_dma semaphore(%arg29 : memref<!tpu.dma_semaphore, #tpu.memory_space<semaphore_mem>>) src(%arg25 : memref<128xi32, #tpu.memory_space<vmem>>) dst(%dma_wait3A_94 : memref<10240xi32, #tpu.memory_space<vmem_shared>>)
        %dma_wait3A_95 = arith.constant 0 : i32
        %dma_wait3A_96 = arith.constant 0 : i32
        %dma_wait3A_97 = tpu.memref_slice %arg18[%dma_wait3A_95, %dma_wait3A_96] : memref<10240x128xf32, #tpu.memory_space<vmem_shared>> -> memref<10240x128xf32, #tpu.memory_space<vmem_shared>>
        tpu.wait_indirect_dma semaphore(%arg24 : memref<!tpu.dma_semaphore, #tpu.memory_space<semaphore_mem>>) src(%arg17 : memref<128x128xf32, #tpu.memory_space<vmem>>) dst(%dma_wait3A_97 : memref<10240x128xf32, #tpu.memory_space<vmem_shared>>)
        %dma_wait3A_98 = arith.constant 0 : i32
        %dma_wait3A_99 = tpu.memref_slice %arg31[%dma_wait3A_98] : memref<10240xi32, #tpu.memory_space<vmem_shared>> -> memref<10240xi32, #tpu.memory_space<vmem_shared>>
        tpu.wait_indirect_dma semaphore(%arg30 : memref<!tpu.dma_semaphore, #tpu.memory_space<semaphore_mem>>) src(%arg26 : memref<128xi32, #tpu.memory_space<vmem>>) dst(%dma_wait3A_99 : memref<10240xi32, #tpu.memory_space<vmem_shared>>)
      } else {
      }
      %mul3A_29 = arith.constant 2 : i32
      %mul3A_30 = arith.muli %mul3A_29, %scan3A_26 : i32
      %mul3A_31 = arith.constant 128 : i32
      %mul3A_32 = arith.muli %mul3A_30, %mul3A_31 : i32
      %add3A_33 = arith.addi %mul3A_6, %mul3A_32 : i32
      %add3A_34 = arith.constant 128 : i32
      %add3A_35 = arith.addi %add3A_33, %add3A_34 : i32
      %dma_start3A = tpu.memref_slice %arg4[%add3A_33] : memref<323584xi32, #tpu.memory_space<hbm>> -> memref<128xi32, #tpu.memory_space<hbm>>
      %dma_start3A_36 = tpu.memref_slice %arg4[%add3A_33] : memref<323584xi32, #tpu.memory_space<hbm>> -> memref<128xi32, #tpu.memory_space<hbm>>
      tpu.enqueue_dma source(%dma_start3A_36 : memref<128xi32, #tpu.memory_space<hbm>>) target(%arg12 : memref<128xi32, #tpu.memory_space<vmem>>) target_semaphore(%arg19 : memref<!tpu.dma_semaphore, #tpu.memory_space<semaphore_mem>>)
      %dma_start3A_37 = tpu.memref_slice %arg5[%add3A_33] : memref<323584xi32, #tpu.memory_space<hbm>> -> memref<128xi32, #tpu.memory_space<hbm>>
      %dma_start3A_38 = tpu.memref_slice %arg5[%add3A_33] : memref<323584xi32, #tpu.memory_space<hbm>> -> memref<128xi32, #tpu.memory_space<hbm>>
      tpu.enqueue_dma source(%dma_start3A_38 : memref<128xi32, #tpu.memory_space<hbm>>) target(%arg14 : memref<128xi32, #tpu.memory_space<vmem>>) target_semaphore(%arg19 : memref<!tpu.dma_semaphore, #tpu.memory_space<semaphore_mem>>)
      %dma_start3A_39 = tpu.memref_slice %arg4[%add3A_35] : memref<323584xi32, #tpu.memory_space<hbm>> -> memref<128xi32, #tpu.memory_space<hbm>>
      %dma_start3A_40 = tpu.memref_slice %arg4[%add3A_35] : memref<323584xi32, #tpu.memory_space<hbm>> -> memref<128xi32, #tpu.memory_space<hbm>>
      tpu.enqueue_dma source(%dma_start3A_40 : memref<128xi32, #tpu.memory_space<hbm>>) target(%arg13 : memref<128xi32, #tpu.memory_space<vmem>>) target_semaphore(%arg20 : memref<!tpu.dma_semaphore, #tpu.memory_space<semaphore_mem>>)
      %dma_start3A_41 = tpu.memref_slice %arg5[%add3A_35] : memref<323584xi32, #tpu.memory_space<hbm>> -> memref<128xi32, #tpu.memory_space<hbm>>
      %dma_start3A_42 = tpu.memref_slice %arg5[%add3A_35] : memref<323584xi32, #tpu.memory_space<hbm>> -> memref<128xi32, #tpu.memory_space<hbm>>
      tpu.enqueue_dma source(%dma_start3A_42 : memref<128xi32, #tpu.memory_space<hbm>>) target(%arg15 : memref<128xi32, #tpu.memory_space<vmem>>) target_semaphore(%arg20 : memref<!tpu.dma_semaphore, #tpu.memory_space<semaphore_mem>>)
      %dma_wait3A_43 = tpu.memref_slice %arg4[%add3A_33] : memref<323584xi32, #tpu.memory_space<hbm>> -> memref<128xi32, #tpu.memory_space<hbm>>
      %dma_wait3A_44 = tpu.memref_slice %arg4[%add3A_33] : memref<323584xi32, #tpu.memory_space<hbm>> -> memref<128xi32, #tpu.memory_space<hbm>>
      tpu.wait_dma2 semaphore(%arg19 : memref<!tpu.dma_semaphore, #tpu.memory_space<semaphore_mem>>) src(%dma_wait3A_44 : memref<128xi32, #tpu.memory_space<hbm>>) dst(%arg12 : memref<128xi32, #tpu.memory_space<vmem>>)
      %dma_wait3A_45 = tpu.memref_slice %arg5[%add3A_33] : memref<323584xi32, #tpu.memory_space<hbm>> -> memref<128xi32, #tpu.memory_space<hbm>>
      %dma_wait3A_46 = tpu.memref_slice %arg5[%add3A_33] : memref<323584xi32, #tpu.memory_space<hbm>> -> memref<128xi32, #tpu.memory_space<hbm>>
      tpu.wait_dma2 semaphore(%arg19 : memref<!tpu.dma_semaphore, #tpu.memory_space<semaphore_mem>>) src(%dma_wait3A_46 : memref<128xi32, #tpu.memory_space<hbm>>) dst(%arg14 : memref<128xi32, #tpu.memory_space<vmem>>)
      %eq3A = arith.constant 0 : i32
      %eq3A_47 = arith.cmpi eq, %arg0, %eq3A : i32
      %convert_element_type3A_48 = arith.extui %eq3A_47 : i1 to i32
      %cond3A_49 = arith.constant 0 : i32
      %cond3A_50 = arith.cmpi ne, %convert_element_type3A_48, %cond3A_49 : i32
      scf.if %cond3A_50 {
        %dma_start3A_90 = arith.constant 0 : i32
        %dma_start3A_91 = arith.constant 0 : i32
        %dma_start3A_92 = tpu.memref_slice %arg2[%dma_start3A_90, %dma_start3A_91] : memref<10240x128xf32, #tpu.memory_space<hbm>> -> memref<10240x128xf32, #tpu.memory_space<hbm>>
        tpu.enqueue_indirect_dma source(%dma_start3A_92 : memref<10240x128xf32, #tpu.memory_space<hbm>>) target(%arg16 : memref<128x128xf32, #tpu.memory_space<vmem>>) offsets(%arg12 : memref<128xi32, #tpu.memory_space<vmem>>) semaphore(%arg21 : memref<!tpu.dma_semaphore, #tpu.memory_space<semaphore_mem>>)
        %dma_start3A_93 = arith.constant 0 : i32
        %dma_start3A_94 = tpu.memref_slice %arg6[%dma_start3A_93] : memref<10240xi32, #tpu.memory_space<hbm>> -> memref<10240xi32, #tpu.memory_space<hbm>>
        tpu.enqueue_indirect_dma source(%dma_start3A_94 : memref<10240xi32, #tpu.memory_space<hbm>>) target(%arg25 : memref<128xi32, #tpu.memory_space<vmem>>) offsets(%arg12 : memref<128xi32, #tpu.memory_space<vmem>>) semaphore(%arg27 : memref<!tpu.dma_semaphore, #tpu.memory_space<semaphore_mem>>)
      } else {
      }
      %eq3A_51 = arith.constant 1 : i32
      %eq3A_52 = arith.cmpi eq, %arg0, %eq3A_51 : i32
      %convert_element_type3A_53 = arith.extui %eq3A_52 : i1 to i32
      %cond3A_54 = arith.constant 0 : i32
      %cond3A_55 = arith.cmpi ne, %convert_element_type3A_53, %cond3A_54 : i32
      scf.if %cond3A_55 {
        %dma_start3A_90 = arith.constant 0 : i32
        %dma_start3A_91 = arith.constant 0 : i32
        %dma_start3A_92 = tpu.memref_slice %arg3[%dma_start3A_90, %dma_start3A_91] : memref<10240x128xf32, #tpu.memory_space<hbm>> -> memref<10240x128xf32, #tpu.memory_space<hbm>>
        tpu.enqueue_indirect_dma source(%dma_start3A_92 : memref<10240x128xf32, #tpu.memory_space<hbm>>) target(%arg16 : memref<128x128xf32, #tpu.memory_space<vmem>>) offsets(%arg12 : memref<128xi32, #tpu.memory_space<vmem>>) semaphore(%arg21 : memref<!tpu.dma_semaphore, #tpu.memory_space<semaphore_mem>>)
        %dma_start3A_93 = arith.constant 0 : i32
        %dma_start3A_94 = tpu.memref_slice %arg7[%dma_start3A_93] : memref<10240xi32, #tpu.memory_space<hbm>> -> memref<10240xi32, #tpu.memory_space<hbm>>
        tpu.enqueue_indirect_dma source(%dma_start3A_94 : memref<10240xi32, #tpu.memory_space<hbm>>) target(%arg25 : memref<128xi32, #tpu.memory_space<vmem>>) offsets(%arg12 : memref<128xi32, #tpu.memory_space<vmem>>) semaphore(%arg27 : memref<!tpu.dma_semaphore, #tpu.memory_space<semaphore_mem>>)
      } else {
      }
      %dma_wait3A_56 = tpu.memref_slice %arg4[%add3A_35] : memref<323584xi32, #tpu.memory_space<hbm>> -> memref<128xi32, #tpu.memory_space<hbm>>
      %dma_wait3A_57 = tpu.memref_slice %arg4[%add3A_35] : memref<323584xi32, #tpu.memory_space<hbm>> -> memref<128xi32, #tpu.memory_space<hbm>>
      tpu.wait_dma2 semaphore(%arg20 : memref<!tpu.dma_semaphore, #tpu.memory_space<semaphore_mem>>) src(%dma_wait3A_57 : memref<128xi32, #tpu.memory_space<hbm>>) dst(%arg13 : memref<128xi32, #tpu.memory_space<vmem>>)
      %dma_wait3A_58 = tpu.memref_slice %arg5[%add3A_35] : memref<323584xi32, #tpu.memory_space<hbm>> -> memref<128xi32, #tpu.memory_space<hbm>>
      %dma_wait3A_59 = tpu.memref_slice %arg5[%add3A_35] : memref<323584xi32, #tpu.memory_space<hbm>> -> memref<128xi32, #tpu.memory_space<hbm>>
      tpu.wait_dma2 semaphore(%arg20 : memref<!tpu.dma_semaphore, #tpu.memory_space<semaphore_mem>>) src(%dma_wait3A_59 : memref<128xi32, #tpu.memory_space<hbm>>) dst(%arg15 : memref<128xi32, #tpu.memory_space<vmem>>)
      %eq3A_60 = arith.constant 0 : i32
      %eq3A_61 = arith.cmpi eq, %arg0, %eq3A_60 : i32
      %convert_element_type3A_62 = arith.extui %eq3A_61 : i1 to i32
      %cond3A_63 = arith.constant 0 : i32
      %cond3A_64 = arith.cmpi ne, %convert_element_type3A_62, %cond3A_63 : i32
      scf.if %cond3A_64 {
        %dma_start3A_90 = arith.constant 0 : i32
        %dma_start3A_91 = arith.constant 0 : i32
        %dma_start3A_92 = tpu.memref_slice %arg2[%dma_start3A_90, %dma_start3A_91] : memref<10240x128xf32, #tpu.memory_space<hbm>> -> memref<10240x128xf32, #tpu.memory_space<hbm>>
        tpu.enqueue_indirect_dma source(%dma_start3A_92 : memref<10240x128xf32, #tpu.memory_space<hbm>>) target(%arg17 : memref<128x128xf32, #tpu.memory_space<vmem>>) offsets(%arg13 : memref<128xi32, #tpu.memory_space<vmem>>) semaphore(%arg22 : memref<!tpu.dma_semaphore, #tpu.memory_space<semaphore_mem>>)
        %dma_start3A_93 = arith.constant 0 : i32
        %dma_start3A_94 = tpu.memref_slice %arg6[%dma_start3A_93] : memref<10240xi32, #tpu.memory_space<hbm>> -> memref<10240xi32, #tpu.memory_space<hbm>>
        tpu.enqueue_indirect_dma source(%dma_start3A_94 : memref<10240xi32, #tpu.memory_space<hbm>>) target(%arg26 : memref<128xi32, #tpu.memory_space<vmem>>) offsets(%arg13 : memref<128xi32, #tpu.memory_space<vmem>>) semaphore(%arg28 : memref<!tpu.dma_semaphore, #tpu.memory_space<semaphore_mem>>)
      } else {
      }
      %eq3A_65 = arith.constant 1 : i32
      %eq3A_66 = arith.cmpi eq, %arg0, %eq3A_65 : i32
      %convert_element_type3A_67 = arith.extui %eq3A_66 : i1 to i32
      %cond3A_68 = arith.constant 0 : i32
      %cond3A_69 = arith.cmpi ne, %convert_element_type3A_67, %cond3A_68 : i32
      scf.if %cond3A_69 {
        %dma_start3A_90 = arith.constant 0 : i32
        %dma_start3A_91 = arith.constant 0 : i32
        %dma_start3A_92 = tpu.memref_slice %arg3[%dma_start3A_90, %dma_start3A_91] : memref<10240x128xf32, #tpu.memory_space<hbm>> -> memref<10240x128xf32, #tpu.memory_space<hbm>>
        tpu.enqueue_indirect_dma source(%dma_start3A_92 : memref<10240x128xf32, #tpu.memory_space<hbm>>) target(%arg17 : memref<128x128xf32, #tpu.memory_space<vmem>>) offsets(%arg13 : memref<128xi32, #tpu.memory_space<vmem>>) semaphore(%arg22 : memref<!tpu.dma_semaphore, #tpu.memory_space<semaphore_mem>>)
        %dma_start3A_93 = arith.constant 0 : i32
        %dma_start3A_94 = tpu.memref_slice %arg7[%dma_start3A_93] : memref<10240xi32, #tpu.memory_space<hbm>> -> memref<10240xi32, #tpu.memory_space<hbm>>
        tpu.enqueue_indirect_dma source(%dma_start3A_94 : memref<10240xi32, #tpu.memory_space<hbm>>) target(%arg26 : memref<128xi32, #tpu.memory_space<vmem>>) offsets(%arg13 : memref<128xi32, #tpu.memory_space<vmem>>) semaphore(%arg28 : memref<!tpu.dma_semaphore, #tpu.memory_space<semaphore_mem>>)
      } else {
      }
      %dma_wait3A_70 = arith.constant 0 : i32
      %dma_wait3A_71 = arith.constant 0 : i32
      %dma_wait3A_72 = tpu.memref_slice %arg2[%dma_wait3A_70, %dma_wait3A_71] : memref<10240x128xf32, #tpu.memory_space<hbm>> -> memref<10240x128xf32, #tpu.memory_space<hbm>>
      tpu.wait_indirect_dma semaphore(%arg21 : memref<!tpu.dma_semaphore, #tpu.memory_space<semaphore_mem>>) src(%dma_wait3A_72 : memref<10240x128xf32, #tpu.memory_space<hbm>>) dst(%arg16 : memref<128x128xf32, #tpu.memory_space<vmem>>)
      %dma_start3A_73 = arith.constant 0 : i32
      %dma_start3A_74 = arith.constant 0 : i32
      %dma_start3A_75 = tpu.memref_slice %arg18[%dma_start3A_73, %dma_start3A_74] : memref<10240x128xf32, #tpu.memory_space<vmem_shared>> -> memref<10240x128xf32, #tpu.memory_space<vmem_shared>>
      tpu.enqueue_indirect_dma source(%arg16 : memref<128x128xf32, #tpu.memory_space<vmem>>) target(%dma_start3A_75 : memref<10240x128xf32, #tpu.memory_space<vmem_shared>>) offsets(%arg14 : memref<128xi32, #tpu.memory_space<vmem>>) semaphore(%arg23 : memref<!tpu.dma_semaphore, #tpu.memory_space<semaphore_mem>>) {add = true}
      %dma_wait3A_76 = arith.constant 0 : i32
      %dma_wait3A_77 = tpu.memref_slice %arg6[%dma_wait3A_76] : memref<10240xi32, #tpu.memory_space<hbm>> -> memref<10240xi32, #tpu.memory_space<hbm>>
      tpu.wait_indirect_dma semaphore(%arg27 : memref<!tpu.dma_semaphore, #tpu.memory_space<semaphore_mem>>) src(%dma_wait3A_77 : memref<10240xi32, #tpu.memory_space<hbm>>) dst(%arg25 : memref<128xi32, #tpu.memory_space<vmem>>)
      %dma_start3A_78 = arith.constant 0 : i32
      %dma_start3A_79 = tpu.memref_slice %arg31[%dma_start3A_78] : memref<10240xi32, #tpu.memory_space<vmem_shared>> -> memref<10240xi32, #tpu.memory_space<vmem_shared>>
      tpu.enqueue_indirect_dma source(%arg25 : memref<128xi32, #tpu.memory_space<vmem>>) target(%dma_start3A_79 : memref<10240xi32, #tpu.memory_space<vmem_shared>>) offsets(%arg14 : memref<128xi32, #tpu.memory_space<vmem>>) semaphore(%arg29 : memref<!tpu.dma_semaphore, #tpu.memory_space<semaphore_mem>>) {add = true}
      %dma_wait3A_80 = arith.constant 0 : i32
      %dma_wait3A_81 = arith.constant 0 : i32
      %dma_wait3A_82 = tpu.memref_slice %arg2[%dma_wait3A_80, %dma_wait3A_81] : memref<10240x128xf32, #tpu.memory_space<hbm>> -> memref<10240x128xf32, #tpu.memory_space<hbm>>
      tpu.wait_indirect_dma semaphore(%arg22 : memref<!tpu.dma_semaphore, #tpu.memory_space<semaphore_mem>>) src(%dma_wait3A_82 : memref<10240x128xf32, #tpu.memory_space<hbm>>) dst(%arg17 : memref<128x128xf32, #tpu.memory_space<vmem>>)
      %dma_start3A_83 = arith.constant 0 : i32
      %dma_start3A_84 = arith.constant 0 : i32
      %dma_start3A_85 = tpu.memref_slice %arg18[%dma_start3A_83, %dma_start3A_84] : memref<10240x128xf32, #tpu.memory_space<vmem_shared>> -> memref<10240x128xf32, #tpu.memory_space<vmem_shared>>
      tpu.enqueue_indirect_dma source(%arg17 : memref<128x128xf32, #tpu.memory_space<vmem>>) target(%dma_start3A_85 : memref<10240x128xf32, #tpu.memory_space<vmem_shared>>) offsets(%arg15 : memref<128xi32, #tpu.memory_space<vmem>>) semaphore(%arg24 : memref<!tpu.dma_semaphore, #tpu.memory_space<semaphore_mem>>) {add = true}
      %dma_wait3A_86 = arith.constant 0 : i32
      %dma_wait3A_87 = tpu.memref_slice %arg6[%dma_wait3A_86] : memref<10240xi32, #tpu.memory_space<hbm>> -> memref<10240xi32, #tpu.memory_space<hbm>>
      tpu.wait_indirect_dma semaphore(%arg28 : memref<!tpu.dma_semaphore, #tpu.memory_space<semaphore_mem>>) src(%dma_wait3A_87 : memref<10240xi32, #tpu.memory_space<hbm>>) dst(%arg26 : memref<128xi32, #tpu.memory_space<vmem>>)
      %dma_start3A_88 = arith.constant 0 : i32
      %dma_start3A_89 = tpu.memref_slice %arg31[%dma_start3A_88] : memref<10240xi32, #tpu.memory_space<vmem_shared>> -> memref<10240xi32, #tpu.memory_space<vmem_shared>>
      tpu.enqueue_indirect_dma source(%arg26 : memref<128xi32, #tpu.memory_space<vmem>>) target(%dma_start3A_89 : memref<10240xi32, #tpu.memory_space<vmem_shared>>) offsets(%arg15 : memref<128xi32, #tpu.memory_space<vmem>>) semaphore(%arg30 : memref<!tpu.dma_semaphore, #tpu.memory_space<semaphore_mem>>) {add = true}
    }
    %scan3A_11 = arith.constant 79 : i32
    %dma_wait3A = arith.constant 0 : i32
    %dma_wait3A_12 = arith.constant 0 : i32
    %dma_wait3A_13 = tpu.memref_slice %arg18[%dma_wait3A, %dma_wait3A_12] : memref<10240x128xf32, #tpu.memory_space<vmem_shared>> -> memref<10240x128xf32, #tpu.memory_space<vmem_shared>>
    tpu.wait_indirect_dma semaphore(%arg23 : memref<!tpu.dma_semaphore, #tpu.memory_space<semaphore_mem>>) src(%arg16 : memref<128x128xf32, #tpu.memory_space<vmem>>) dst(%dma_wait3A_13 : memref<10240x128xf32, #tpu.memory_space<vmem_shared>>)
    %dma_wait3A_14 = arith.constant 0 : i32
    %dma_wait3A_15 = tpu.memref_slice %arg31[%dma_wait3A_14] : memref<10240xi32, #tpu.memory_space<vmem_shared>> -> memref<10240xi32, #tpu.memory_space<vmem_shared>>
    tpu.wait_indirect_dma semaphore(%arg29 : memref<!tpu.dma_semaphore, #tpu.memory_space<semaphore_mem>>) src(%arg25 : memref<128xi32, #tpu.memory_space<vmem>>) dst(%dma_wait3A_15 : memref<10240xi32, #tpu.memory_space<vmem_shared>>)
    %dma_wait3A_16 = arith.constant 0 : i32
    %dma_wait3A_17 = arith.constant 0 : i32
    %dma_wait3A_18 = tpu.memref_slice %arg18[%dma_wait3A_16, %dma_wait3A_17] : memref<10240x128xf32, #tpu.memory_space<vmem_shared>> -> memref<10240x128xf32, #tpu.memory_space<vmem_shared>>
    tpu.wait_indirect_dma semaphore(%arg24 : memref<!tpu.dma_semaphore, #tpu.memory_space<semaphore_mem>>) src(%arg17 : memref<128x128xf32, #tpu.memory_space<vmem>>) dst(%dma_wait3A_18 : memref<10240x128xf32, #tpu.memory_space<vmem_shared>>)
    %dma_wait3A_19 = arith.constant 0 : i32
    %dma_wait3A_20 = tpu.memref_slice %arg31[%dma_wait3A_19] : memref<10240xi32, #tpu.memory_space<vmem_shared>> -> memref<10240xi32, #tpu.memory_space<vmem_shared>>
    tpu.wait_indirect_dma semaphore(%arg30 : memref<!tpu.dma_semaphore, #tpu.memory_space<semaphore_mem>>) src(%arg26 : memref<128xi32, #tpu.memory_space<vmem>>) dst(%dma_wait3A_20 : memref<10240xi32, #tpu.memory_space<vmem_shared>>)
    %barrier3A_21 = arith.constant 0 : index
    tpu.barrier barrier_id(%barrier3A_21)
    %mul3A_22 = arith.constant 640 : i32
    %mul3A_23 = arith.muli %arg1, %mul3A_22 : i32
    "tpu.region"() ({
      %run_scoped3A = tpu.sem_alloc : memref<!tpu.dma_semaphore, #tpu.memory_space<semaphore_mem>>
      %dma_start3A = arith.constant 0 : i32
      %dma_start3A_26 = arith.constant 0 : i32
      %dma_start3A_27 = tpu.memref_slice %arg10[%add3A, %dma_start3A, %dma_start3A_26] : memref<32x640x128xf32, #tpu.memory_space<hbm>> -> memref<1x640x128xf32, #tpu.memory_space<hbm>>
      %dma_start3A_28 = tpu.memref_squeeze %dma_start3A_27 : memref<1x640x128xf32, #tpu.memory_space<hbm>> -> memref<640x128xf32, #tpu.memory_space<hbm>>
      %dma_start3A_29 = arith.constant 0 : i32
      %dma_start3A_30 = tpu.memref_slice %arg18[%mul3A_23, %dma_start3A_29] : memref<10240x128xf32, #tpu.memory_space<vmem_shared>> -> memref<640x128xf32, #tpu.memory_space<vmem_shared>>
      tpu.enqueue_dma source(%dma_start3A_30 : memref<640x128xf32, #tpu.memory_space<vmem_shared>>) target(%dma_start3A_28 : memref<640x128xf32, #tpu.memory_space<hbm>>) target_semaphore(%run_scoped3A : memref<!tpu.dma_semaphore, #tpu.memory_space<semaphore_mem>>)
      %dma_wait3A_31 = arith.constant 0 : i32
      %dma_wait3A_32 = arith.constant 0 : i32
      %dma_wait3A_33 = tpu.memref_slice %arg10[%add3A, %dma_wait3A_31, %dma_wait3A_32] : memref<32x640x128xf32, #tpu.memory_space<hbm>> -> memref<1x640x128xf32, #tpu.memory_space<hbm>>
      %dma_wait3A_34 = tpu.memref_squeeze %dma_wait3A_33 : memref<1x640x128xf32, #tpu.memory_space<hbm>> -> memref<640x128xf32, #tpu.memory_space<hbm>>
      %dma_wait3A_35 = arith.constant 0 : i32
      %dma_wait3A_36 = tpu.memref_slice %arg18[%mul3A_23, %dma_wait3A_35] : memref<10240x128xf32, #tpu.memory_space<vmem_shared>> -> memref<640x128xf32, #tpu.memory_space<vmem_shared>>
      tpu.wait_dma2 semaphore(%run_scoped3A : memref<!tpu.dma_semaphore, #tpu.memory_space<semaphore_mem>>) src(%dma_wait3A_36 : memref<640x128xf32, #tpu.memory_space<vmem_shared>>) dst(%dma_wait3A_34 : memref<640x128xf32, #tpu.memory_space<hbm>>)
      tpu.yield
    }) : () -> ()
    %mul3A_24 = arith.constant 640 : i32
    %mul3A_25 = arith.muli %arg1, %mul3A_24 : i32
    "tpu.region"() ({
      %run_scoped3A = tpu.sem_alloc : memref<!tpu.dma_semaphore, #tpu.memory_space<semaphore_mem>>
      %dma_start3A = arith.constant 0 : i32
      %dma_start3A_26 = tpu.memref_slice %arg11[%add3A, %dma_start3A] : memref<32x640xi32, #tpu.memory_space<hbm>> -> memref<1x640xi32, #tpu.memory_space<hbm>>
      %dma_start3A_27 = tpu.memref_squeeze %dma_start3A_26 : memref<1x640xi32, #tpu.memory_space<hbm>> -> memref<640xi32, #tpu.memory_space<hbm>>
      %dma_start3A_28 = tpu.memref_slice %arg31[%mul3A_25] : memref<10240xi32, #tpu.memory_space<vmem_shared>> -> memref<640xi32, #tpu.memory_space<vmem_shared>>
      tpu.enqueue_dma source(%dma_start3A_28 : memref<640xi32, #tpu.memory_space<vmem_shared>>) target(%dma_start3A_27 : memref<640xi32, #tpu.memory_space<hbm>>) target_semaphore(%run_scoped3A : memref<!tpu.dma_semaphore, #tpu.memory_space<semaphore_mem>>)
      %dma_wait3A_29 = arith.constant 0 : i32
      %dma_wait3A_30 = tpu.memref_slice %arg11[%add3A, %dma_wait3A_29] : memref<32x640xi32, #tpu.memory_space<hbm>> -> memref<1x640xi32, #tpu.memory_space<hbm>>
      %dma_wait3A_31 = tpu.memref_squeeze %dma_wait3A_30 : memref<1x640xi32, #tpu.memory_space<hbm>> -> memref<640xi32, #tpu.memory_space<hbm>>
      %dma_wait3A_32 = tpu.memref_slice %arg31[%mul3A_25] : memref<10240xi32, #tpu.memory_space<vmem_shared>> -> memref<640xi32, #tpu.memory_space<vmem_shared>>
      tpu.wait_dma2 semaphore(%run_scoped3A : memref<!tpu.dma_semaphore, #tpu.memory_space<semaphore_mem>>) src(%dma_wait3A_32 : memref<640xi32, #tpu.memory_space<vmem_shared>>) dst(%dma_wait3A_31 : memref<640xi32, #tpu.memory_space<hbm>>)
      tpu.yield
    }) : () -> ()
    return
  }
}

module attributes {stable_mosaic.version = 14 : i64} {
  func.func @_mm_body(%arg0: i32, %arg1: memref<1024x128xf32, #tpu.memory_space<vmem>>, %arg2: memref<1024x128xf32, #tpu.memory_space<vmem>>, %arg3: memref<1024x128xf32, #tpu.memory_space<vmem>>, %arg4: memref<1024x16xf32, #tpu.memory_space<vmem>>, %arg5: memref<1024x16xf32, #tpu.memory_space<vmem>>, %arg6: memref<1024x16xf32, #tpu.memory_space<vmem>>, %arg7: memref<1024x16xf32, #tpu.memory_space<vmem>>, %arg8: memref<128x128xf32, #tpu.memory_space<vmem>>, %arg9: memref<128x128xf32, #tpu.memory_space<vmem>>, %arg10: memref<1x128xf32, #tpu.memory_space<vmem>>, %arg11: memref<1024x128xf32, #tpu.memory_space<vmem>>, %arg12: memref<1024x128xf32, #tpu.memory_space<vmem>>, %arg13: memref<1024x128xf32, #tpu.memory_space<vmem>>) attributes {dimension_semantics = [#tpu.dimension_semantics<arbitrary>], iteration_bounds = array<i64: 10>, scalar_prefetch = 0 : i64, scratch_operands = 0 : i64, tpu.core_type = #tpu.core_type<tc>, window_params = [{transform_indices = @transform_0, window_bounds = array<i64: 1024, 128>}, {transform_indices = @transform_1, window_bounds = array<i64: 1024, 128>}, {transform_indices = @transform_2, window_bounds = array<i64: 1024, 128>}, {transform_indices = @transform_3, window_bounds = array<i64: 1024, 16>}, {transform_indices = @transform_4, window_bounds = array<i64: 1024, 16>}, {transform_indices = @transform_5, window_bounds = array<i64: 1024, 16>}, {transform_indices = @transform_6, window_bounds = array<i64: 1024, 16>}, {pipeline_mode = #tpu.pipeline_mode<synchronous>, transform_indices = @transform_7, window_bounds = array<i64: 128, 128>}, {pipeline_mode = #tpu.pipeline_mode<synchronous>, transform_indices = @transform_8, window_bounds = array<i64: 128, 128>}, {pipeline_mode = #tpu.pipeline_mode<synchronous>, transform_indices = @transform_9, window_bounds = array<i64: 1, 128>}, {transform_indices = @transform_10, window_bounds = array<i64: 1024, 128>}, {transform_indices = @transform_11, window_bounds = array<i64: 1024, 128>}, {transform_indices = @transform_12, window_bounds = array<i64: 1024, 128>}]} {
    %get3A = arith.constant 0 : index
    %get3A_0 = arith.constant 0 : index
    %get3A_1 = vector.load %arg1[%get3A, %get3A_0] : memref<1024x128xf32, #tpu.memory_space<vmem>>, vector<1024x128xf32>
    %get3A_2 = arith.constant 0 : index
    %get3A_3 = arith.constant 0 : index
    %get3A_4 = vector.load %arg8[%get3A_2, %get3A_3] : memref<128x128xf32, #tpu.memory_space<vmem>>, vector<128x128xf32>
    %get3A_5 = arith.constant 0 : index
    %get3A_6 = arith.constant 0 : index
    %get3A_7 = vector.load %arg9[%get3A_5, %get3A_6] : memref<128x128xf32, #tpu.memory_space<vmem>>, vector<128x128xf32>
    %get3A_8 = arith.constant 0 : index
    %get3A_9 = arith.constant 0 : index
    %get3A_10 = vector.load %arg10[%get3A_8, %get3A_9] : memref<1x128xf32, #tpu.memory_space<vmem>>, vector<1x128xf32>
    %dot_general3A = arith.constant dense<0.000000e+00> : vector<1024x128xf32>
    %dot_general3A_11 = tpu.matmul %get3A_1, %get3A_4, %dot_general3A {dimension_numbers = #tpu.dot_dimension_numbers<[1], [1], [0], [0], [0, 0, 1, 0], [], []>, transpose_lhs_hint = false} : vector<1024x128xf32>, vector<128x128xf32>, vector<1024x128xf32> -> vector<1024x128xf32>
    %get3A_12 = arith.constant 0 : index
    %get3A_13 = arith.constant 0 : index
    %get3A_14 = vector.load %arg2[%get3A_12, %get3A_13] : memref<1024x128xf32, #tpu.memory_space<vmem>>, vector<1024x128xf32>
    %get3A_15 = arith.constant 0 : index
    %get3A_16 = arith.constant 0 : index
    %get3A_17 = vector.load %arg4[%get3A_15, %get3A_16] : memref<1024x16xf32, #tpu.memory_space<vmem>>, vector<1024x16xf32>
    %slice3A = vector.extract_strided_slice %get3A_17 {offsets = [0, 0], sizes = [1024, 1], strides = [1, 1]} : vector<1024x16xf32> to vector<1024x1xf32>
    %max3A = arith.constant 1.000000e+00 : f32
    %max3A_18 = vector.broadcast %max3A : f32 to vector<1024x1xf32>
    %max3A_19 = arith.maximumf %slice3A, %max3A_18 : vector<1024x1xf32>
    %div3A = vector.broadcast %max3A_19 : vector<1024x1xf32> to vector<1024x128xf32>
    %div3A_20 = arith.divf %get3A_14, %div3A : vector<1024x128xf32>
    %get3A_21 = arith.constant 0 : index
    %get3A_22 = arith.constant 0 : index
    %get3A_23 = vector.load %arg3[%get3A_21, %get3A_22] : memref<1024x128xf32, #tpu.memory_space<vmem>>, vector<1024x128xf32>
    %get3A_24 = arith.constant 0 : index
    %get3A_25 = arith.constant 0 : index
    %get3A_26 = vector.load %arg5[%get3A_24, %get3A_25] : memref<1024x16xf32, #tpu.memory_space<vmem>>, vector<1024x16xf32>
    %slice3A_27 = vector.extract_strided_slice %get3A_26 {offsets = [0, 0], sizes = [1024, 1], strides = [1, 1]} : vector<1024x16xf32> to vector<1024x1xf32>
    %max3A_28 = arith.constant 1.000000e+00 : f32
    %max3A_29 = vector.broadcast %max3A_28 : f32 to vector<1024x1xf32>
    %max3A_30 = arith.maximumf %slice3A_27, %max3A_29 : vector<1024x1xf32>
    %div3A_31 = vector.broadcast %max3A_30 : vector<1024x1xf32> to vector<1024x128xf32>
    %div3A_32 = arith.divf %get3A_23, %div3A_31 : vector<1024x128xf32>
    %dot_general3A_33 = arith.constant dense<0.000000e+00> : vector<1024x128xf32>
    %dot_general3A_34 = tpu.matmul %div3A_20, %get3A_7, %dot_general3A_33 {dimension_numbers = #tpu.dot_dimension_numbers<[1], [1], [0], [0], [0, 0, 1, 0], [], []>, transpose_lhs_hint = false} : vector<1024x128xf32>, vector<128x128xf32>, vector<1024x128xf32> -> vector<1024x128xf32>
    %dot_general3A_35 = arith.constant dense<0.000000e+00> : vector<1024x128xf32>
    %dot_general3A_36 = tpu.matmul %div3A_32, %get3A_7, %dot_general3A_35 {dimension_numbers = #tpu.dot_dimension_numbers<[1], [1], [0], [0], [0, 0, 1, 0], [], []>, transpose_lhs_hint = false} : vector<1024x128xf32>, vector<128x128xf32>, vector<1024x128xf32> -> vector<1024x128xf32>
    %add3A = arith.addf %dot_general3A_11, %dot_general3A_34 : vector<1024x128xf32>
    %add3A_37 = vector.broadcast %get3A_10 : vector<1x128xf32> to vector<1024x128xf32>
    %add3A_38 = arith.addf %add3A, %add3A_37 : vector<1024x128xf32>
    %max3A_39 = arith.constant 0.000000e+00 : f32
    %max3A_40 = vector.broadcast %max3A_39 : f32 to vector<1024x128xf32>
    %max3A_41 = arith.maximumf %add3A_38, %max3A_40 : vector<1024x128xf32>
    %get3A_42 = arith.constant 0 : index
    %get3A_43 = arith.constant 0 : index
    %get3A_44 = vector.load %arg6[%get3A_42, %get3A_43] : memref<1024x16xf32, #tpu.memory_space<vmem>>, vector<1024x16xf32>
    %slice3A_45 = vector.extract_strided_slice %get3A_44 {offsets = [0, 0], sizes = [1024, 1], strides = [1, 1]} : vector<1024x16xf32> to vector<1024x1xf32>
    %mul3A = vector.broadcast %slice3A_45 : vector<1024x1xf32> to vector<1024x128xf32>
    %mul3A_46 = arith.mulf %max3A_41, %mul3A : vector<1024x128xf32>
    %swap3A = arith.constant 0 : index
    %swap3A_47 = arith.constant 0 : index
    %swap3A_48 = vector.load %arg11[%swap3A, %swap3A_47] : memref<1024x128xf32, #tpu.memory_space<vmem>>, vector<1024x128xf32>
    tpu.vector_store %arg11[%swap3A, %swap3A_47], %mul3A_46 {strides = array<i32>} : memref<1024x128xf32, #tpu.memory_space<vmem>>, vector<1024x128xf32>,
    %add3A_49 = arith.addf %dot_general3A_11, %dot_general3A_36 : vector<1024x128xf32>
    %add3A_50 = vector.broadcast %get3A_10 : vector<1x128xf32> to vector<1024x128xf32>
    %add3A_51 = arith.addf %add3A_49, %add3A_50 : vector<1024x128xf32>
    %max3A_52 = arith.constant 0.000000e+00 : f32
    %max3A_53 = vector.broadcast %max3A_52 : f32 to vector<1024x128xf32>
    %max3A_54 = arith.maximumf %add3A_51, %max3A_53 : vector<1024x128xf32>
    %get3A_55 = arith.constant 0 : index
    %get3A_56 = arith.constant 0 : index
    %get3A_57 = vector.load %arg7[%get3A_55, %get3A_56] : memref<1024x16xf32, #tpu.memory_space<vmem>>, vector<1024x16xf32>
    %slice3A_58 = vector.extract_strided_slice %get3A_57 {offsets = [0, 0], sizes = [1024, 1], strides = [1, 1]} : vector<1024x16xf32> to vector<1024x1xf32>
    %mul3A_59 = vector.broadcast %slice3A_58 : vector<1024x1xf32> to vector<1024x128xf32>
    %mul3A_60 = arith.mulf %max3A_54, %mul3A_59 : vector<1024x128xf32>
    %swap3A_61 = arith.constant 0 : index
    %swap3A_62 = arith.constant 0 : index
    %swap3A_63 = vector.load %arg12[%swap3A_61, %swap3A_62] : memref<1024x128xf32, #tpu.memory_space<vmem>>, vector<1024x128xf32>
    tpu.vector_store %arg12[%swap3A_61, %swap3A_62], %mul3A_60 {strides = array<i32>} : memref<1024x128xf32, #tpu.memory_space<vmem>>, vector<1024x128xf32>,
    %add3A_64 = vector.broadcast %get3A_10 : vector<1x128xf32> to vector<1024x128xf32>
    %add3A_65 = arith.addf %dot_general3A_11, %add3A_64 : vector<1024x128xf32>
    %max3A_66 = arith.constant 0.000000e+00 : f32
    %max3A_67 = vector.broadcast %max3A_66 : f32 to vector<1024x128xf32>
    %max3A_68 = arith.maximumf %add3A_65, %max3A_67 : vector<1024x128xf32>
    %swap3A_69 = arith.constant 0 : index
    %swap3A_70 = arith.constant 0 : index
    %swap3A_71 = vector.load %arg13[%swap3A_69, %swap3A_70] : memref<1024x128xf32, #tpu.memory_space<vmem>>, vector<1024x128xf32>
    tpu.vector_store %arg13[%swap3A_69, %swap3A_70], %max3A_68 {strides = array<i32>} : memref<1024x128xf32, #tpu.memory_space<vmem>>, vector<1024x128xf32>,
    return
  }
  func.func @transform_0(%arg0: i32) -> (i32, i32) {
    %c0_i32 = arith.constant 0 : i32
    %c0_i32_0 = arith.constant 0 : i32
    return %arg0, %c0_i32 : i32, i32
  }
  func.func @transform_1(%arg0: i32) -> (i32, i32) {
    %c0_i32 = arith.constant 0 : i32
    %c0_i32_0 = arith.constant 0 : i32
    return %arg0, %c0_i32 : i32, i32
  }
  func.func @transform_2(%arg0: i32) -> (i32, i32) {
    %c0_i32 = arith.constant 0 : i32
    %c0_i32_0 = arith.constant 0 : i32
    return %arg0, %c0_i32 : i32, i32
  }
  func.func @transform_3(%arg0: i32) -> (i32, i32) {
    %c0_i32 = arith.constant 0 : i32
    %c0_i32_0 = arith.constant 0 : i32
    return %arg0, %c0_i32 : i32, i32
  }
  func.func @transform_4(%arg0: i32) -> (i32, i32) {
    %c0_i32 = arith.constant 0 : i32
    %c0_i32_0 = arith.constant 0 : i32
    return %arg0, %c0_i32 : i32, i32
  }
  func.func @transform_5(%arg0: i32) -> (i32, i32) {
    %c0_i32 = arith.constant 0 : i32
    %c0_i32_0 = arith.constant 0 : i32
    return %arg0, %c0_i32 : i32, i32
  }
  func.func @transform_6(%arg0: i32) -> (i32, i32) {
    %c0_i32 = arith.constant 0 : i32
    %c0_i32_0 = arith.constant 0 : i32
    return %arg0, %c0_i32 : i32, i32
  }
  func.func @transform_7(%arg0: i32) -> (i32, i32) {
    %c0_i32 = arith.constant 0 : i32
    %c0_i32_0 = arith.constant 0 : i32
    %c0_i32_1 = arith.constant 0 : i32
    return %c0_i32, %c0_i32_0 : i32, i32
  }
  func.func @transform_8(%arg0: i32) -> (i32, i32) {
    %c0_i32 = arith.constant 0 : i32
    %c0_i32_0 = arith.constant 0 : i32
    %c0_i32_1 = arith.constant 0 : i32
    return %c0_i32, %c0_i32_0 : i32, i32
  }
  func.func @transform_9(%arg0: i32) -> (i32, i32) {
    %c0_i32 = arith.constant 0 : i32
    %c0_i32_0 = arith.constant 0 : i32
    %c0_i32_1 = arith.constant 0 : i32
    return %c0_i32, %c0_i32_0 : i32, i32
  }
  func.func @transform_10(%arg0: i32) -> (i32, i32) {
    %c0_i32 = arith.constant 0 : i32
    %c0_i32_0 = arith.constant 0 : i32
    return %arg0, %c0_i32 : i32, i32
  }
  func.func @transform_11(%arg0: i32) -> (i32, i32) {
    %c0_i32 = arith.constant 0 : i32
    %c0_i32_0 = arith.constant 0 : i32
    return %arg0, %c0_i32 : i32, i32
  }
  func.func @transform_12(%arg0: i32) -> (i32, i32) {
    %c0_i32 = arith.constant 0 : i32
    %c0_i32_0 = arith.constant 0 : i32
    return %arg0, %c0_i32 : i32, i32
  }
}

module attributes {stable_mosaic.version = 14 : i64} {
  func.func @_mm2_body(%arg0: i32, %arg1: memref<1024x128xf32, #tpu.memory_space<vmem>>, %arg2: memref<1024x128xf32, #tpu.memory_space<vmem>>, %arg3: memref<1024x128xf32, #tpu.memory_space<vmem>>, %arg4: memref<1024x128xf32, #tpu.memory_space<vmem>>, %arg5: memref<1024x128xf32, #tpu.memory_space<vmem>>, %arg6: memref<1024x16xf32, #tpu.memory_space<vmem>>, %arg7: memref<1024x16xf32, #tpu.memory_space<vmem>>, %arg8: memref<128x128xf32, #tpu.memory_space<vmem>>, %arg9: memref<128x128xf32, #tpu.memory_space<vmem>>, %arg10: memref<1x128xf32, #tpu.memory_space<vmem>>, %arg11: memref<1024x128xf32, #tpu.memory_space<vmem>>, %arg12: memref<1024x128xf32, #tpu.memory_space<vmem>>, %arg13: memref<1024x128xf32, #tpu.memory_space<vmem>>) attributes {dimension_semantics = [#tpu.dimension_semantics<arbitrary>], iteration_bounds = array<i64: 10>, scalar_prefetch = 0 : i64, scratch_operands = 0 : i64, tpu.core_type = #tpu.core_type<tc>, window_params = [{transform_indices = @transform_0, window_bounds = array<i64: 1024, 128>}, {transform_indices = @transform_1, window_bounds = array<i64: 1024, 128>}, {transform_indices = @transform_2, window_bounds = array<i64: 1024, 128>}, {transform_indices = @transform_3, window_bounds = array<i64: 1024, 128>}, {transform_indices = @transform_4, window_bounds = array<i64: 1024, 128>}, {transform_indices = @transform_5, window_bounds = array<i64: 1024, 16>}, {transform_indices = @transform_6, window_bounds = array<i64: 1024, 16>}, {pipeline_mode = #tpu.pipeline_mode<synchronous>, transform_indices = @transform_7, window_bounds = array<i64: 128, 128>}, {pipeline_mode = #tpu.pipeline_mode<synchronous>, transform_indices = @transform_8, window_bounds = array<i64: 128, 128>}, {pipeline_mode = #tpu.pipeline_mode<synchronous>, transform_indices = @transform_9, window_bounds = array<i64: 1, 128>}, {transform_indices = @transform_10, window_bounds = array<i64: 1024, 128>}, {transform_indices = @transform_11, window_bounds = array<i64: 1024, 128>}, {transform_indices = @transform_12, window_bounds = array<i64: 1024, 128>}]} {
    %get3A = arith.constant 0 : index
    %get3A_0 = arith.constant 0 : index
    %get3A_1 = vector.load %arg8[%get3A, %get3A_0] : memref<128x128xf32, #tpu.memory_space<vmem>>, vector<128x128xf32>
    %get3A_2 = arith.constant 0 : index
    %get3A_3 = arith.constant 0 : index
    %get3A_4 = vector.load %arg9[%get3A_2, %get3A_3] : memref<128x128xf32, #tpu.memory_space<vmem>>, vector<128x128xf32>
    %get3A_5 = arith.constant 0 : index
    %get3A_6 = arith.constant 0 : index
    %get3A_7 = vector.load %arg10[%get3A_5, %get3A_6] : memref<1x128xf32, #tpu.memory_space<vmem>>, vector<1x128xf32>
    %get3A_8 = arith.constant 0 : index
    %get3A_9 = arith.constant 0 : index
    %get3A_10 = vector.load %arg4[%get3A_8, %get3A_9] : memref<1024x128xf32, #tpu.memory_space<vmem>>, vector<1024x128xf32>
    %get3A_11 = arith.constant 0 : index
    %get3A_12 = arith.constant 0 : index
    %get3A_13 = vector.load %arg6[%get3A_11, %get3A_12] : memref<1024x16xf32, #tpu.memory_space<vmem>>, vector<1024x16xf32>
    %slice3A = vector.extract_strided_slice %get3A_13 {offsets = [0, 0], sizes = [1024, 1], strides = [1, 1]} : vector<1024x16xf32> to vector<1024x1xf32>
    %max3A = arith.constant 1.000000e+00 : f32
    %max3A_14 = vector.broadcast %max3A : f32 to vector<1024x1xf32>
    %max3A_15 = arith.maximumf %slice3A, %max3A_14 : vector<1024x1xf32>
    %div3A = vector.broadcast %max3A_15 : vector<1024x1xf32> to vector<1024x128xf32>
    %div3A_16 = arith.divf %get3A_10, %div3A : vector<1024x128xf32>
    %get3A_17 = arith.constant 0 : index
    %get3A_18 = arith.constant 0 : index
    %get3A_19 = vector.load %arg5[%get3A_17, %get3A_18] : memref<1024x128xf32, #tpu.memory_space<vmem>>, vector<1024x128xf32>
    %get3A_20 = arith.constant 0 : index
    %get3A_21 = arith.constant 0 : index
    %get3A_22 = vector.load %arg7[%get3A_20, %get3A_21] : memref<1024x16xf32, #tpu.memory_space<vmem>>, vector<1024x16xf32>
    %slice3A_23 = vector.extract_strided_slice %get3A_22 {offsets = [0, 0], sizes = [1024, 1], strides = [1, 1]} : vector<1024x16xf32> to vector<1024x1xf32>
    %max3A_24 = arith.constant 1.000000e+00 : f32
    %max3A_25 = vector.broadcast %max3A_24 : f32 to vector<1024x1xf32>
    %max3A_26 = arith.maximumf %slice3A_23, %max3A_25 : vector<1024x1xf32>
    %div3A_27 = vector.broadcast %max3A_26 : vector<1024x1xf32> to vector<1024x128xf32>
    %div3A_28 = arith.divf %get3A_19, %div3A_27 : vector<1024x128xf32>
    %get3A_29 = arith.constant 0 : index
    %get3A_30 = arith.constant 0 : index
    %get3A_31 = vector.load %arg1[%get3A_29, %get3A_30] : memref<1024x128xf32, #tpu.memory_space<vmem>>, vector<1024x128xf32>
    %dot_general3A = arith.constant dense<0.000000e+00> : vector<1024x128xf32>
    %dot_general3A_32 = tpu.matmul %get3A_31, %get3A_1, %dot_general3A {dimension_numbers = #tpu.dot_dimension_numbers<[1], [1], [0], [0], [0, 0, 1, 0], [], []>, transpose_lhs_hint = false} : vector<1024x128xf32>, vector<128x128xf32>, vector<1024x128xf32> -> vector<1024x128xf32>
    %dot_general3A_33 = arith.constant dense<0.000000e+00> : vector<1024x128xf32>
    %dot_general3A_34 = tpu.matmul %div3A_16, %get3A_4, %dot_general3A_33 {dimension_numbers = #tpu.dot_dimension_numbers<[1], [1], [0], [0], [0, 0, 1, 0], [], []>, transpose_lhs_hint = false} : vector<1024x128xf32>, vector<128x128xf32>, vector<1024x128xf32> -> vector<1024x128xf32>
    %add3A = arith.addf %dot_general3A_32, %dot_general3A_34 : vector<1024x128xf32>
    %add3A_35 = vector.broadcast %get3A_7 : vector<1x128xf32> to vector<1024x128xf32>
    %add3A_36 = arith.addf %add3A, %add3A_35 : vector<1024x128xf32>
    %max3A_37 = arith.constant 0.000000e+00 : f32
    %max3A_38 = vector.broadcast %max3A_37 : f32 to vector<1024x128xf32>
    %max3A_39 = arith.maximumf %add3A_36, %max3A_38 : vector<1024x128xf32>
    %swap3A = arith.constant 0 : index
    %swap3A_40 = arith.constant 0 : index
    %swap3A_41 = vector.load %arg11[%swap3A, %swap3A_40] : memref<1024x128xf32, #tpu.memory_space<vmem>>, vector<1024x128xf32>
    tpu.vector_store %arg11[%swap3A, %swap3A_40], %max3A_39 {strides = array<i32>} : memref<1024x128xf32, #tpu.memory_space<vmem>>, vector<1024x128xf32>,
    %get3A_42 = arith.constant 0 : index
    %get3A_43 = arith.constant 0 : index
    %get3A_44 = vector.load %arg2[%get3A_42, %get3A_43] : memref<1024x128xf32, #tpu.memory_space<vmem>>, vector<1024x128xf32>
    %dot_general3A_45 = arith.constant dense<0.000000e+00> : vector<1024x128xf32>
    %dot_general3A_46 = tpu.matmul %get3A_44, %get3A_1, %dot_general3A_45 {dimension_numbers = #tpu.dot_dimension_numbers<[1], [1], [0], [0], [0, 0, 1, 0], [], []>, transpose_lhs_hint = false} : vector<1024x128xf32>, vector<128x128xf32>, vector<1024x128xf32> -> vector<1024x128xf32>
    %dot_general3A_47 = arith.constant dense<0.000000e+00> : vector<1024x128xf32>
    %dot_general3A_48 = tpu.matmul %div3A_28, %get3A_4, %dot_general3A_47 {dimension_numbers = #tpu.dot_dimension_numbers<[1], [1], [0], [0], [0, 0, 1, 0], [], []>, transpose_lhs_hint = false} : vector<1024x128xf32>, vector<128x128xf32>, vector<1024x128xf32> -> vector<1024x128xf32>
    %add3A_49 = arith.addf %dot_general3A_46, %dot_general3A_48 : vector<1024x128xf32>
    %add3A_50 = vector.broadcast %get3A_7 : vector<1x128xf32> to vector<1024x128xf32>
    %add3A_51 = arith.addf %add3A_49, %add3A_50 : vector<1024x128xf32>
    %max3A_52 = arith.constant 0.000000e+00 : f32
    %max3A_53 = vector.broadcast %max3A_52 : f32 to vector<1024x128xf32>
    %max3A_54 = arith.maximumf %add3A_51, %max3A_53 : vector<1024x128xf32>
    %swap3A_55 = arith.constant 0 : index
    %swap3A_56 = arith.constant 0 : index
    %swap3A_57 = vector.load %arg12[%swap3A_55, %swap3A_56] : memref<1024x128xf32, #tpu.memory_space<vmem>>, vector<1024x128xf32>
    tpu.vector_store %arg12[%swap3A_55, %swap3A_56], %max3A_54 {strides = array<i32>} : memref<1024x128xf32, #tpu.memory_space<vmem>>, vector<1024x128xf32>,
    %get3A_58 = arith.constant 0 : index
    %get3A_59 = arith.constant 0 : index
    %get3A_60 = vector.load %arg3[%get3A_58, %get3A_59] : memref<1024x128xf32, #tpu.memory_space<vmem>>, vector<1024x128xf32>
    %dot_general3A_61 = arith.constant dense<0.000000e+00> : vector<1024x128xf32>
    %dot_general3A_62 = tpu.matmul %get3A_60, %get3A_1, %dot_general3A_61 {dimension_numbers = #tpu.dot_dimension_numbers<[1], [1], [0], [0], [0, 0, 1, 0], [], []>, transpose_lhs_hint = false} : vector<1024x128xf32>, vector<128x128xf32>, vector<1024x128xf32> -> vector<1024x128xf32>
    %add3A_63 = vector.broadcast %get3A_7 : vector<1x128xf32> to vector<1024x128xf32>
    %add3A_64 = arith.addf %dot_general3A_62, %add3A_63 : vector<1024x128xf32>
    %max3A_65 = arith.constant 0.000000e+00 : f32
    %max3A_66 = vector.broadcast %max3A_65 : f32 to vector<1024x128xf32>
    %max3A_67 = arith.maximumf %add3A_64, %max3A_66 : vector<1024x128xf32>
    %swap3A_68 = arith.constant 0 : index
    %swap3A_69 = arith.constant 0 : index
    %swap3A_70 = vector.load %arg13[%swap3A_68, %swap3A_69] : memref<1024x128xf32, #tpu.memory_space<vmem>>, vector<1024x128xf32>
    tpu.vector_store %arg13[%swap3A_68, %swap3A_69], %max3A_67 {strides = array<i32>} : memref<1024x128xf32, #tpu.memory_space<vmem>>, vector<1024x128xf32>,
    return
  }
  func.func @transform_0(%arg0: i32) -> (i32, i32) {
    %c0_i32 = arith.constant 0 : i32
    %c0_i32_0 = arith.constant 0 : i32
    return %arg0, %c0_i32 : i32, i32
  }
  func.func @transform_1(%arg0: i32) -> (i32, i32) {
    %c0_i32 = arith.constant 0 : i32
    %c0_i32_0 = arith.constant 0 : i32
    return %arg0, %c0_i32 : i32, i32
  }
  func.func @transform_2(%arg0: i32) -> (i32, i32) {
    %c0_i32 = arith.constant 0 : i32
    %c0_i32_0 = arith.constant 0 : i32
    return %arg0, %c0_i32 : i32, i32
  }
  func.func @transform_3(%arg0: i32) -> (i32, i32) {
    %c0_i32 = arith.constant 0 : i32
    %c0_i32_0 = arith.constant 0 : i32
    return %arg0, %c0_i32 : i32, i32
  }
  func.func @transform_4(%arg0: i32) -> (i32, i32) {
    %c0_i32 = arith.constant 0 : i32
    %c0_i32_0 = arith.constant 0 : i32
    return %arg0, %c0_i32 : i32, i32
  }
  func.func @transform_5(%arg0: i32) -> (i32, i32) {
    %c0_i32 = arith.constant 0 : i32
    %c0_i32_0 = arith.constant 0 : i32
    return %arg0, %c0_i32 : i32, i32
  }
  func.func @transform_6(%arg0: i32) -> (i32, i32) {
    %c0_i32 = arith.constant 0 : i32
    %c0_i32_0 = arith.constant 0 : i32
    return %arg0, %c0_i32 : i32, i32
  }
  func.func @transform_7(%arg0: i32) -> (i32, i32) {
    %c0_i32 = arith.constant 0 : i32
    %c0_i32_0 = arith.constant 0 : i32
    %c0_i32_1 = arith.constant 0 : i32
    return %c0_i32, %c0_i32_0 : i32, i32
  }
  func.func @transform_8(%arg0: i32) -> (i32, i32) {
    %c0_i32 = arith.constant 0 : i32
    %c0_i32_0 = arith.constant 0 : i32
    %c0_i32_1 = arith.constant 0 : i32
    return %c0_i32, %c0_i32_0 : i32, i32
  }
  func.func @transform_9(%arg0: i32) -> (i32, i32) {
    %c0_i32 = arith.constant 0 : i32
    %c0_i32_0 = arith.constant 0 : i32
    %c0_i32_1 = arith.constant 0 : i32
    return %c0_i32, %c0_i32_0 : i32, i32
  }
  func.func @transform_10(%arg0: i32) -> (i32, i32) {
    %c0_i32 = arith.constant 0 : i32
    %c0_i32_0 = arith.constant 0 : i32
    return %arg0, %c0_i32 : i32, i32
  }
  func.func @transform_11(%arg0: i32) -> (i32, i32) {
    %c0_i32 = arith.constant 0 : i32
    %c0_i32_0 = arith.constant 0 : i32
    return %arg0, %c0_i32 : i32, i32
  }
  func.func @transform_12(%arg0: i32) -> (i32, i32) {
    %c0_i32 = arith.constant 0 : i32
    %c0_i32_0 = arith.constant 0 : i32
    return %arg0, %c0_i32 : i32, i32
  }
}

module attributes {stable_mosaic.version = 14 : i64} {
  func.func @_sim_body(%arg0: i32, %arg1: memref<128x24x128xf32, #tpu.memory_space<vmem>>, %arg2: memref<128xf32, #tpu.memory_space<vmem>>) attributes {dimension_semantics = [#tpu.dimension_semantics<arbitrary>], iteration_bounds = array<i64: 64>, scalar_prefetch = 0 : i64, scratch_operands = 0 : i64, tpu.core_type = #tpu.core_type<tc>, window_params = [{transform_indices = @transform_0, window_bounds = array<i64: 128, 24, 128>}, {transform_indices = @transform_1, window_bounds = array<i64: 128>}]} {
    %get3A = arith.constant 0 : index
    %get3A_0 = arith.constant 0 : index
    %get3A_1 = arith.constant 0 : index
    %get3A_2 = vector.load %arg1[%get3A, %get3A_0, %get3A_1] : memref<128x24x128xf32, #tpu.memory_space<vmem>>, vector<128x24x128xf32>
    %slice3A = vector.extract_strided_slice %get3A_2 {offsets = [0, 0, 0], sizes = [128, 1, 128], strides = [1, 1, 1]} : vector<128x24x128xf32> to vector<128x1x128xf32>
    %squeeze3A = vector.shape_cast %slice3A : vector<128x1x128xf32> to vector<128x128xf32>
    %slice3A_3 = vector.extract_strided_slice %get3A_2 {offsets = [0, 1, 0], sizes = [128, 1, 128], strides = [1, 1, 1]} : vector<128x24x128xf32> to vector<128x1x128xf32>
    %squeeze3A_4 = vector.shape_cast %slice3A_3 : vector<128x1x128xf32> to vector<128x128xf32>
    %slice3A_5 = vector.extract_strided_slice %get3A_2 {offsets = [0, 2, 0], sizes = [128, 20, 128], strides = [1, 1, 1]} : vector<128x24x128xf32> to vector<128x20x128xf32>
    %mul3A = arith.mulf %squeeze3A, %squeeze3A : vector<128x128xf32>
    %reduce_sum3A = arith.constant dense<0.000000e+00> : vector<128xf32>
    %reduce_sum3A_6 = vector.multi_reduction <add>, %mul3A, %reduce_sum3A [1] : vector<128x128xf32> to vector<128xf32>
    %broadcast_in_dim3A = vector.shape_cast %reduce_sum3A_6 : vector<128xf32> to vector<128x1xf32>
    %mul3A_7 = arith.mulf %squeeze3A_4, %squeeze3A_4 : vector<128x128xf32>
    %reduce_sum3A_8 = arith.constant dense<0.000000e+00> : vector<128xf32>
    %reduce_sum3A_9 = vector.multi_reduction <add>, %mul3A_7, %reduce_sum3A_8 [1] : vector<128x128xf32> to vector<128xf32>
    %broadcast_in_dim3A_10 = vector.shape_cast %reduce_sum3A_9 : vector<128xf32> to vector<128x1xf32>
    %mul3A_11 = arith.mulf %squeeze3A, %squeeze3A_4 : vector<128x128xf32>
    %reduce_sum3A_12 = arith.constant dense<0.000000e+00> : vector<128xf32>
    %reduce_sum3A_13 = vector.multi_reduction <add>, %mul3A_11, %reduce_sum3A_12 [1] : vector<128x128xf32> to vector<128xf32>
    %broadcast_in_dim3A_14 = vector.shape_cast %reduce_sum3A_13 : vector<128xf32> to vector<128x1xf32>
    %mul3A_15 = arith.mulf %slice3A_5, %slice3A_5 : vector<128x20x128xf32>
    %reduce_sum3A_16 = arith.constant dense<0.000000e+00> : vector<128x20xf32>
    %reduce_sum3A_17 = vector.multi_reduction <add>, %mul3A_15, %reduce_sum3A_16 [2] : vector<128x20x128xf32> to vector<128x20xf32>
    %broadcast_in_dim3A_18 = vector.shape_cast %squeeze3A : vector<128x128xf32> to vector<128x1x128xf32>
    %mul3A_19 = vector.broadcast %broadcast_in_dim3A_18 : vector<128x1x128xf32> to vector<128x20x128xf32>
    %mul3A_20 = arith.mulf %mul3A_19, %slice3A_5 : vector<128x20x128xf32>
    %reduce_sum3A_21 = arith.constant dense<0.000000e+00> : vector<128x20xf32>
    %reduce_sum3A_22 = vector.multi_reduction <add>, %mul3A_20, %reduce_sum3A_21 [2] : vector<128x20x128xf32> to vector<128x20xf32>
    %broadcast_in_dim3A_23 = vector.shape_cast %squeeze3A_4 : vector<128x128xf32> to vector<128x1x128xf32>
    %mul3A_24 = vector.broadcast %broadcast_in_dim3A_23 : vector<128x1x128xf32> to vector<128x20x128xf32>
    %mul3A_25 = arith.mulf %mul3A_24, %slice3A_5 : vector<128x20x128xf32>
    %reduce_sum3A_26 = arith.constant dense<0.000000e+00> : vector<128x20xf32>
    %reduce_sum3A_27 = vector.multi_reduction <add>, %mul3A_25, %reduce_sum3A_26 [2] : vector<128x20x128xf32> to vector<128x20xf32>
    %sqrt3A = math.sqrt %broadcast_in_dim3A : vector<128x1xf32>
    %sqrt3A_28 = math.sqrt %broadcast_in_dim3A_10 : vector<128x1xf32>
    %mul3A_29 = arith.constant 2.000000e+00 : f32
    %mul3A_30 = vector.broadcast %mul3A_29 : f32 to vector<128x1xf32>
    %mul3A_31 = arith.mulf %mul3A_30, %broadcast_in_dim3A_14 : vector<128x1xf32>
    %add3A = arith.addf %broadcast_in_dim3A, %mul3A_31 : vector<128x1xf32>
    %add3A_32 = arith.addf %add3A, %broadcast_in_dim3A_10 : vector<128x1xf32>
    %sqrt3A_33 = math.sqrt %add3A_32 : vector<128x1xf32>
    %mul3A_34 = arith.constant 2.000000e+00 : f32
    %mul3A_35 = vector.broadcast %mul3A_34 : f32 to vector<128x20xf32>
    %mul3A_36 = arith.mulf %mul3A_35, %reduce_sum3A_27 : vector<128x20xf32>
    %add3A_37 = vector.broadcast %broadcast_in_dim3A_10 : vector<128x1xf32> to vector<128x20xf32>
    %add3A_38 = arith.addf %add3A_37, %mul3A_36 : vector<128x20xf32>
    %add3A_39 = arith.addf %add3A_38, %reduce_sum3A_17 : vector<128x20xf32>
    %sqrt3A_40 = math.sqrt %add3A_39 : vector<128x20xf32>
    %mul3A_41 = arith.constant 2.000000e+00 : f32
    %mul3A_42 = vector.broadcast %mul3A_41 : f32 to vector<128x20xf32>
    %mul3A_43 = arith.mulf %mul3A_42, %reduce_sum3A_22 : vector<128x20xf32>
    %add3A_44 = vector.broadcast %broadcast_in_dim3A : vector<128x1xf32> to vector<128x20xf32>
    %add3A_45 = arith.addf %add3A_44, %mul3A_43 : vector<128x20xf32>
    %add3A_46 = arith.addf %add3A_45, %reduce_sum3A_17 : vector<128x20xf32>
    %sqrt3A_47 = math.sqrt %add3A_46 : vector<128x20xf32>
    %sqrt3A_48 = math.sqrt %reduce_sum3A_17 : vector<128x20xf32>
    %add3A_49 = vector.broadcast %broadcast_in_dim3A_14 : vector<128x1xf32> to vector<128x20xf32>
    %add3A_50 = arith.addf %add3A_49, %reduce_sum3A_22 : vector<128x20xf32>
    %mul3A_51 = vector.broadcast %sqrt3A : vector<128x1xf32> to vector<128x20xf32>
    %mul3A_52 = arith.mulf %mul3A_51, %sqrt3A_40 : vector<128x20xf32>
    %div3A = arith.divf %add3A_50, %mul3A_52 : vector<128x20xf32>
    %reduce_sum3A_53 = arith.constant dense<0.000000e+00> : vector<128xf32>
    %reduce_sum3A_54 = vector.multi_reduction <add>, %div3A, %reduce_sum3A_53 [1] : vector<128x20xf32> to vector<128xf32>
    %add3A_55 = vector.broadcast %broadcast_in_dim3A_14 : vector<128x1xf32> to vector<128x20xf32>
    %add3A_56 = arith.addf %add3A_55, %reduce_sum3A_27 : vector<128x20xf32>
    %mul3A_57 = vector.broadcast %sqrt3A_28 : vector<128x1xf32> to vector<128x20xf32>
    %mul3A_58 = arith.mulf %mul3A_57, %sqrt3A_47 : vector<128x20xf32>
    %div3A_59 = arith.divf %add3A_56, %mul3A_58 : vector<128x20xf32>
    %reduce_sum3A_60 = arith.constant dense<0.000000e+00> : vector<128xf32>
    %reduce_sum3A_61 = vector.multi_reduction <add>, %div3A_59, %reduce_sum3A_60 [1] : vector<128x20xf32> to vector<128xf32>
    %add3A_62 = arith.addf %reduce_sum3A_22, %reduce_sum3A_27 : vector<128x20xf32>
    %mul3A_63 = vector.broadcast %sqrt3A_33 : vector<128x1xf32> to vector<128x20xf32>
    %mul3A_64 = arith.mulf %sqrt3A_48, %mul3A_63 : vector<128x20xf32>
    %div3A_65 = arith.divf %add3A_62, %mul3A_64 : vector<128x20xf32>
    %reduce_sum3A_66 = arith.constant dense<0.000000e+00> : vector<128xf32>
    %reduce_sum3A_67 = vector.multi_reduction <add>, %div3A_65, %reduce_sum3A_66 [1] : vector<128x20xf32> to vector<128xf32>
    %add3A_68 = arith.addf %reduce_sum3A_54, %reduce_sum3A_61 : vector<128xf32>
    %add3A_69 = arith.addf %add3A_68, %reduce_sum3A_67 : vector<128xf32>
    %swap3A = arith.constant 0 : index
    %swap3A_70 = vector.load %arg2[%swap3A] : memref<128xf32, #tpu.memory_space<vmem>>, vector<128xf32>
    tpu.vector_store %arg2[%swap3A], %add3A_69 {strides = array<i32>} : memref<128xf32, #tpu.memory_space<vmem>>, vector<128xf32>,
    return
  }
  func.func @transform_0(%arg0: i32) -> (i32, i32, i32) {
    %c0_i32 = arith.constant 0 : i32
    %c0_i32_0 = arith.constant 0 : i32
    %c0_i32_1 = arith.constant 0 : i32
    return %arg0, %c0_i32, %c0_i32_0 : i32, i32, i32
  }
  func.func @transform_1(%arg0: i32) -> i32 {
    %c0_i32 = arith.constant 0 : i32
    return %arg0 : i32
  }
}

</mosaic_0001>

<sc_bundles>
// kernel: kernel.10.cloned.1.call-start
scs
__scs_entry_jumppad:
0x0: {  	(pc) =	sbr.rel $0x88, $3  }
0x1: {  	(tag) =	ssettag $0x0;
	lr =	simm.s32 $0x1  }
0x2: {  	[smem:$0x3F96] =	sst lr;
	_ =	strace $0xD0000000  }
0x3: {  	_ = 	snop  }
0x4: {  	_ = 	snop  }
0x5: {  	_ = 	snop  }
0x6: {  	_ = 	snop  }
0x7: {  	_ = 	snop  }
__scs_overlays_trampoline_lowered:
0x8: {  	[smem:$0x3FA5] =	sst s0  }
0x9: {  	[smem:$0x3FA6] =	sst s1  }
0xa: {  	[smem:$0x3FA7] =	sst s2  }
0xb: {  	[smem:$0x3FA8] =	sst s3  }
0xc: {  	[smem:$0x3FA9] =	sst s4  }
0xd: {  	[smem:$0x3FAA] =	sst s5  }
0xe: {  	[smem:$0x3FAB] =	sst s6  }
0xf: {  	[smem:$0x3FAC] =	sst s7  }
0x10: {  	[smem:$0x3FAD] =	sst s8  }
0x11: {  	[smem:$0x3FAE] =	sst s9;
	s0 =	simm.s32 @!p0 $0x0  }
0x12: {  	s1 =	sld [smem:$0x3F94];
	s0 =	simm.s32 @p0 $0x1  }
0x13: {  	[smem:$0x3FAF] =	sst s0;
	s0 =	simm.s32 @!p1 $0x0  }
0x14: {  	s2 =	sld [smem:$0x3F93];
	s0 =	simm.s32 @p1 $0x1  }
0x15: {  	[smem:$0x3FB0] =	sst s0;
	s0 =	simm.s32 @!p2 $0x0  }
0x16: {  	s3 =	sld [smem:$0x3FDB];
	s0 =	simm.s32 @p2 $0x1  }
0x17: {  	s4 =	simm.s32 $0x1BF5;
	[smem:$0x3FB2] =	sst s0  }
0x18: {  	s0 =	sld [smem:$0x3F95];
	_ =	swait.ge [sflag:s4], $0x0  }
0x19: {  	s7 =	sld [smem:$0x3F96]  }
0x1a: {  	s8 =	sadd.s32 $0xFFFFE003, lr  }
0x1b: {  	s9 =	sadd.s32 $0xFFFFFEF7, lr;
	s5 =	simm.s32 $0xFFFFFFFF;
	p2 =	slt.u32 s8, $0xFFFFF086  }
0x1c: {  	p1 =	slt.u32 s9, $0xF7A;
	s5 =	simm.s32 @!p2 $0x0  }
0x1d: {  	s5 =	simm.s32 @p1 $0x1;
	p0 =	seq.s32 s7, s2  }
0x1e: {  	s7 =	smul.u32 @!p0 $0xF7A, s2;
	p2 =	seq.s32 @!p0 s5, $0x0  }
0x1f: {  	s9 =	smul.u32 $0xF7A, s1;
	s8 =	simm.s32 @!p0 $0x1BF5;
	p2 =	por !p2, p0  }
0x20: {  	[sflag:s8] =	ssyncset.s32 @!p0 $0xFFFFF086;
	s6 =	sadd.s32 @!p0 s3, s7;
	s7 =	simm.s32 @!p0 $0x108  }
0x21: {  	s3 =	sadd.s32 s3, s9;
	s6 =	sadd.s32 @!p0 $0x88, s6;
	s7 =	simm.s32 @p2 $0x1082  }
0x22: {  	[simem:s7], [sflag:s8] =	dma.local @!p0 [hbm:s6], $0xF7A  }
0x23: {  	s9 =	sor.u32 $0xD0000000, s2;
	s6 =	simm.s32 $0x108;
	_ =	swait.ge @!p0 [sflag:s8], $0x0  }
0x24: {  	s3 =	sadd.s32 $0x88, s3;
	s6 =	simm.s32 @!p1 $0x1082;
	[sflag:s4] =	ssyncset.s32 $0xFFFFF086  }
0x25: {  	[simem:s6], [sflag:s4] =	dma.local [hbm:s3], $0xF7A  }
0x26: {  	[smem:$0x3F96] =	sst s1;
	(tag) =	ssettag s2;
	_ =	strace s9  }
0x27: {  	s1 =	sld [smem:$0x3FA6]  }
0x28: {  	s2 =	sld [smem:$0x3FA7]  }
0x29: {  	s4 =	sld [smem:$0x3FA9]  }
0x2a: {  	p0 =	seq.s32 s5, $0x0;
	s5 =	sld [smem:$0x3FAA]  }
0x2b: {  	s6 =	sld [smem:$0x3FAB]  }
0x2c: {  	s7 =	sld [smem:$0x3FAC]  }
0x2d: {  	s3 =	simm.s32 $0x108;
	s8 =	sld [smem:$0x3FAD]  }
0x2e: {  	s3 =	simm.s32 @!p0 $0x1082;
	s9 =	sld [smem:$0x3FAE]  }
0x2f: {  	lr =	sadd.s32 s0, s3;
	s0 =	sld [smem:$0x3FA5]  }
0x30: {  	s3 =	sld [smem:$0x3FA8]  }
0x31: {  	[smem:$0x3FB1] =	sst s10  }
0x32: {  	s10 =	sld [smem:$0x3FAF];
	_ =	sdelay $0x3  }
0x33: {  	p0 =	seq.s32 s10, $0x1;
	s10 =	sld [smem:$0x3FB1];
	_ =	sdelay $0x3  }
0x34: {  	[smem:$0x3FB1] =	sst s10  }
0x35: {  	s10 =	sld [smem:$0x3FB0];
	_ =	sdelay $0x3  }
0x36: {  	p1 =	seq.s32 s10, $0x1;
	s10 =	sld [smem:$0x3FB1];
	_ =	sdelay $0x3  }
0x37: {  	[smem:$0x3FB1] =	sst s10  }
0x38: {  	s10 =	sld [smem:$0x3FB2]  }
0x39: {  	_ = 	snop;
	(pc) =	sbr.ind lr, $3  }
0x3a: {  	_ = 	snop  }
0x3b: {  	_ = 	snop  }
0x3c: {  	p2 =	seq.s32 s10, $0x1;
	s10 =	sld [smem:$0x3FB1]  }
0x3d: {  	_ =	shalt  }
0x3e: {  	_ =	shalt  }
0x3f: {  	_ =	shalt  }
0x40: {  	_ =	shalt  }
0x41: {  	_ =	shalt  }
0x42: {  	_ =	shalt  }
0x43: {  	_ =	shalt  }
0x44: {  	_ =	shalt  }
0x45: {  	_ =	shalt  }
0x46: {  	_ =	shalt  }
0x47: {  	_ =	shalt  }
0x48: {  	_ =	shalt  }
0x49: {  	_ =	shalt  }
0x4a: {  	_ =	shalt  }
0x4b: {  	_ =	shalt  }
0x4c: {  	_ =	shalt  }
0x4d: {  	_ =	shalt  }
0x4e: {  	_ =	shalt  }
0x4f: {  	_ =	shalt  }
0x50: {  	_ =	shalt  }
0x51: {  	_ =	shalt  }
0x52: {  	_ =	shalt  }
0x53: {  	_ =	shalt  }
0x54: {  	_ =	shalt  }
0x55: {  	_ =	shalt  }
0x56: {  	_ =	shalt  }
0x57: {  	_ =	shalt  }
0x58: {  	_ =	shalt  }
0x59: {  	_ =	shalt  }
0x5a: {  	_ =	shalt  }
0x5b: {  	_ =	shalt  }
0x5c: {  	_ =	shalt  }
0x5d: {  	_ =	shalt  }
0x5e: {  	_ =	shalt  }
0x5f: {  	_ =	shalt  }
0x60: {  	_ =	shalt  }
0x61: {  	_ =	shalt  }
0x62: {  	_ =	shalt  }
0x63: {  	_ =	shalt  }
0x64: {  	_ =	shalt  }
0x65: {  	_ =	shalt  }
0x66: {  	_ =	shalt  }
0x67: {  	_ =	shalt  }
0x68: {  	_ =	shalt  }
0x69: {  	_ =	shalt  }
0x6a: {  	_ =	shalt  }
0x6b: {  	_ =	shalt  }
0x6c: {  	_ =	shalt  }
0x6d: {  	_ =	shalt  }
0x6e: {  	_ =	shalt  }
0x6f: {  	_ =	shalt  }
0x70: {  	_ =	shalt  }
0x71: {  	_ =	shalt  }
0x72: {  	_ =	shalt  }
0x73: {  	_ =	shalt  }
0x74: {  	_ =	shalt  }
0x75: {  	_ =	shalt  }
0x76: {  	_ =	shalt  }
0x77: {  	_ =	shalt  }
0x78: {  	_ =	shalt  }
0x79: {  	_ =	shalt  }
0x7a: {  	_ =	shalt  }
0x7b: {  	_ =	shalt  }
0x7c: {  	_ =	shalt  }
0x7d: {  	_ =	shalt  }
0x7e: {  	_ =	shalt  }
0x7f: {  	_ =	shalt  }
0x80: {  	_ =	shalt  }
0x81: {  	_ =	shalt  }
0x82: {  	_ =	shalt  }
0x83: {  	_ =	shalt  }
0x84: {  	_ =	shalt  }
0x85: {  	_ =	shalt  }
0x86: {  	_ =	shalt  }
0x87: {  	_ =	shalt  }
.Lfunc_end0:
.L_simem_size_0:
called_computation.2_lowered:
.L_overlay_start_0:
0x88: {  	s2 =	sld [smem:$0x3FD9]  }
0x89: {  	s3 =	sld [smem:$0x3FFE];
	_ =	sdelay $0x1  }
0x8a: {  	s1 =	srdreg.scid  }
0x8b: {  	s0 =	sand.u32 $0x1, s1  }
0x8c: {  	s14 =	sshll.u32 s0, $0xA;
	s2 =	sadd.s32 s3, s2  }
0x8d: {  	s2 =	sadd.s32 s2, s14  }
0x8e: {  	[smem:$0x3FBD] =	sst s2  }
0x8f: {  	_ = 	snop  }
0x90: {  	s2 =	sld [smem:$0x3FD0];
	_ =	sdelay $0x2  }
0x91: {  	s15 =	simm.s32 $0xD;
	s4 =	simm.s32 $0x10  }
0x92: {  	[smem:s4], [sflag:s15] =	dma.local [hbm:s2], $0x1  }
0x93: {  	_ =	swait.eq [sflag:s15], $0x1  }
0x94: {  	[sflag:s15] =	ssyncset.done $0x0  }
0x95: {  	[sflag:s15] =	ssyncadd.s32 $0xFFFFFFFF  }
0x96: {  	s16 =	sld [smem:$0x10];
	(tm) =	ssettm $0x1  }
0x97: {  	s17 =	sld [smem:$0x3FFB];
	_ =	sdelay $0x3  }
0x98: {  	_ =	strace s17  }
0x99: {  	s3 =	sld [smem:$0x3FFC];
	_ =	sdelay $0x3  }
0x9a: {  	_ =	strace s3  }
0x9b: {  	s3 =	sld [smem:$0x3FFD];
	_ =	sdelay $0x3  }
0x9c: {  	_ =	strace s3  }
0x9d: {  	_ =	strace $0x8FFFFFFF  }
0x9e: {  	s18 =	sld [smem:$0x3FDB];
	_ =	sdelay $0x1  }
0x9f: {  	s19 =	simm.s32 $_scs_section_size  }
0xa0: {  	s5 =	simm.s32 $_size__tile_overlayer_lowered;
	s6 =	simm.s32 $_tile_overlayer_lowered  }
0xa1: {  	s22 =	simm.s32 $0x1BFF;
	s21 =	sshll.u32 s6, $0x1;
	s3 =	sadd.s32 s19, s18  }
0xa2: {  	s7 =	simm.s32 $0x0;
	s20 =	sshll.u32 s5, $0x1;
	s5 =	sadd.s32 s21, s3  }
0xa3: {  	[timem:s7], [sflag:s22] =	dma.local [hbm:s5], s20  }
0xa4: {  	_ =	swait.ge [sflag:s22], s20  }
0xa5: {  	s4 =	ssub.s32 $0x0, s20;
	[sflag:s22] =	ssyncset.done $0x0  }
0xa6: {  	[sflag:s22] =	ssyncadd.s32 s4;
	_ =	sdelay $0x1  }
0xa7: {  	s23 =	simm.s32 $0x1B8B  }
0xa8: {  	_ =	swait.ge [sflag:s23], $0x1  }
0xa9: {  	[sflag:s23] =	ssyncset.done $0x0  }
0xaa: {  	s25 =	simm.s32 $0x1B8E;
	s24 =	sld [smem:$0x3FFE];
	[sflag:s23] =	ssyncadd.s32 $0xFFFFFFFF  }
0xab: {  	s26 =	simm.s32 $execute0_lowered;
	[smem:$0x3FD2] =	sst s25  }
0xac: {  	s5 =	sshll.u32 s26, $0x1;
	_ =	strace $0x80000052;
	[dreg:$0x1] =	wrdreg $0xFFFFFFFF  }
0xad: {  	s28 =	simm.s32 $_size_execute0_lowered;
	s3 =	sadd.s32 s3, s5;
	[dreg:$0x0] =	wrdreg $0x0  }
0xae: {  	s5 =	sshll.u32 s28, $0x1;
	[dreg:$0x2] =	wrdreg s3  }
0xaf: {  	[dreg:$0x3] =	wrdreg s5  }
0xb0: {  	[dreg:$0x4] =	wrdreg $0xC0  }
0xb1: {  	_ =	task [dreg:s7], $0x5FFFF  }
0xb2: {  	[dreg:$0x1] =	wrdreg $0xFFFFFFFF  }
0xb3: {  	[dreg:$0x0] =	wrdreg $0x60  }
0xb4: {  	[dreg:$0x2] =	wrdreg s24  }
0xb5: {  	[dreg:$0x3] =	wrdreg s16  }
0xb6: {  	[dreg:$0x4] =	wrdreg $0x82000  }
0xb7: {  	[dreg:$0x5] =	wrdreg $0x1C3000  }
0xb8: {  	[dreg:$0x6] =	wrdreg $0x9  }
0xb9: {  	_ =	task.clear_ibuf [dreg:s7], $0x7FFFF;
	_ =	strace $0x90000052  }
0xba: {  	s29 =	simm.s32 $0x9;
	_ =	strace $0x80000054  }
0xbb: {  	_ =	swait.ge [sflag:s29], $0x1  }
0xbc: {  	[sflag:s29] =	ssyncadd.s32 $0xFFFFFFFF  }
0xbd: {  	_ =	strace $0x90000054  }
0xbe: {  	_ =	sfence  }
0xbf: {  	s30 =	sld [smem:$0x0];
	_ =	sdelay $0x2  }
0xc0: {  	s31 =	sshll.u32 s1, $0xD;
	s1 =	sshrl.u32 s1, $0x2  }
0xc1: {  	s3 =	sand.u32 $0x4000, s31;
	s1 =	sadd.s32 s1, s30  }
0xc2: {  	s0 =	sor.u32 s3, s0;
	s1 =	sshll.u32 s1, $0x11  }
0xc3: {  	s0 =	sor.u32 s1, s0  }
0xc4: {  	s0 =	sadd.s32 $0x8F2B, s0  }
0xc5: {  	[sflag:s0] =	ssyncadd.remote.s32 $0x1  }
0xc6: {  	_ =	sfence.sel $0xFFFF  }
0xc7: {  	[dreg:$0x0] =	wrdreg $0xFFFFFFFF;
	(pc) =	sbr.abs _section_cstart, $3  }
0xc8: {  	[dreg:$0x1] =	wrdreg $0xFFFFFFFF  }
0xc9: {  	_ =	task.clear_ibuf [dreg:s7], $0x2FFFF;
	_ =	strace $0x9FFFFFFF  }
0xca: {  	(tm) =	ssettm $0x7FFFFFFF  }
0xcb: {  	_ =	shalt  }
tec
execute0_lowered:
.L_overlay_start_1:
0x0: {  	(tag) =	ssettag $0x1  }
0x1: {  	s0 =	rddreg [dreg:$0x0]  }
0x2: {  	s2 =	rddreg [dreg:$0x2]  }
0x3: {  	s3 =	rddreg [dreg:$0x3];
	s5 =	simm.s32 $0x0;
	s1 =	srdreg.scid  }
0x4: {  	s17 =	stileid.u32;
	s28 =	simm.s32 $0x3;
	s29 =	simm.s32 $0x7  }
0x5: {  	s30 =	simm.s32 $0x4;
	s31 =	simm.s32 $0x8;
	[smem:$0x7FF] =	sst s5  }
0x6: {  	s1 =	sand.u32 $0x1, s1;
	s4 =	smul.u32 $0x9E0, s17;
	s8 =	sadd.s32 $0x62800, s0  }
0x7: {  	s6 =	sadd.s32 $0x3A800, s0;
	s10 =	sadd.s32 $0x21400, s0;
	s18 =	smul.u32 $0x50000, s17  }
0x8: {  	s12 =	sshll.u32 s17, $0x7;
	s13 =	sadd.s32 $0x21A00, s0;
	s15 =	smul.u32 $0xA00, s17  }
0x9: {  	s21 =	sshll.u32 s17, $0x6;
	_ =	strace $0x80000053;
	s7 =	sshll.u32 s1, $0x4  }
0xa: {  	[dreg:$0x5] =	wrdreg s13;
	s12 =	sand.u32 $0x380, s12;
	s13 =	ssub.s32 $0x2, s1  }
0xb: {  	p0 =	seq.s32 s1, $0x0;
	s9 =	sor.u32 s17, s7;
	s4 =	sadd.s32 s4, s0  }
0xc: {  	s7 =	sadd.s32 $0x4800, s0;
	s14 =	sshrl.u32 s13, $0x1;
	s20 =	sshrl.u32 s18, $0x2  }
0xd: {  	s22 =	sshrl.u32 s15, $0x2;
	s6 =	smov.u32 @p0 s8;
	s18 =	simm.s32 $0x100  }
0xe: {  	s8 =	simm.s32 $0xA;
	s11 =	sshrl.u32 s9, $0x3;
	s9 =	smul.u32 $0x2800, s9  }
0xf: {  	s19 =	ssub.s32 s13, s14;
	s23 =	sadd.s32 s20, s2;
	s24 =	sadd.s32 s22, s3  }
0x10: {  	s7 =	smov.u32 @p0 s10;
	s13 =	sadd.s32 $0x30A00, s4;
	s14 =	sadd.s32 $0x26C00, s4  }
0x11: {  	s20 =	simm.s32 $0x180;
	s22 =	simm.s32 $0x200;
	s10 =	simm.s32 $0x0  }
0x12: {  	s11 =	smul.u32 $0x1400, s11;
	s26 =	smax.u32 s19, $0x1;
	s15 =	sshrl.u32 s23, $0x3  }
0x13: {  	s17 =	sshrl.u32 s24, $0x3;
	s19 =	simm.s32 $0x80;
	s23 =	simm.s32 $0x1C200  }
0x14: {  	s24 =	simm.s32 $0x2;
	s16 =	sadd.s32 s9, s0;
	s11 =	sor.u32 s12, s11  }
0x15: {  	s9 =	sor.u32 $0x1C0B, s21;
	[dreg:$0x8] =	wrdreg s26;
	s11 =	sshrl.u32 s11, $0x3  }
0x16: {  	s21 =	simm.s32 $0x1;
	s25 =	sadd.s32 $0x8A800, s16;
	s0 =	sadd.s32 s11, s0  }
0x17: {  	s26 =	simm.s32 $0x1C280;
	[dreg:$0x6] =	wrdreg s25;
	s0 =	sadd.s32 $0x24200, s0  }
0x18: {  	s16 =	simm.s32 $0xB;
	s25 =	simm.s32 $0x4200;
	[dreg:$0x7] =	wrdreg s0  }
.LBB2_1:
0x19: {  	s0 =	rddreg [dreg:$0x5]  }
0x1a: {  	[spmem:s15], [sflag:s9] =	dma.local [hbm:s0], $0x2800  }
0x1b: {  	_ =	swait.ge [sflag:s16], $0x2800  }
0x1c: {  	[sflag:s16] =	ssyncset.done $0x0  }
0x1d: {  	[sflag:s16] =	ssyncadd.s32 $0xFFFFD800  }
0x1e: {  	s1 =	rddreg [dreg:$0x1]  }
0x1f: {  	[spmem:s17], [sflag:s9] =	dma.local [hbm:s1], $0x50  }
0x20: {  	_ =	swait.ge [sflag:s16], $0x50  }
0x21: {  	[sflag:s16] =	ssyncset.done $0x0  }
0x22: {  	p0 =	por $0x1, $0x1;
	[sflag:s16] =	ssyncadd.s32 $0xFFFFFFB0  }
0x23: {  	s11 =	simm.s32 @!p0 $0x5;
	[bflag:$0x0] =	sbarrier.arrive $0xFFFF  }
0x24: {  	_ =	swait.ge @!p0 [sflag:s11], $0x4000  }
0x25: {  	[sflag:s11] =	ssyncset.done @!p0 $0x0  }
0x26: {  	[sflag:s11] =	ssyncadd.s32 @!p0 $0xFFFFC000;
	s11 =	simm.s32 @!p0 $0x9  }
0x27: {  	_ =	swait.ge @!p0 [sflag:s11], $0x80  }
0x28: {  	[sflag:s11] =	ssyncset.done @!p0 $0x0  }
0x29: {  	[sflag:s11] =	ssyncadd.s32 @!p0 $0xFFFFFF80;
	s11 =	simm.s32 @!p0 $0x6  }
0x2a: {  	_ =	swait.ge @!p0 [sflag:s11], $0x4000  }
0x2b: {  	[sflag:s11] =	ssyncset.done @!p0 $0x0  }
0x2c: {  	[sflag:s11] =	ssyncadd.s32 @!p0 $0xFFFFC000;
	s11 =	simm.s32 @!p0 $0xA  }
0x2d: {  	_ =	swait.ge @!p0 [sflag:s11], $0x80  }
0x2e: {  	[sflag:s11] =	ssyncset.done @!p0 $0x0  }
0x2f: {  	s4 =	sadd.s32 $0x0, s13;
	[sflag:s11] =	ssyncadd.s32 @!p0 $0xFFFFFF80  }
0x30: {  	[tilespmem:s5], [sflag:$0x1] =	stream.linear.gather [hbm4b:s4+s5], $0x80, $0x38;
	[tilespmem:$0x1C580] =	vst v63  }
0x31: {  	s12 =	sadd.s32 $0x0, s14  }
0x32: {  	[tilespmem:s18], [sflag:$0x1] =	stream.linear.gather [hbm4b:s12+s5], $0x80, $0x38;
	[tilespmem:$0x1C580] =	vst v63  }
0x33: {  	s11 =	sadd.s32 $0x10, s4  }
0x34: {  	[tilespmem:s19], [sflag:$0x2] =	stream.linear.gather [hbm4b:s11+s5], $0x80, $0x38;
	[tilespmem:$0x1C580] =	vst v63  }
0x35: {  	s12 =	sadd.s32 $0x10, s12  }
0x36: {  	[tilespmem:s20], [sflag:$0x2] =	stream.linear.gather [hbm4b:s12+s5], $0x80, $0x38;
	[tilespmem:$0x1C580] =	vst v63  }
0x37: {  	_ =	swait.ge [sflag:s21], $0x80  }
0x38: {  	[sflag:s21] =	ssyncset.done $0x0  }
0x39: {  	[sflag:s21] =	ssyncadd.s32 $0xFFFFFF80  }
0x3a: {  	_ =	swait.ge [sflag:s21], $0x80  }
0x3b: {  	[sflag:s21] =	ssyncset.done $0x0  }
0x3c: {  	[sflag:s21] =	ssyncadd.s32 $0xFFFFFF80  }
0x3d: {  	[tilespmem:s22], [sflag:$0x3] =	stream.indirect.gather [hbm4b:s6+s19], $0x80, s5, s19, $0xb8;
	[tilespmem:$0x1C580] =	vst v63  }
0x3e: {  	_ = 	snop  }
0x3f: {  	[tilespmem:s23], [sflag:$0x7] =	stream.indirect.gather [hbm4b:s7+s19], $0x1, s5, s19, $0xb8;
	[tilespmem:$0x1C580] =	vst v63  }
0x40: {  	_ =	swait.ge [sflag:s24], $0x80  }
0x41: {  	[sflag:s24] =	ssyncset.done $0x0  }
0x42: {  	[sflag:s24] =	ssyncadd.s32 $0xFFFFFF80  }
0x43: {  	_ =	swait.ge [sflag:s24], $0x80  }
0x44: {  	[sflag:s24] =	ssyncset.done $0x0  }
0x45: {  	[sflag:s24] =	ssyncadd.s32 $0xFFFFFF80  }
0x46: {  	[tilespmem:s25], [sflag:$0x4] =	stream.indirect.gather [hbm4b:s6+s19], $0x80, s19, s19, $0xb8;
	[tilespmem:$0x1C580] =	vst v63  }
0x47: {  	_ = 	snop  }
0x48: {  	[tilespmem:s26], [sflag:$0x8] =	stream.indirect.gather [hbm4b:s7+s19], $0x1, s19, s19, $0xb8;
	[tilespmem:$0x1C580] =	vst v63  }
0x49: {  	_ =	swait.ge [sflag:s28], $0x4000  }
0x4a: {  	[sflag:s28] =	ssyncset.done $0x0  }
0x4b: {  	[sflag:s28] =	ssyncadd.s32 $0xFFFFC000  }
0x4c: {  	[spmem:s2] =	stream.indirect.scatter.add.f32 [tilespmem:s22], [sflag:$0x5], $0x80, s18, s19, $0xb8;
	[tilespmem:$0x1C580] =	vst v63  }
0x4d: {  	_ =	swait.ge [sflag:s29], $0x80  }
0x4e: {  	[sflag:s29] =	ssyncset.done $0x0  }
0x4f: {  	[sflag:s29] =	ssyncadd.s32 $0xFFFFFF80  }
0x50: {  	[spmem:s3] =	stream.indirect.scatter.add.s32 [tilespmem:s23], [sflag:$0x9], $0x1, s18, s19, $0xb8;
	[tilespmem:$0x1C580] =	vst v63  }
0x51: {  	_ =	swait.ge [sflag:s30], $0x4000  }
0x52: {  	[sflag:s30] =	ssyncset.done $0x0  }
0x53: {  	[sflag:s30] =	ssyncadd.s32 $0xFFFFC000  }
0x54: {  	[spmem:s2] =	stream.indirect.scatter.add.f32 [tilespmem:s25], [sflag:$0x6], $0x80, s20, s19, $0xb8;
	[tilespmem:$0x1C580] =	vst v63  }
0x55: {  	p1 =	por $0x0, $0x0;
	_ =	swait.ge [sflag:s31], $0x80  }
0x56: {  	s11 =	simm.s32 $0x20;
	s12 =	simm.s32 $0x40;
	[sflag:s31] =	ssyncset.done $0x0  }
.LBB2_2:
0x57: {  	s0 =	simm.s32 @!p1 $0x5  }
0x58: {  	[sflag:s31] =	ssyncadd.s32 $0xFFFFFF80;
	s4 =	smov.u32 s12;
	s12 =	sadd.s32 $0x20, s12  }
0x59: {  	[spmem:s3] =	stream.indirect.scatter.add.s32 [tilespmem:s26], [sflag:$0xA], $0x1, s20, s19, $0xb8;
	[tilespmem:$0x1C580] =	vst v63  }
0x5a: {  	p0 =	sne.s32 s12, $0x9E0;
	_ =	swait.ge @!p1 [sflag:s0], $0x4000  }
0x5b: {  	[sflag:s0] =	ssyncset.done @!p1 $0x0  }
0x5c: {  	[sflag:s0] =	ssyncadd.s32 @!p1 $0xFFFFC000;
	s0 =	simm.s32 @!p1 $0x9  }
0x5d: {  	_ =	swait.ge @!p1 [sflag:s0], $0x80  }
0x5e: {  	[sflag:s0] =	ssyncset.done @!p1 $0x0  }
0x5f: {  	[sflag:s0] =	ssyncadd.s32 @!p1 $0xFFFFFF80;
	s0 =	simm.s32 @!p1 $0x6  }
0x60: {  	_ =	swait.ge @!p1 [sflag:s0], $0x4000  }
0x61: {  	[sflag:s0] =	ssyncset.done @!p1 $0x0  }
0x62: {  	[sflag:s0] =	ssyncadd.s32 @!p1 $0xFFFFC000;
	s0 =	simm.s32 @!p1 $0xA  }
0x63: {  	_ =	swait.ge @!p1 [sflag:s0], $0x80  }
0x64: {  	[sflag:s0] =	ssyncset.done @!p1 $0x0  }
0x65: {  	[sflag:s0] =	ssyncadd.s32 @!p1 $0xFFFFFF80;
	s0 =	sadd.s32 s11, s13  }
0x66: {  	[tilespmem:s5], [sflag:$0x1] =	stream.linear.gather [hbm4b:s0+s5], $0x80, $0x38;
	[tilespmem:$0x1C580] =	vst v63  }
0x67: {  	s1 =	sadd.s32 s11, s14;
	s11 =	smov.u32 s4  }
0x68: {  	[tilespmem:s18], [sflag:$0x1] =	stream.linear.gather [hbm4b:s1+s5], $0x80, $0x38;
	[tilespmem:$0x1C580] =	vst v63  }
0x69: {  	s0 =	sadd.s32 $0x10, s0  }
0x6a: {  	[tilespmem:s19], [sflag:$0x2] =	stream.linear.gather [hbm4b:s0+s5], $0x80, $0x38;
	[tilespmem:$0x1C580] =	vst v63  }
0x6b: {  	s0 =	sadd.s32 $0x10, s1  }
0x6c: {  	[tilespmem:s20], [sflag:$0x2] =	stream.linear.gather [hbm4b:s0+s5], $0x80, $0x38;
	[tilespmem:$0x1C580] =	vst v63  }
0x6d: {  	_ =	swait.ge [sflag:s21], $0x80  }
0x6e: {  	[sflag:s21] =	ssyncset.done $0x0  }
0x6f: {  	[sflag:s21] =	ssyncadd.s32 $0xFFFFFF80  }
0x70: {  	_ =	swait.ge [sflag:s21], $0x80  }
0x71: {  	[sflag:s21] =	ssyncset.done $0x0  }
0x72: {  	[sflag:s21] =	ssyncadd.s32 $0xFFFFFF80  }
0x73: {  	[tilespmem:s22], [sflag:$0x3] =	stream.indirect.gather [hbm4b:s6+s19], $0x80, s5, s19, $0xb8;
	[tilespmem:$0x1C580] =	vst v63  }
0x74: {  	_ = 	snop  }
0x75: {  	[tilespmem:s23], [sflag:$0x7] =	stream.indirect.gather [hbm4b:s7+s19], $0x1, s5, s19, $0xb8;
	[tilespmem:$0x1C580] =	vst v63  }
0x76: {  	_ =	swait.ge [sflag:s24], $0x80  }
0x77: {  	[sflag:s24] =	ssyncset.done $0x0  }
0x78: {  	[sflag:s24] =	ssyncadd.s32 $0xFFFFFF80  }
0x79: {  	_ =	swait.ge [sflag:s24], $0x80  }
0x7a: {  	[sflag:s24] =	ssyncset.done $0x0  }
0x7b: {  	[sflag:s24] =	ssyncadd.s32 $0xFFFFFF80  }
0x7c: {  	[tilespmem:s25], [sflag:$0x4] =	stream.indirect.gather [hbm4b:s6+s19], $0x80, s19, s19, $0xb8;
	[tilespmem:$0x1C580] =	vst v63  }
0x7d: {  	_ = 	snop  }
0x7e: {  	[tilespmem:s26], [sflag:$0x8] =	stream.indirect.gather [hbm4b:s7+s19], $0x1, s19, s19, $0xb8;
	[tilespmem:$0x1C580] =	vst v63  }
0x7f: {  	_ =	swait.ge [sflag:s28], $0x4000  }
0x80: {  	[sflag:s28] =	ssyncset.done $0x0  }
0x81: {  	[sflag:s28] =	ssyncadd.s32 $0xFFFFC000  }
0x82: {  	[spmem:s2] =	stream.indirect.scatter.add.f32 [tilespmem:s22], [sflag:$0x5], $0x80, s18, s19, $0xb8;
	[tilespmem:$0x1C580] =	vst v63  }
0x83: {  	_ =	swait.ge [sflag:s29], $0x80  }
0x84: {  	[sflag:s29] =	ssyncset.done $0x0  }
0x85: {  	[sflag:s29] =	ssyncadd.s32 $0xFFFFFF80  }
0x86: {  	[spmem:s3] =	stream.indirect.scatter.add.s32 [tilespmem:s23], [sflag:$0x9], $0x1, s18, s19, $0xb8;
	[tilespmem:$0x1C580] =	vst v63  }
0x87: {  	_ =	swait.ge [sflag:s30], $0x4000  }
.Ltmp0:
0x88: {  	[sflag:s30] =	ssyncset.done $0x0;
	(pc) =	sbr.rel @p0 .LBB2_2-.Ltmp0, $4  }
0x89: {  	[sflag:s30] =	ssyncadd.s32 $0xFFFFC000  }
0x8a: {  	[spmem:s2] =	stream.indirect.scatter.add.f32 [tilespmem:s25], [sflag:$0x6], $0x80, s20, s19, $0xb8;
	[tilespmem:$0x1C580] =	vst v63  }
0x8b: {  	_ =	swait.ge [sflag:s31], $0x80  }
0x8c: {  	p1 =	seq.s32 s11, $0x0;
	[sflag:s31] =	ssyncset.done $0x0  }
0x8d: {  	s0 =	simm.s32 @!p1 $0x5;
	[sflag:s31] =	ssyncadd.s32 $0xFFFFFF80  }
0x8e: {  	[spmem:s3] =	stream.indirect.scatter.add.s32 [tilespmem:s26], [sflag:$0xA], $0x1, s20, s19, $0xb8;
	[tilespmem:$0x1C580] =	vst v63  }
0x8f: {  	_ =	swait.ge @!p1 [sflag:s0], $0x4000  }
0x90: {  	[sflag:s0] =	ssyncset.done @!p1 $0x0  }
0x91: {  	[sflag:s0] =	ssyncadd.s32 @!p1 $0xFFFFC000;
	s0 =	simm.s32 @!p1 $0x9  }
0x92: {  	_ =	swait.ge @!p1 [sflag:s0], $0x80  }
0x93: {  	[sflag:s0] =	ssyncset.done @!p1 $0x0  }
0x94: {  	[sflag:s0] =	ssyncadd.s32 @!p1 $0xFFFFFF80;
	s0 =	simm.s32 @!p1 $0x6  }
0x95: {  	_ =	swait.ge @!p1 [sflag:s0], $0x4000  }
0x96: {  	[sflag:s0] =	ssyncset.done @!p1 $0x0  }
0x97: {  	[sflag:s0] =	ssyncadd.s32 @!p1 $0xFFFFC000;
	s0 =	simm.s32 @!p1 $0xA  }
0x98: {  	_ =	swait.ge @!p1 [sflag:s0], $0x80  }
0x99: {  	[sflag:s0] =	ssyncset.done @!p1 $0x0  }
0x9a: {  	s12 =	sadd.s32 s11, s13;
	[sflag:s0] =	ssyncadd.s32 @!p1 $0xFFFFFF80  }
0x9b: {  	[tilespmem:s5], [sflag:$0x1] =	stream.linear.gather [hbm4b:s12+s5], $0x80, $0x38;
	[tilespmem:$0x1C580] =	vst v63  }
0x9c: {  	s1 =	sadd.s32 s11, s14  }
0x9d: {  	[tilespmem:s18], [sflag:$0x1] =	stream.linear.gather [hbm4b:s1+s5], $0x80, $0x38;
	[tilespmem:$0x1C580] =	vst v63  }
0x9e: {  	s0 =	sadd.s32 $0x10, s12  }
0x9f: {  	[tilespmem:s19], [sflag:$0x2] =	stream.linear.gather [hbm4b:s0+s5], $0x80, $0x38;
	[tilespmem:$0x1C580] =	vst v63  }
0xa0: {  	s1 =	sadd.s32 $0x10, s1  }
0xa1: {  	[tilespmem:s20], [sflag:$0x2] =	stream.linear.gather [hbm4b:s1+s5], $0x80, $0x38;
	[tilespmem:$0x1C580] =	vst v63  }
0xa2: {  	_ =	swait.ge [sflag:s21], $0x80  }
0xa3: {  	[sflag:s21] =	ssyncset.done $0x0  }
0xa4: {  	[sflag:s21] =	ssyncadd.s32 $0xFFFFFF80  }
0xa5: {  	_ =	swait.ge [sflag:s21], $0x80  }
0xa6: {  	[sflag:s21] =	ssyncset.done $0x0  }
0xa7: {  	[sflag:s21] =	ssyncadd.s32 $0xFFFFFF80  }
0xa8: {  	[tilespmem:s22], [sflag:$0x3] =	stream.indirect.gather [hbm4b:s6+s19], $0x80, s5, s19, $0xb8;
	[tilespmem:$0x1C580] =	vst v63  }
0xa9: {  	_ = 	snop  }
0xaa: {  	[tilespmem:s23], [sflag:$0x7] =	stream.indirect.gather [hbm4b:s7+s19], $0x1, s5, s19, $0xb8;
	[tilespmem:$0x1C580] =	vst v63  }
0xab: {  	_ =	swait.ge [sflag:s24], $0x80  }
0xac: {  	[sflag:s24] =	ssyncset.done $0x0  }
0xad: {  	[sflag:s24] =	ssyncadd.s32 $0xFFFFFF80  }
0xae: {  	_ =	swait.ge [sflag:s24], $0x80  }
0xaf: {  	[sflag:s24] =	ssyncset.done $0x0  }
0xb0: {  	[sflag:s24] =	ssyncadd.s32 $0xFFFFFF80  }
0xb1: {  	[tilespmem:s25], [sflag:$0x4] =	stream.indirect.gather [hbm4b:s6+s19], $0x80, s19, s19, $0xb8;
	[tilespmem:$0x1C580] =	vst v63  }
0xb2: {  	_ = 	snop  }
0xb3: {  	[tilespmem:s26], [sflag:$0x8] =	stream.indirect.gather [hbm4b:s7+s19], $0x1, s19, s19, $0xb8;
	[tilespmem:$0x1C580] =	vst v63  }
0xb4: {  	_ =	swait.ge [sflag:s28], $0x4000  }
0xb5: {  	[sflag:s28] =	ssyncset.done $0x0  }
0xb6: {  	[sflag:s28] =	ssyncadd.s32 $0xFFFFC000  }
0xb7: {  	[spmem:s2] =	stream.indirect.scatter.add.f32 [tilespmem:s22], [sflag:$0x5], $0x80, s18, s19, $0xb8;
	[tilespmem:$0x1C580] =	vst v63  }
0xb8: {  	_ =	swait.ge [sflag:s29], $0x80  }
0xb9: {  	[sflag:s29] =	ssyncset.done $0x0  }
0xba: {  	[sflag:s29] =	ssyncadd.s32 $0xFFFFFF80  }
0xbb: {  	[spmem:s3] =	stream.indirect.scatter.add.s32 [tilespmem:s23], [sflag:$0x9], $0x1, s18, s19, $0xb8;
	[tilespmem:$0x1C580] =	vst v63  }
0xbc: {  	_ =	swait.ge [sflag:s30], $0x4000  }
0xbd: {  	[sflag:s30] =	ssyncset.done $0x0  }
0xbe: {  	[sflag:s30] =	ssyncadd.s32 $0xFFFFC000  }
0xbf: {  	[spmem:s2] =	stream.indirect.scatter.add.f32 [tilespmem:s25], [sflag:$0x6], $0x80, s20, s19, $0xb8;
	[tilespmem:$0x1C580] =	vst v63  }
0xc0: {  	_ =	swait.ge [sflag:s31], $0x80  }
0xc1: {  	[sflag:s31] =	ssyncset.done $0x0  }
0xc2: {  	s4 =	simm.s32 $0x5;
	[sflag:s31] =	ssyncadd.s32 $0xFFFFFF80  }
0xc3: {  	[spmem:s3] =	stream.indirect.scatter.add.s32 [tilespmem:s26], [sflag:$0xA], $0x1, s20, s19, $0xb8;
	[tilespmem:$0x1C580] =	vst v63  }
0xc4: {  	_ =	swait.ge [sflag:s4], $0x4000  }
0xc5: {  	[sflag:s4] =	ssyncset.done $0x0  }
0xc6: {  	s11 =	simm.s32 $0x9;
	[sflag:s4] =	ssyncadd.s32 $0xFFFFC000  }
0xc7: {  	_ =	swait.ge [sflag:s11], $0x80  }
0xc8: {  	[sflag:s11] =	ssyncset.done $0x0  }
0xc9: {  	s12 =	simm.s32 $0x6;
	[sflag:s11] =	ssyncadd.s32 $0xFFFFFF80  }
0xca: {  	_ =	swait.ge [sflag:s12], $0x4000  }
0xcb: {  	[sflag:s12] =	ssyncset.done $0x0  }
0xcc: {  	[sflag:s12] =	ssyncadd.s32 $0xFFFFC000  }
0xcd: {  	_ =	swait.ge [sflag:s8], $0x80  }
0xce: {  	[sflag:s8] =	ssyncset.done $0x0  }
0xcf: {  	[sflag:s8] =	ssyncadd.s32 $0xFFFFFF80  }
0xd0: {  	[bflag:$0x0] =	sbarrier.arrive $0xFFFF  }
0xd1: {  	s1 =	rddreg [dreg:$0x6]  }
0xd2: {  	[hbm:s1], [sflag:s9] =	dma.local [spmem:s15], $0x2800  }
0xd3: {  	_ =	swait.ge [sflag:s16], $0x2800  }
0xd4: {  	[sflag:s16] =	ssyncset.done $0x0  }
0xd5: {  	s11 =	simm.s32 $0x10;
	s4 =	rddreg [dreg:$0x7];
	[sflag:s16] =	ssyncadd.s32 $0xFFFFD800  }
0xd6: {  	[hbm:s4@s19], [sflag:s9] =	dma.strided [spmem:s17@s11], $0x50, s21, $0x10   }
0xd7: {  	_ =	swait.ge [sflag:s16], $0x50  }
0xd8: {  	s10 =	sadd.s32 $0x1, s10;
	s12 =	rddreg [dreg:$0x8]  }
0xd9: {  	p0 =	sne.s32 s10, s12  }
.Ltmp1:
0xda: {  	_ = 	snop;
	(pc) =	sbr.rel @p0 .LBB2_1-.Ltmp1, $3  }
0xdb: {  	_ =	sdelay $0x1  }
0xdc: {  	[sflag:s16] =	ssyncset.done $0x0  }
0xdd: {  	[sflag:s16] =	ssyncadd.s32 $0xFFFFFFB0  }
0xde: {  	_ =	sfence.sel $0x180000  }
0xdf: {  	[bflag:$0x0] =	sbarrier.arrive $0xFFFF  }
0xe0: {  	_ =	strace $0x90000053  }
0xe1: {  	s0 =	stileid.u32;
	[bflag:$0x2] =	sbarrier.arrive $0xFFFF  }
0xe2: {  	p0 =	sne.s32 s0, $0x0;
	s0 =	rddreg [dreg:$0x4]  }
0xe3: {  	s0 =	sadd.s32 @!p0 $0x100000, s0  }
0xe4: {  	[sflag:s0] =	ssyncadd.tile.s32 @!p0 $0x1;
	_ =	shalt  }
.Lfunc_end2:
_tile_overlayer_lowered:
.L_overlay_start_2:
0xe5: {  	(tag) =	ssettag $0x2  }
0xe6: {  	s0 =	rddreg [dreg:$0x0];
	s2 =	stileid.u32  }
0xe7: {  	s1 =	rddreg [dreg:$0x1];
	p0 =	sne.s32 s2, $0x0  }
0xe8: {  	s3 =	rddreg [dreg:$0x2];
	[bflag:$0x3] =	sbarrier.arrive $0xFFFF;
	s2 =	simm.s32 @!p0 $0x1C0B  }
0xe9: {  	[timem:s3], [sflag:s2] =	dma.local @!p0 [hbm:s0], s1  }
0xea: {  	s0 =	simm.s32 @!p0 $0xB  }
0xeb: {  	_ =	swait.ge @!p0 [sflag:s0], s1  }
0xec: {  	s1 =	ssub.s32 @!p0 $0x0, s1;
	[sflag:s0] =	ssyncset.done @!p0 $0x0  }
0xed: {  	[sflag:s0] =	ssyncadd.s32 @!p0 s1  }
0xee: {  	[bflag:$0x3] =	sbarrier.arrive $0xFFFF  }
0xef: {  	_ =	shalt  }

// kernel: kernel.13.cloned.1.call-start
scs
__scs_entry_jumppad:
0x0: {  	(pc) =	sbr.rel $0x88, $3  }
0x1: {  	(tag) =	ssettag $0x0;
	lr =	simm.s32 $0x1  }
0x2: {  	[smem:$0x3F96] =	sst lr;
	_ =	strace $0xD0000000  }
0x3: {  	_ = 	snop  }
0x4: {  	_ = 	snop  }
0x5: {  	_ = 	snop  }
0x6: {  	_ = 	snop  }
0x7: {  	_ = 	snop  }
__scs_overlays_trampoline_lowered:
0x8: {  	[smem:$0x3FA5] =	sst s0  }
0x9: {  	[smem:$0x3FA6] =	sst s1  }
0xa: {  	[smem:$0x3FA7] =	sst s2  }
0xb: {  	[smem:$0x3FA8] =	sst s3  }
0xc: {  	[smem:$0x3FA9] =	sst s4  }
0xd: {  	[smem:$0x3FAA] =	sst s5  }
0xe: {  	[smem:$0x3FAB] =	sst s6  }
0xf: {  	[smem:$0x3FAC] =	sst s7  }
0x10: {  	[smem:$0x3FAD] =	sst s8  }
0x11: {  	[smem:$0x3FAE] =	sst s9;
	s0 =	simm.s32 @!p0 $0x0  }
0x12: {  	s1 =	sld [smem:$0x3F94];
	s0 =	simm.s32 @p0 $0x1  }
0x13: {  	[smem:$0x3FAF] =	sst s0;
	s0 =	simm.s32 @!p1 $0x0  }
0x14: {  	s2 =	sld [smem:$0x3F93];
	s0 =	simm.s32 @p1 $0x1  }
0x15: {  	[smem:$0x3FB0] =	sst s0;
	s0 =	simm.s32 @!p2 $0x0  }
0x16: {  	s3 =	sld [smem:$0x3FDB];
	s0 =	simm.s32 @p2 $0x1  }
0x17: {  	s4 =	simm.s32 $0x1BF5;
	[smem:$0x3FB2] =	sst s0  }
0x18: {  	s0 =	sld [smem:$0x3F95];
	_ =	swait.ge [sflag:s4], $0x0  }
0x19: {  	s7 =	sld [smem:$0x3F96]  }
0x1a: {  	s8 =	sadd.s32 $0xFFFFE003, lr  }
0x1b: {  	s9 =	sadd.s32 $0xFFFFFEF7, lr;
	s5 =	simm.s32 $0xFFFFFFFF;
	p2 =	slt.u32 s8, $0xFFFFF086  }
0x1c: {  	p1 =	slt.u32 s9, $0xF7A;
	s5 =	simm.s32 @!p2 $0x0  }
0x1d: {  	s5 =	simm.s32 @p1 $0x1;
	p0 =	seq.s32 s7, s2  }
0x1e: {  	s7 =	smul.u32 @!p0 $0xF7A, s2;
	p2 =	seq.s32 @!p0 s5, $0x0  }
0x1f: {  	s9 =	smul.u32 $0xF7A, s1;
	s8 =	simm.s32 @!p0 $0x1BF5;
	p2 =	por !p2, p0  }
0x20: {  	[sflag:s8] =	ssyncset.s32 @!p0 $0xFFFFF086;
	s6 =	sadd.s32 @!p0 s3, s7;
	s7 =	simm.s32 @!p0 $0x108  }
0x21: {  	s3 =	sadd.s32 s3, s9;
	s6 =	sadd.s32 @!p0 $0x88, s6;
	s7 =	simm.s32 @p2 $0x1082  }
0x22: {  	[simem:s7], [sflag:s8] =	dma.local @!p0 [hbm:s6], $0xF7A  }
0x23: {  	s9 =	sor.u32 $0xD0000000, s2;
	s6 =	simm.s32 $0x108;
	_ =	swait.ge @!p0 [sflag:s8], $0x0  }
0x24: {  	s3 =	sadd.s32 $0x88, s3;
	s6 =	simm.s32 @!p1 $0x1082;
	[sflag:s4] =	ssyncset.s32 $0xFFFFF086  }
0x25: {  	[simem:s6], [sflag:s4] =	dma.local [hbm:s3], $0xF7A  }
0x26: {  	[smem:$0x3F96] =	sst s1;
	(tag) =	ssettag s2;
	_ =	strace s9  }
0x27: {  	s1 =	sld [smem:$0x3FA6]  }
0x28: {  	s2 =	sld [smem:$0x3FA7]  }
0x29: {  	s4 =	sld [smem:$0x3FA9]  }
0x2a: {  	p0 =	seq.s32 s5, $0x0;
	s5 =	sld [smem:$0x3FAA]  }
0x2b: {  	s6 =	sld [smem:$0x3FAB]  }
0x2c: {  	s7 =	sld [smem:$0x3FAC]  }
0x2d: {  	s3 =	simm.s32 $0x108;
	s8 =	sld [smem:$0x3FAD]  }
0x2e: {  	s3 =	simm.s32 @!p0 $0x1082;
	s9 =	sld [smem:$0x3FAE]  }
0x2f: {  	lr =	sadd.s32 s0, s3;
	s0 =	sld [smem:$0x3FA5]  }
0x30: {  	s3 =	sld [smem:$0x3FA8]  }
0x31: {  	[smem:$0x3FB1] =	sst s10  }
0x32: {  	s10 =	sld [smem:$0x3FAF];
	_ =	sdelay $0x3  }
0x33: {  	p0 =	seq.s32 s10, $0x1;
	s10 =	sld [smem:$0x3FB1];
	_ =	sdelay $0x3  }
0x34: {  	[smem:$0x3FB1] =	sst s10  }
0x35: {  	s10 =	sld [smem:$0x3FB0];
	_ =	sdelay $0x3  }
0x36: {  	p1 =	seq.s32 s10, $0x1;
	s10 =	sld [smem:$0x3FB1];
	_ =	sdelay $0x3  }
0x37: {  	[smem:$0x3FB1] =	sst s10  }
0x38: {  	s10 =	sld [smem:$0x3FB2]  }
0x39: {  	_ = 	snop;
	(pc) =	sbr.ind lr, $3  }
0x3a: {  	_ = 	snop  }
0x3b: {  	_ = 	snop  }
0x3c: {  	p2 =	seq.s32 s10, $0x1;
	s10 =	sld [smem:$0x3FB1]  }
0x3d: {  	_ =	shalt  }
0x3e: {  	_ =	shalt  }
0x3f: {  	_ =	shalt  }
0x40: {  	_ =	shalt  }
0x41: {  	_ =	shalt  }
0x42: {  	_ =	shalt  }
0x43: {  	_ =	shalt  }
0x44: {  	_ =	shalt  }
0x45: {  	_ =	shalt  }
0x46: {  	_ =	shalt  }
0x47: {  	_ =	shalt  }
0x48: {  	_ =	shalt  }
0x49: {  	_ =	shalt  }
0x4a: {  	_ =	shalt  }
0x4b: {  	_ =	shalt  }
0x4c: {  	_ =	shalt  }
0x4d: {  	_ =	shalt  }
0x4e: {  	_ =	shalt  }
0x4f: {  	_ =	shalt  }
0x50: {  	_ =	shalt  }
0x51: {  	_ =	shalt  }
0x52: {  	_ =	shalt  }
0x53: {  	_ =	shalt  }
0x54: {  	_ =	shalt  }
0x55: {  	_ =	shalt  }
0x56: {  	_ =	shalt  }
0x57: {  	_ =	shalt  }
0x58: {  	_ =	shalt  }
0x59: {  	_ =	shalt  }
0x5a: {  	_ =	shalt  }
0x5b: {  	_ =	shalt  }
0x5c: {  	_ =	shalt  }
0x5d: {  	_ =	shalt  }
0x5e: {  	_ =	shalt  }
0x5f: {  	_ =	shalt  }
0x60: {  	_ =	shalt  }
0x61: {  	_ =	shalt  }
0x62: {  	_ =	shalt  }
0x63: {  	_ =	shalt  }
0x64: {  	_ =	shalt  }
0x65: {  	_ =	shalt  }
0x66: {  	_ =	shalt  }
0x67: {  	_ =	shalt  }
0x68: {  	_ =	shalt  }
0x69: {  	_ =	shalt  }
0x6a: {  	_ =	shalt  }
0x6b: {  	_ =	shalt  }
0x6c: {  	_ =	shalt  }
0x6d: {  	_ =	shalt  }
0x6e: {  	_ =	shalt  }
0x6f: {  	_ =	shalt  }
0x70: {  	_ =	shalt  }
0x71: {  	_ =	shalt  }
0x72: {  	_ =	shalt  }
0x73: {  	_ =	shalt  }
0x74: {  	_ =	shalt  }
0x75: {  	_ =	shalt  }
0x76: {  	_ =	shalt  }
0x77: {  	_ =	shalt  }
0x78: {  	_ =	shalt  }
0x79: {  	_ =	shalt  }
0x7a: {  	_ =	shalt  }
0x7b: {  	_ =	shalt  }
0x7c: {  	_ =	shalt  }
0x7d: {  	_ =	shalt  }
0x7e: {  	_ =	shalt  }
0x7f: {  	_ =	shalt  }
0x80: {  	_ =	shalt  }
0x81: {  	_ =	shalt  }
0x82: {  	_ =	shalt  }
0x83: {  	_ =	shalt  }
0x84: {  	_ =	shalt  }
0x85: {  	_ =	shalt  }
0x86: {  	_ =	shalt  }
0x87: {  	_ =	shalt  }
.Lfunc_end0:
.L_simem_size_0:
called_computation.3_lowered:
.L_overlay_start_0:
0x88: {  	s2 =	sld [smem:$0x3FD9]  }
0x89: {  	s3 =	sld [smem:$0x3FFE];
	_ =	sdelay $0x1  }
0x8a: {  	s1 =	srdreg.scid  }
0x8b: {  	s0 =	sand.u32 $0x1, s1  }
0x8c: {  	s16 =	sshll.u32 s0, $0xA;
	s2 =	sadd.s32 s3, s2  }
0x8d: {  	s2 =	sadd.s32 s2, s16  }
0x8e: {  	[smem:$0x3FBD] =	sst s2  }
0x8f: {  	_ = 	snop  }
0x90: {  	(tm) =	ssettm $0x1  }
0x91: {  	s17 =	sld [smem:$0x3FFB];
	_ =	sdelay $0x3  }
0x92: {  	_ =	strace s17  }
0x93: {  	s2 =	sld [smem:$0x3FFC];
	_ =	sdelay $0x3  }
0x94: {  	_ =	strace s2  }
0x95: {  	s2 =	sld [smem:$0x3FFD];
	_ =	sdelay $0x3  }
0x96: {  	_ =	strace s2  }
0x97: {  	_ =	strace $0x8FFFFFFF  }
0x98: {  	s18 =	sld [smem:$0x3FDB];
	_ =	sdelay $0x1  }
0x99: {  	s19 =	simm.s32 $_scs_section_size  }
0x9a: {  	s4 =	simm.s32 $_size__tile_overlayer_lowered;
	s5 =	simm.s32 $_tile_overlayer_lowered  }
0x9b: {  	s22 =	simm.s32 $0x1BFF;
	s21 =	sshll.u32 s5, $0x1;
	s2 =	sadd.s32 s19, s18  }
0x9c: {  	s6 =	simm.s32 $0x0;
	s20 =	sshll.u32 s4, $0x1;
	s4 =	sadd.s32 s21, s2  }
0x9d: {  	[timem:s6], [sflag:s22] =	dma.local [hbm:s4], s20  }
0x9e: {  	_ =	swait.ge [sflag:s22], s20  }
0x9f: {  	s3 =	ssub.s32 $0x0, s20;
	[sflag:s22] =	ssyncset.done $0x0  }
0xa0: {  	[sflag:s22] =	ssyncadd.s32 s3;
	_ =	sdelay $0x1  }
0xa1: {  	s23 =	simm.s32 $0x1B8B  }
0xa2: {  	_ =	swait.ge [sflag:s23], $0x1  }
0xa3: {  	[sflag:s23] =	ssyncset.done $0x0  }
0xa4: {  	s25 =	simm.s32 $0x1B8E;
	s24 =	sld [smem:$0x3FFE];
	[sflag:s23] =	ssyncadd.s32 $0xFFFFFFFF  }
0xa5: {  	s26 =	simm.s32 $execute0_lowered;
	[smem:$0x3FD2] =	sst s25  }
0xa6: {  	s4 =	sshll.u32 s26, $0x1;
	_ =	strace $0x80000055;
	[dreg:$0x1] =	wrdreg $0xFFFFFFFF  }
0xa7: {  	s28 =	simm.s32 $_size_execute0_lowered;
	s2 =	sadd.s32 s2, s4;
	[dreg:$0x0] =	wrdreg $0x0  }
0xa8: {  	s4 =	sshll.u32 s28, $0x1;
	[dreg:$0x2] =	wrdreg s2  }
0xa9: {  	[dreg:$0x3] =	wrdreg s4  }
0xaa: {  	[dreg:$0x4] =	wrdreg $0xC0  }
0xab: {  	_ =	task [dreg:s6], $0x5FFFF  }
0xac: {  	[dreg:$0x1] =	wrdreg $0xFFFFFFFF  }
0xad: {  	[dreg:$0x0] =	wrdreg $0x60  }
0xae: {  	[dreg:$0x2] =	wrdreg s24  }
0xaf: {  	[dreg:$0x3] =	wrdreg $0x82000  }
0xb0: {  	[dreg:$0x4] =	wrdreg $0x9  }
0xb1: {  	_ =	task.clear_ibuf [dreg:s6], $0x5FFFF;
	_ =	strace $0x90000055  }
0xb2: {  	s29 =	simm.s32 $0x9;
	_ =	strace $0x80000057  }
0xb3: {  	_ =	swait.ge [sflag:s29], $0x1  }
0xb4: {  	[sflag:s29] =	ssyncadd.s32 $0xFFFFFFFF  }
0xb5: {  	_ =	strace $0x90000057  }
0xb6: {  	_ =	sfence  }
0xb7: {  	s30 =	sld [smem:$0x0];
	_ =	sdelay $0x2  }
0xb8: {  	s31 =	sshll.u32 s1, $0xD;
	s1 =	sshrl.u32 s1, $0x2  }
0xb9: {  	s3 =	sand.u32 $0x4000, s31;
	s1 =	sadd.s32 s1, s30  }
0xba: {  	s0 =	sor.u32 s3, s0;
	s1 =	sshll.u32 s1, $0x11  }
0xbb: {  	s0 =	sor.u32 s1, s0  }
0xbc: {  	s0 =	sadd.s32 $0x8F2B, s0  }
0xbd: {  	[sflag:s0] =	ssyncadd.remote.s32 $0x1  }
0xbe: {  	_ =	sfence.sel $0xFFFF  }
0xbf: {  	[dreg:$0x0] =	wrdreg $0xFFFFFFFF;
	(pc) =	sbr.abs _section_cstart, $3  }
0xc0: {  	[dreg:$0x1] =	wrdreg $0xFFFFFFFF  }
0xc1: {  	_ =	task.clear_ibuf [dreg:s6], $0x2FFFF;
	_ =	strace $0x9FFFFFFF  }
0xc2: {  	(tm) =	ssettm $0x7FFFFFFF  }
0xc3: {  	_ =	shalt  }
tec
execute0_lowered:
.L_overlay_start_1:
0x0: {  	(tag) =	ssettag $0x1  }
0x1: {  	s12 =	rddreg [dreg:$0x0]  }
0x2: {  	s1 =	rddreg [dreg:$0x1]  }
0x3: {  	s2 =	srdreg.scid;
	s3 =	simm.s32 $0x0;
	s0 =	stileid.u32  }
0x4: {  	s16 =	simm.s32 $0x3A800;
	s18 =	simm.s32 $0x80;
	s19 =	simm.s32 $0x180  }
0x5: {  	s20 =	simm.s32 $0x1;
	s21 =	simm.s32 $0x200;
	s22 =	simm.s32 $0x2  }
0x6: {  	s23 =	simm.s32 $0x4200;
	s24 =	simm.s32 $0x3;
	s25 =	simm.s32 $0x4  }
0x7: {  	s26 =	simm.s32 $0x5;
	s28 =	simm.s32 $0x6;
	s29 =	simm.s32 $0x0  }
0x8: {  	s6 =	sand.u32 $0x1, s2;
	[smem:$0x7FF] =	sst s3;
	s7 =	smul.u32 $0x50000, s0  }
0x9: {  	s13 =	sadd.s32 $0x30A00, s12;
	s14 =	sadd.s32 $0x26C00, s12;
	s10 =	smul.u32 $0x4F00, s0  }
0xa: {  	s31 =	sshll.u32 s0, $0x6;
	s17 =	smul.u32 $0x9E0, s0;
	s4 =	sshll.u32 s6, $0x4  }
0xb: {  	_ =	strace $0x80000056;
	s30 =	ssub.s32 $0x2, s6;
	p0 =	seq.s32 s6, $0x0  }
0xc: {  	s4 =	sor.u32 s0, s4;
	s9 =	sshrl.u32 s30, $0x1;
	s7 =	sshrl.u32 s7, $0x2  }
0xd: {  	s10 =	sshrl.u32 s10, $0x3;
	s16 =	simm.s32 @!p0 $0x62800;
	s5 =	smul.u32 $0x2800, s4  }
0xe: {  	s4 =	sadd.s32 $0x21A00, s12;
	s9 =	ssub.s32 s30, s9;
	s15 =	sadd.s32 s7, s1  }
0xf: {  	s11 =	sor.u32 $0x10, s10;
	s7 =	smax.u32 s9, $0x1;
	s9 =	sadd.s32 s14, s10  }
0x10: {  	s15 =	sshrl.u32 s15, $0x3;
	s8 =	sadd.s32 s5, s12;
	s5 =	sor.u32 $0x1C07, s31  }
0x11: {  	s12 =	sadd.s32 s16, s12;
	s16 =	simm.s32 $0x7;
	s6 =	sadd.s32 $0x12A800, s8  }
0x12: {  	s8 =	sadd.s32 s13, s10;
	s10 =	sadd.s32 s13, s11;
	s11 =	sadd.s32 s14, s11  }
0x13: {  	s13 =	sadd.s32 s17, s13;
	s14 =	sadd.s32 s17, s14;
	s17 =	simm.s32 $0x100  }
.LBB2_1:
0x14: {  	[spmem:s15], [sflag:s5] =	dma.local [hbm:s4], $0x2800  }
0x15: {  	_ =	swait.ge [sflag:s16], $0x2800  }
0x16: {  	[sflag:s16] =	ssyncset.done $0x0  }
0x17: {  	[sflag:s16] =	ssyncadd.s32 $0xFFFFD800  }
0x18: {  	[bflag:$0x0] =	sbarrier.arrive $0xFFFF  }
0x19: {  	[tilespmem:s3], [sflag:$0x1] =	stream.linear.gather [hbm4b:s8+s3], $0x80, $0x38;
	[tilespmem:$0x1C200] =	vst v63  }
0x1a: {  	_ = 	snop  }
0x1b: {  	[tilespmem:s17], [sflag:$0x1] =	stream.linear.gather [hbm4b:s9+s3], $0x80, $0x38;
	[tilespmem:$0x1C200] =	vst v63  }
0x1c: {  	_ = 	snop  }
0x1d: {  	[tilespmem:s18], [sflag:$0x2] =	stream.linear.gather [hbm4b:s10+s3], $0x80, $0x38;
	[tilespmem:$0x1C200] =	vst v63  }
0x1e: {  	_ = 	snop  }
0x1f: {  	[tilespmem:s19], [sflag:$0x2] =	stream.linear.gather [hbm4b:s11+s3], $0x80, $0x38;
	[tilespmem:$0x1C200] =	vst v63  }
0x20: {  	_ =	swait.ge [sflag:s20], $0x80  }
0x21: {  	[sflag:s20] =	ssyncset.done $0x0  }
0x22: {  	[sflag:s20] =	ssyncadd.s32 $0xFFFFFF80  }
0x23: {  	_ =	swait.ge [sflag:s20], $0x80  }
0x24: {  	[sflag:s20] =	ssyncset.done $0x0  }
0x25: {  	[sflag:s20] =	ssyncadd.s32 $0xFFFFFF80  }
0x26: {  	[tilespmem:s21], [sflag:$0x3] =	stream.indirect.gather [hbm4b:s12+s18], $0x80, s3, s18, $0xb8;
	[tilespmem:$0x1C200] =	vst v63  }
0x27: {  	_ =	swait.ge [sflag:s22], $0x80  }
0x28: {  	[sflag:s22] =	ssyncset.done $0x0  }
0x29: {  	[sflag:s22] =	ssyncadd.s32 $0xFFFFFF80  }
0x2a: {  	_ =	swait.ge [sflag:s22], $0x80  }
0x2b: {  	[sflag:s22] =	ssyncset.done $0x0  }
0x2c: {  	[sflag:s22] =	ssyncadd.s32 $0xFFFFFF80  }
0x2d: {  	[tilespmem:s23], [sflag:$0x4] =	stream.indirect.gather [hbm4b:s12+s18], $0x80, s18, s18, $0xb8;
	[tilespmem:$0x1C200] =	vst v63  }
0x2e: {  	_ =	swait.ge [sflag:s24], $0x4000  }
0x2f: {  	[sflag:s24] =	ssyncset.done $0x0  }
0x30: {  	[sflag:s24] =	ssyncadd.s32 $0xFFFFC000  }
0x31: {  	[spmem:s1] =	stream.indirect.scatter.add.f32 [tilespmem:s21], [sflag:$0x5], $0x80, s17, s18, $0xb8;
	[tilespmem:$0x1C200] =	vst v63  }
0x32: {  	_ =	swait.ge [sflag:s25], $0x4000  }
0x33: {  	[sflag:s25] =	ssyncset.done $0x0  }
0x34: {  	[sflag:s25] =	ssyncadd.s32 $0xFFFFC000  }
0x35: {  	[spmem:s1] =	stream.indirect.scatter.add.f32 [tilespmem:s23], [sflag:$0x6], $0x80, s19, s18, $0xb8;
	[tilespmem:$0x1C200] =	vst v63  }
0x36: {  	_ =	swait.ge [sflag:s26], $0x4000  }
0x37: {  	[sflag:s26] =	ssyncset.done $0x0  }
0x38: {  	[sflag:s26] =	ssyncadd.s32 $0xFFFFC000  }
0x39: {  	_ =	swait.ge [sflag:s28], $0x4000  }
0x3a: {  	s30 =	sadd.s32 $0xFFFFF640, s13;
	[sflag:s28] =	ssyncset.done $0x0  }
0x3b: {  	s0 =	sadd.s32 $0xFFFFF640, s14;
	s31 =	sadd.s32 $0x9E0, s30;
	[sflag:s28] =	ssyncadd.s32 $0xFFFFC000  }
0x3c: {  	[tilespmem:s3], [sflag:$0x1] =	stream.linear.gather [hbm4b:s31+s3], $0x80, $0x38;
	[tilespmem:$0x1C200] =	vst v63  }
0x3d: {  	s2 =	sadd.s32 $0x9E0, s0  }
0x3e: {  	[tilespmem:s17], [sflag:$0x1] =	stream.linear.gather [hbm4b:s2+s3], $0x80, $0x38;
	[tilespmem:$0x1C200] =	vst v63  }
0x3f: {  	s30 =	sadd.s32 $0x9F0, s30  }
0x40: {  	[tilespmem:s18], [sflag:$0x2] =	stream.linear.gather [hbm4b:s30+s3], $0x80, $0x38;
	[tilespmem:$0x1C200] =	vst v63  }
0x41: {  	s0 =	sadd.s32 $0x9F0, s0  }
0x42: {  	[tilespmem:s19], [sflag:$0x2] =	stream.linear.gather [hbm4b:s0+s3], $0x80, $0x38;
	[tilespmem:$0x1C200] =	vst v63  }
0x43: {  	_ =	swait.ge [sflag:s20], $0x80  }
0x44: {  	[sflag:s20] =	ssyncset.done $0x0  }
0x45: {  	[sflag:s20] =	ssyncadd.s32 $0xFFFFFF80  }
0x46: {  	_ =	swait.ge [sflag:s20], $0x80  }
0x47: {  	[sflag:s20] =	ssyncset.done $0x0  }
0x48: {  	[sflag:s20] =	ssyncadd.s32 $0xFFFFFF80  }
0x49: {  	[tilespmem:s21], [sflag:$0x3] =	stream.indirect.gather [hbm4b:s12+s18], $0x80, s3, s18, $0xb8;
	[tilespmem:$0x1C200] =	vst v63  }
0x4a: {  	_ =	swait.ge [sflag:s22], $0x80  }
0x4b: {  	[sflag:s22] =	ssyncset.done $0x0  }
0x4c: {  	[sflag:s22] =	ssyncadd.s32 $0xFFFFFF80  }
0x4d: {  	_ =	swait.ge [sflag:s22], $0x80  }
0x4e: {  	[sflag:s22] =	ssyncset.done $0x0  }
0x4f: {  	[sflag:s22] =	ssyncadd.s32 $0xFFFFFF80  }
0x50: {  	[tilespmem:s23], [sflag:$0x4] =	stream.indirect.gather [hbm4b:s12+s18], $0x80, s18, s18, $0xb8;
	[tilespmem:$0x1C200] =	vst v63  }
0x51: {  	_ =	swait.ge [sflag:s24], $0x4000  }
0x52: {  	[sflag:s24] =	ssyncset.done $0x0  }
0x53: {  	[sflag:s24] =	ssyncadd.s32 $0xFFFFC000  }
0x54: {  	[spmem:s1] =	stream.indirect.scatter.add.f32 [tilespmem:s21], [sflag:$0x5], $0x80, s17, s18, $0xb8;
	[tilespmem:$0x1C200] =	vst v63  }
0x55: {  	_ =	swait.ge [sflag:s25], $0x4000  }
0x56: {  	[sflag:s25] =	ssyncset.done $0x0  }
0x57: {  	s30 =	simm.s32 $0xFFFFF660;
	[sflag:s25] =	ssyncadd.s32 $0xFFFFC000  }
.LBB2_2:
0x58: {  	[spmem:s1] =	stream.indirect.scatter.add.f32 [tilespmem:s23], [sflag:$0x6], $0x80, s19, s18, $0xb8;
	[tilespmem:$0x1C200] =	vst v63  }
0x59: {  	s0 =	smov.u32 s30  }
0x5a: {  	p0 =	sne.s32 s30, $0xFFFFFFE0;
	s30 =	sadd.s32 $0x20, s30;
	_ =	swait.ge [sflag:s26], $0x4000  }
0x5b: {  	[sflag:s26] =	ssyncset.done $0x0  }
0x5c: {  	[sflag:s26] =	ssyncadd.s32 $0xFFFFC000  }
0x5d: {  	_ =	swait.ge [sflag:s28], $0x4000  }
0x5e: {  	s31 =	sadd.s32 s0, s13;
	[sflag:s28] =	ssyncset.done $0x0  }
0x5f: {  	s0 =	sadd.s32 s0, s14;
	s2 =	sadd.s32 $0x9E0, s31;
	[sflag:s28] =	ssyncadd.s32 $0xFFFFC000  }
0x60: {  	[tilespmem:s3], [sflag:$0x1] =	stream.linear.gather [hbm4b:s2+s3], $0x80, $0x38;
	[tilespmem:$0x1C200] =	vst v63  }
0x61: {  	s2 =	sadd.s32 $0x9E0, s0  }
0x62: {  	[tilespmem:s17], [sflag:$0x1] =	stream.linear.gather [hbm4b:s2+s3], $0x80, $0x38;
	[tilespmem:$0x1C200] =	vst v63  }
0x63: {  	s2 =	sadd.s32 $0x9F0, s31  }
0x64: {  	[tilespmem:s18], [sflag:$0x2] =	stream.linear.gather [hbm4b:s2+s3], $0x80, $0x38;
	[tilespmem:$0x1C200] =	vst v63  }
0x65: {  	s0 =	sadd.s32 $0x9F0, s0  }
0x66: {  	[tilespmem:s19], [sflag:$0x2] =	stream.linear.gather [hbm4b:s0+s3], $0x80, $0x38;
	[tilespmem:$0x1C200] =	vst v63  }
0x67: {  	_ =	swait.ge [sflag:s20], $0x80  }
0x68: {  	[sflag:s20] =	ssyncset.done $0x0  }
0x69: {  	[sflag:s20] =	ssyncadd.s32 $0xFFFFFF80  }
0x6a: {  	_ =	swait.ge [sflag:s20], $0x80  }
0x6b: {  	[sflag:s20] =	ssyncset.done $0x0  }
0x6c: {  	[sflag:s20] =	ssyncadd.s32 $0xFFFFFF80  }
0x6d: {  	[tilespmem:s21], [sflag:$0x3] =	stream.indirect.gather [hbm4b:s12+s18], $0x80, s3, s18, $0xb8;
	[tilespmem:$0x1C200] =	vst v63  }
0x6e: {  	_ =	swait.ge [sflag:s22], $0x80  }
0x6f: {  	[sflag:s22] =	ssyncset.done $0x0  }
0x70: {  	[sflag:s22] =	ssyncadd.s32 $0xFFFFFF80  }
0x71: {  	_ =	swait.ge [sflag:s22], $0x80  }
0x72: {  	[sflag:s22] =	ssyncset.done $0x0  }
0x73: {  	[sflag:s22] =	ssyncadd.s32 $0xFFFFFF80  }
0x74: {  	[tilespmem:s23], [sflag:$0x4] =	stream.indirect.gather [hbm4b:s12+s18], $0x80, s18, s18, $0xb8;
	[tilespmem:$0x1C200] =	vst v63  }
0x75: {  	_ =	swait.ge [sflag:s24], $0x4000  }
0x76: {  	[sflag:s24] =	ssyncset.done $0x0  }
.Ltmp0:
0x77: {  	[sflag:s24] =	ssyncadd.s32 $0xFFFFC000;
	(pc) =	sbr.rel @p0 .LBB2_2-.Ltmp0, $4  }
0x78: {  	[spmem:s1] =	stream.indirect.scatter.add.f32 [tilespmem:s21], [sflag:$0x5], $0x80, s17, s18, $0xb8;
	[tilespmem:$0x1C200] =	vst v63  }
0x79: {  	_ =	swait.ge [sflag:s25], $0x4000  }
0x7a: {  	[sflag:s25] =	ssyncset.done $0x0  }
0x7b: {  	[sflag:s25] =	ssyncadd.s32 $0xFFFFC000  }
0x7c: {  	[spmem:s1] =	stream.indirect.scatter.add.f32 [tilespmem:s23], [sflag:$0x6], $0x80, s19, s18, $0xb8;
	[tilespmem:$0x1C200] =	vst v63  }
0x7d: {  	_ =	swait.ge [sflag:s26], $0x4000  }
0x7e: {  	[sflag:s26] =	ssyncset.done $0x0  }
0x7f: {  	[sflag:s26] =	ssyncadd.s32 $0xFFFFC000  }
0x80: {  	_ =	swait.ge [sflag:s28], $0x4000  }
0x81: {  	s29 =	sadd.s32 $0x1, s29;
	[sflag:s28] =	ssyncset.done $0x0  }
0x82: {  	p0 =	sne.s32 s29, s7;
	[sflag:s28] =	ssyncadd.s32 $0xFFFFC000  }
.Ltmp1:
0x83: {  	[bflag:$0x0] =	sbarrier.arrive $0xFFFF;
	(pc) =	sbr.rel @p0 .LBB2_1-.Ltmp1, $4  }
0x84: {  	[hbm:s6], [sflag:s5] =	dma.local [spmem:s15], $0x2800  }
0x85: {  	_ =	swait.ge [sflag:s16], $0x2800  }
0x86: {  	[sflag:s16] =	ssyncset.done $0x0  }
0x87: {  	[sflag:s16] =	ssyncadd.s32 $0xFFFFD800  }
0x88: {  	_ =	sfence.sel $0x180000  }
0x89: {  	[bflag:$0x0] =	sbarrier.arrive $0xFFFF  }
0x8a: {  	_ =	strace $0x90000056  }
0x8b: {  	s0 =	stileid.u32;
	[bflag:$0x2] =	sbarrier.arrive $0xFFFF  }
0x8c: {  	p0 =	sne.s32 s0, $0x0;
	s0 =	rddreg [dreg:$0x2]  }
0x8d: {  	s0 =	sadd.s32 @!p0 $0x100000, s0  }
0x8e: {  	[sflag:s0] =	ssyncadd.tile.s32 @!p0 $0x1;
	_ =	shalt  }
.Lfunc_end2:
_tile_overlayer_lowered:
.L_overlay_start_2:
0x8f: {  	(tag) =	ssettag $0x2  }
0x90: {  	s0 =	rddreg [dreg:$0x0];
	s2 =	stileid.u32  }
0x91: {  	s1 =	rddreg [dreg:$0x1];
	p0 =	sne.s32 s2, $0x0  }
0x92: {  	s3 =	rddreg [dreg:$0x2];
	[bflag:$0x3] =	sbarrier.arrive $0xFFFF;
	s2 =	simm.s32 @!p0 $0x1C07  }
0x93: {  	[timem:s3], [sflag:s2] =	dma.local @!p0 [hbm:s0], s1  }
0x94: {  	s0 =	simm.s32 @!p0 $0x7  }
0x95: {  	_ =	swait.ge @!p0 [sflag:s0], s1  }
0x96: {  	s1 =	ssub.s32 @!p0 $0x0, s1;
	[sflag:s0] =	ssyncset.done @!p0 $0x0  }
0x97: {  	[sflag:s0] =	ssyncadd.s32 @!p0 s1  }
0x98: {  	[bflag:$0x3] =	sbarrier.arrive $0xFFFF  }
0x99: {  	_ =	shalt  }

// kernel: kernel.16.cloned.1.call-start
scs
__scs_entry_jumppad:
0x0: {  	(pc) =	sbr.rel $0x88, $3  }
0x1: {  	(tag) =	ssettag $0x0;
	lr =	simm.s32 $0x1  }
0x2: {  	[smem:$0x3F96] =	sst lr;
	_ =	strace $0xD0000000  }
0x3: {  	_ = 	snop  }
0x4: {  	_ = 	snop  }
0x5: {  	_ = 	snop  }
0x6: {  	_ = 	snop  }
0x7: {  	_ = 	snop  }
__scs_overlays_trampoline_lowered:
0x8: {  	[smem:$0x3FA5] =	sst s0  }
0x9: {  	[smem:$0x3FA6] =	sst s1  }
0xa: {  	[smem:$0x3FA7] =	sst s2  }
0xb: {  	[smem:$0x3FA8] =	sst s3  }
0xc: {  	[smem:$0x3FA9] =	sst s4  }
0xd: {  	[smem:$0x3FAA] =	sst s5  }
0xe: {  	[smem:$0x3FAB] =	sst s6  }
0xf: {  	[smem:$0x3FAC] =	sst s7  }
0x10: {  	[smem:$0x3FAD] =	sst s8  }
0x11: {  	[smem:$0x3FAE] =	sst s9;
	s0 =	simm.s32 @!p0 $0x0  }
0x12: {  	s1 =	sld [smem:$0x3F94];
	s0 =	simm.s32 @p0 $0x1  }
0x13: {  	[smem:$0x3FAF] =	sst s0;
	s0 =	simm.s32 @!p1 $0x0  }
0x14: {  	s2 =	sld [smem:$0x3F93];
	s0 =	simm.s32 @p1 $0x1  }
0x15: {  	[smem:$0x3FB0] =	sst s0;
	s0 =	simm.s32 @!p2 $0x0  }
0x16: {  	s3 =	sld [smem:$0x3FDB];
	s0 =	simm.s32 @p2 $0x1  }
0x17: {  	s4 =	simm.s32 $0x1BF5;
	[smem:$0x3FB2] =	sst s0  }
0x18: {  	s0 =	sld [smem:$0x3F95];
	_ =	swait.ge [sflag:s4], $0x0  }
0x19: {  	s7 =	sld [smem:$0x3F96]  }
0x1a: {  	s8 =	sadd.s32 $0xFFFFE003, lr  }
0x1b: {  	s9 =	sadd.s32 $0xFFFFFEF7, lr;
	s5 =	simm.s32 $0xFFFFFFFF;
	p2 =	slt.u32 s8, $0xFFFFF086  }
0x1c: {  	p1 =	slt.u32 s9, $0xF7A;
	s5 =	simm.s32 @!p2 $0x0  }
0x1d: {  	s5 =	simm.s32 @p1 $0x1;
	p0 =	seq.s32 s7, s2  }
0x1e: {  	s7 =	smul.u32 @!p0 $0xF7A, s2;
	p2 =	seq.s32 @!p0 s5, $0x0  }
0x1f: {  	s9 =	smul.u32 $0xF7A, s1;
	s8 =	simm.s32 @!p0 $0x1BF5;
	p2 =	por !p2, p0  }
0x20: {  	[sflag:s8] =	ssyncset.s32 @!p0 $0xFFFFF086;
	s6 =	sadd.s32 @!p0 s3, s7;
	s7 =	simm.s32 @!p0 $0x108  }
0x21: {  	s3 =	sadd.s32 s3, s9;
	s6 =	sadd.s32 @!p0 $0x88, s6;
	s7 =	simm.s32 @p2 $0x1082  }
0x22: {  	[simem:s7], [sflag:s8] =	dma.local @!p0 [hbm:s6], $0xF7A  }
0x23: {  	s9 =	sor.u32 $0xD0000000, s2;
	s6 =	simm.s32 $0x108;
	_ =	swait.ge @!p0 [sflag:s8], $0x0  }
0x24: {  	s3 =	sadd.s32 $0x88, s3;
	s6 =	simm.s32 @!p1 $0x1082;
	[sflag:s4] =	ssyncset.s32 $0xFFFFF086  }
0x25: {  	[simem:s6], [sflag:s4] =	dma.local [hbm:s3], $0xF7A  }
0x26: {  	[smem:$0x3F96] =	sst s1;
	(tag) =	ssettag s2;
	_ =	strace s9  }
0x27: {  	s1 =	sld [smem:$0x3FA6]  }
0x28: {  	s2 =	sld [smem:$0x3FA7]  }
0x29: {  	s4 =	sld [smem:$0x3FA9]  }
0x2a: {  	p0 =	seq.s32 s5, $0x0;
	s5 =	sld [smem:$0x3FAA]  }
0x2b: {  	s6 =	sld [smem:$0x3FAB]  }
0x2c: {  	s7 =	sld [smem:$0x3FAC]  }
0x2d: {  	s3 =	simm.s32 $0x108;
	s8 =	sld [smem:$0x3FAD]  }
0x2e: {  	s3 =	simm.s32 @!p0 $0x1082;
	s9 =	sld [smem:$0x3FAE]  }
0x2f: {  	lr =	sadd.s32 s0, s3;
	s0 =	sld [smem:$0x3FA5]  }
0x30: {  	s3 =	sld [smem:$0x3FA8]  }
0x31: {  	[smem:$0x3FB1] =	sst s10  }
0x32: {  	s10 =	sld [smem:$0x3FAF];
	_ =	sdelay $0x3  }
0x33: {  	p0 =	seq.s32 s10, $0x1;
	s10 =	sld [smem:$0x3FB1];
	_ =	sdelay $0x3  }
0x34: {  	[smem:$0x3FB1] =	sst s10  }
0x35: {  	s10 =	sld [smem:$0x3FB0];
	_ =	sdelay $0x3  }
0x36: {  	p1 =	seq.s32 s10, $0x1;
	s10 =	sld [smem:$0x3FB1];
	_ =	sdelay $0x3  }
0x37: {  	[smem:$0x3FB1] =	sst s10  }
0x38: {  	s10 =	sld [smem:$0x3FB2]  }
0x39: {  	_ = 	snop;
	(pc) =	sbr.ind lr, $3  }
0x3a: {  	_ = 	snop  }
0x3b: {  	_ = 	snop  }
0x3c: {  	p2 =	seq.s32 s10, $0x1;
	s10 =	sld [smem:$0x3FB1]  }
0x3d: {  	_ =	shalt  }
0x3e: {  	_ =	shalt  }
0x3f: {  	_ =	shalt  }
0x40: {  	_ =	shalt  }
0x41: {  	_ =	shalt  }
0x42: {  	_ =	shalt  }
0x43: {  	_ =	shalt  }
0x44: {  	_ =	shalt  }
0x45: {  	_ =	shalt  }
0x46: {  	_ =	shalt  }
0x47: {  	_ =	shalt  }
0x48: {  	_ =	shalt  }
0x49: {  	_ =	shalt  }
0x4a: {  	_ =	shalt  }
0x4b: {  	_ =	shalt  }
0x4c: {  	_ =	shalt  }
0x4d: {  	_ =	shalt  }
0x4e: {  	_ =	shalt  }
0x4f: {  	_ =	shalt  }
0x50: {  	_ =	shalt  }
0x51: {  	_ =	shalt  }
0x52: {  	_ =	shalt  }
0x53: {  	_ =	shalt  }
0x54: {  	_ =	shalt  }
0x55: {  	_ =	shalt  }
0x56: {  	_ =	shalt  }
0x57: {  	_ =	shalt  }
0x58: {  	_ =	shalt  }
0x59: {  	_ =	shalt  }
0x5a: {  	_ =	shalt  }
0x5b: {  	_ =	shalt  }
0x5c: {  	_ =	shalt  }
0x5d: {  	_ =	shalt  }
0x5e: {  	_ =	shalt  }
0x5f: {  	_ =	shalt  }
0x60: {  	_ =	shalt  }
0x61: {  	_ =	shalt  }
0x62: {  	_ =	shalt  }
0x63: {  	_ =	shalt  }
0x64: {  	_ =	shalt  }
0x65: {  	_ =	shalt  }
0x66: {  	_ =	shalt  }
0x67: {  	_ =	shalt  }
0x68: {  	_ =	shalt  }
0x69: {  	_ =	shalt  }
0x6a: {  	_ =	shalt  }
0x6b: {  	_ =	shalt  }
0x6c: {  	_ =	shalt  }
0x6d: {  	_ =	shalt  }
0x6e: {  	_ =	shalt  }
0x6f: {  	_ =	shalt  }
0x70: {  	_ =	shalt  }
0x71: {  	_ =	shalt  }
0x72: {  	_ =	shalt  }
0x73: {  	_ =	shalt  }
0x74: {  	_ =	shalt  }
0x75: {  	_ =	shalt  }
0x76: {  	_ =	shalt  }
0x77: {  	_ =	shalt  }
0x78: {  	_ =	shalt  }
0x79: {  	_ =	shalt  }
0x7a: {  	_ =	shalt  }
0x7b: {  	_ =	shalt  }
0x7c: {  	_ =	shalt  }
0x7d: {  	_ =	shalt  }
0x7e: {  	_ =	shalt  }
0x7f: {  	_ =	shalt  }
0x80: {  	_ =	shalt  }
0x81: {  	_ =	shalt  }
0x82: {  	_ =	shalt  }
0x83: {  	_ =	shalt  }
0x84: {  	_ =	shalt  }
0x85: {  	_ =	shalt  }
0x86: {  	_ =	shalt  }
0x87: {  	_ =	shalt  }
.Lfunc_end0:
.L_simem_size_0:
called_computation.4_lowered:
.L_overlay_start_0:
0x88: {  	s2 =	sld [smem:$0x3FD9]  }
0x89: {  	s3 =	sld [smem:$0x3FFE];
	_ =	sdelay $0x1  }
0x8a: {  	s1 =	srdreg.scid  }
0x8b: {  	s0 =	sand.u32 $0x1, s1  }
0x8c: {  	s16 =	sshll.u32 s0, $0xA;
	s2 =	sadd.s32 s3, s2  }
0x8d: {  	s2 =	sadd.s32 s2, s16  }
0x8e: {  	[smem:$0x3FBD] =	sst s2  }
0x8f: {  	_ = 	snop  }
0x90: {  	(tm) =	ssettm $0x1  }
0x91: {  	s17 =	sld [smem:$0x3FFB];
	_ =	sdelay $0x3  }
0x92: {  	_ =	strace s17  }
0x93: {  	s2 =	sld [smem:$0x3FFC];
	_ =	sdelay $0x3  }
0x94: {  	_ =	strace s2  }
0x95: {  	s2 =	sld [smem:$0x3FFD];
	_ =	sdelay $0x3  }
0x96: {  	_ =	strace s2  }
0x97: {  	_ =	strace $0x8FFFFFFF  }
0x98: {  	s18 =	sld [smem:$0x3FDB];
	_ =	sdelay $0x1  }
0x99: {  	s19 =	simm.s32 $_scs_section_size  }
0x9a: {  	s4 =	simm.s32 $_size__tile_overlayer_lowered;
	s5 =	simm.s32 $_tile_overlayer_lowered  }
0x9b: {  	s22 =	simm.s32 $0x1BFF;
	s21 =	sshll.u32 s5, $0x1;
	s2 =	sadd.s32 s19, s18  }
0x9c: {  	s6 =	simm.s32 $0x0;
	s20 =	sshll.u32 s4, $0x1;
	s4 =	sadd.s32 s21, s2  }
0x9d: {  	[timem:s6], [sflag:s22] =	dma.local [hbm:s4], s20  }
0x9e: {  	_ =	swait.ge [sflag:s22], s20  }
0x9f: {  	s3 =	ssub.s32 $0x0, s20;
	[sflag:s22] =	ssyncset.done $0x0  }
0xa0: {  	[sflag:s22] =	ssyncadd.s32 s3;
	_ =	sdelay $0x1  }
0xa1: {  	s23 =	simm.s32 $0x1B8B  }
0xa2: {  	_ =	swait.ge [sflag:s23], $0x1  }
0xa3: {  	[sflag:s23] =	ssyncset.done $0x0  }
0xa4: {  	s25 =	simm.s32 $0x1B8E;
	s24 =	sld [smem:$0x3FFE];
	[sflag:s23] =	ssyncadd.s32 $0xFFFFFFFF  }
0xa5: {  	s26 =	simm.s32 $execute0_lowered;
	[smem:$0x3FD2] =	sst s25  }
0xa6: {  	s4 =	sshll.u32 s26, $0x1;
	_ =	strace $0x80000058;
	[dreg:$0x1] =	wrdreg $0xFFFFFFFF  }
0xa7: {  	s28 =	simm.s32 $_size_execute0_lowered;
	s2 =	sadd.s32 s2, s4;
	[dreg:$0x0] =	wrdreg $0x0  }
0xa8: {  	s4 =	sshll.u32 s28, $0x1;
	[dreg:$0x2] =	wrdreg s2  }
0xa9: {  	[dreg:$0x3] =	wrdreg s4  }
0xaa: {  	[dreg:$0x4] =	wrdreg $0xC0  }
0xab: {  	_ =	task [dreg:s6], $0x5FFFF  }
0xac: {  	[dreg:$0x1] =	wrdreg $0xFFFFFFFF  }
0xad: {  	[dreg:$0x0] =	wrdreg $0x60  }
0xae: {  	[dreg:$0x2] =	wrdreg s24  }
0xaf: {  	[dreg:$0x3] =	wrdreg $0x9  }
0xb0: {  	_ =	task.clear_ibuf [dreg:s6], $0x4FFFF;
	_ =	strace $0x90000058  }
0xb1: {  	s29 =	simm.s32 $0x9;
	_ =	strace $0x8000005A  }
0xb2: {  	_ =	swait.ge [sflag:s29], $0x1  }
0xb3: {  	[sflag:s29] =	ssyncadd.s32 $0xFFFFFFFF  }
0xb4: {  	_ =	strace $0x9000005A  }
0xb5: {  	_ =	sfence  }
0xb6: {  	s30 =	sld [smem:$0x0];
	_ =	sdelay $0x2  }
0xb7: {  	s31 =	sshll.u32 s1, $0xD;
	s1 =	sshrl.u32 s1, $0x2  }
0xb8: {  	s3 =	sand.u32 $0x4000, s31;
	s1 =	sadd.s32 s1, s30  }
0xb9: {  	s0 =	sor.u32 s3, s0;
	s1 =	sshll.u32 s1, $0x11  }
0xba: {  	s0 =	sor.u32 s1, s0  }
0xbb: {  	s0 =	sadd.s32 $0x8F2B, s0  }
0xbc: {  	[sflag:s0] =	ssyncadd.remote.s32 $0x1  }
0xbd: {  	_ =	sfence.sel $0xFFFF  }
0xbe: {  	[dreg:$0x0] =	wrdreg $0xFFFFFFFF;
	(pc) =	sbr.abs _section_cstart, $3  }
0xbf: {  	[dreg:$0x1] =	wrdreg $0xFFFFFFFF  }
0xc0: {  	_ =	task.clear_ibuf [dreg:s6], $0x2FFFF;
	_ =	strace $0x9FFFFFFF  }
0xc1: {  	(tm) =	ssettm $0x7FFFFFFF  }
tec
execute0_lowered:
.L_overlay_start_1:
0x0: {  	(tag) =	ssettag $0x1  }
0x1: {  	s4 =	rddreg [dreg:$0x0]  }
0x2: {  	s0 =	rddreg [dreg:$0x1];
	s1 =	simm.s32 $0x0  }
0x3: {  	s2 =	srdreg.scid;
	s11 =	simm.s32 $0x2;
	s12 =	simm.s32 $0x4100  }
0x4: {  	s13 =	simm.s32 $0x3;
	s14 =	simm.s32 $0x5;
	s15 =	simm.s32 $0x4  }
0x5: {  	s16 =	simm.s32 $0x0;
	[smem:$0x7FF] =	sst s1;
	s5 =	sand.u32 $0x1, s2  }
0x6: {  	s2 =	stileid.u32;
	s3 =	sadd.s32 $0xAE00, s4;
	s6 =	smul.u32 $0x18000, s5  }
0x7: {  	s9 =	sadd.s32 $0x4E00, s4;
	s7 =	ssub.s32 $0x2, s5;
	s8 =	smul.u32 $0x1800, s2  }
0x8: {  	_ =	strace $0x80000059;
	s5 =	smul.u32 $0x180000, s5;
	s10 =	sshrl.u32 s7, $0x1  }
0x9: {  	s30 =	smul.u32 $0x18000, s2;
	s7 =	ssub.s32 s7, s10;
	s6 =	sadd.s32 s8, s6  }
0xa: {  	s5 =	sadd.s32 s5, s4;
	s8 =	simm.s32 $0x80;
	s10 =	simm.s32 $0x100  }
0xb: {  	s4 =	smax.u32 s7, $0x1;
	s31 =	sor.u32 $0x80, s6;
	s5 =	sadd.s32 s30, s5  }
0xc: {  	s6 =	sshrl.u32 s6, $0x3;
	s7 =	sshrl.u32 s31, $0x3;
	s5 =	sadd.s32 $0x82E00, s5  }
0xd: {  	s6 =	sadd.s32 s6, s9;
	s7 =	sadd.s32 s7, s9;
	s9 =	simm.s32 $0x1  }
.LBB2_1:
0xe: {  	s17 =	sadd.s32 $0x0, s6  }
0xf: {  	[tilespmem:s1], [sflag:$0x1] =	stream.linear.gather [hbm4b:s17+s1], $0x80, $0x38;
	[tilespmem:$0x8100] =	vst v63  }
0x10: {  	s30 =	sadd.s32 $0x0, s7  }
0x11: {  	[tilespmem:s8], [sflag:$0x2] =	stream.linear.gather [hbm4b:s30+s1], $0x80, $0x38;
	[tilespmem:$0x8100] =	vst v63  }
0x12: {  	_ =	swait.ge [sflag:s9], $0x80  }
0x13: {  	[sflag:s9] =	ssyncset.done $0x0  }
0x14: {  	[sflag:s9] =	ssyncadd.s32 $0xFFFFFF80  }
0x15: {  	[tilespmem:s10], [sflag:$0x3] =	stream.indirect.gather [hbm4b:s3+s8], $0x80, s1, s8, $0xb8;
	[tilespmem:$0x8100] =	vst v63  }
0x16: {  	_ =	swait.ge [sflag:s11], $0x80  }
0x17: {  	[sflag:s11] =	ssyncset.done $0x0  }
0x18: {  	[sflag:s11] =	ssyncadd.s32 $0xFFFFFF80  }
0x19: {  	[tilespmem:s12], [sflag:$0x4] =	stream.indirect.gather [hbm4b:s3+s8], $0x80, s8, s8, $0xb8;
	[tilespmem:$0x8100] =	vst v63  }
0x1a: {  	_ =	swait.ge [sflag:s13], $0x4000  }
0x1b: {  	[sflag:s13] =	ssyncset.done $0x0  }
0x1c: {  	[sflag:s13] =	ssyncadd.s32 $0xFFFFC000  }
0x1d: {  	[hbm4b:s5+s1] =	stream.linear.scatter [tilespmem:s10], [sflag:$0x5], $0x4000, $0x38;
	[tilespmem:$0x8100] =	vst v63  }
0x1e: {  	_ =	swait.ge [sflag:s14], $0x4000  }
0x1f: {  	[sflag:s14] =	ssyncset.done $0x0  }
0x20: {  	[sflag:s14] =	ssyncadd.s32 $0xFFFFC000  }
0x21: {  	_ =	swait.ge [sflag:s15], $0x4000  }
0x22: {  	[sflag:s15] =	ssyncset.done $0x0  }
0x23: {  	s31 =	sadd.s32 $0x800, s5;
	[sflag:s15] =	ssyncadd.s32 $0xFFFFC000  }
0x24: {  	[hbm4b:s31+s1] =	stream.linear.scatter [tilespmem:s12], [sflag:$0x5], $0x4000, $0x38;
	[tilespmem:$0x8100] =	vst v63  }
0x25: {  	s18 =	simm.s32 $0x20;
	_ =	swait.ge [sflag:s14], $0x4000  }
0x26: {  	s19 =	simm.s32 $0x40;
	s17 =	sadd.s32 $0x1000, s5;
	[sflag:s14] =	ssyncset.done $0x0  }
.LBB2_2:
0x27: {  	s20 =	sadd.s32 s18, s6  }
0x28: {  	[sflag:s14] =	ssyncadd.s32 $0xFFFFC000;
	s21 =	smov.u32 s19;
	s22 =	sadd.s32 $0x20, s19  }
0x29: {  	[tilespmem:s1], [sflag:$0x1] =	stream.linear.gather [hbm4b:s20+s1], $0x80, $0x38;
	[tilespmem:$0x8100] =	vst v63  }
0x2a: {  	p0 =	sne.s32 s19, $0x2E0;
	s19 =	sadd.s32 s18, s7;
	s18 =	smov.u32 s21  }
0x2b: {  	[tilespmem:s8], [sflag:$0x2] =	stream.linear.gather [hbm4b:s19+s1], $0x80, $0x38;
	[tilespmem:$0x8100] =	vst v63  }
0x2c: {  	_ =	swait.ge [sflag:s9], $0x80  }
0x2d: {  	[sflag:s9] =	ssyncset.done $0x0  }
0x2e: {  	[sflag:s9] =	ssyncadd.s32 $0xFFFFFF80  }
0x2f: {  	[tilespmem:s10], [sflag:$0x3] =	stream.indirect.gather [hbm4b:s3+s8], $0x80, s1, s8, $0xb8;
	[tilespmem:$0x8100] =	vst v63  }
0x30: {  	_ =	swait.ge [sflag:s11], $0x80  }
0x31: {  	[sflag:s11] =	ssyncset.done $0x0  }
0x32: {  	[sflag:s11] =	ssyncadd.s32 $0xFFFFFF80  }
0x33: {  	[tilespmem:s12], [sflag:$0x4] =	stream.indirect.gather [hbm4b:s3+s8], $0x80, s8, s8, $0xb8;
	[tilespmem:$0x8100] =	vst v63  }
0x34: {  	_ =	swait.ge [sflag:s13], $0x4000  }
0x35: {  	[sflag:s13] =	ssyncset.done $0x0  }
0x36: {  	[sflag:s13] =	ssyncadd.s32 $0xFFFFC000  }
0x37: {  	[hbm4b:s17+s1] =	stream.linear.scatter [tilespmem:s10], [sflag:$0x5], $0x4000, $0x38;
	[tilespmem:$0x8100] =	vst v63  }
0x38: {  	_ =	swait.ge [sflag:s14], $0x4000  }
0x39: {  	[sflag:s14] =	ssyncset.done $0x0  }
0x3a: {  	[sflag:s14] =	ssyncadd.s32 $0xFFFFC000  }
0x3b: {  	_ =	swait.ge [sflag:s15], $0x4000  }
.Ltmp0:
0x3c: {  	[sflag:s15] =	ssyncset.done $0x0;
	(pc) =	sbr.rel @p0 .LBB2_2-.Ltmp0, $4  }
0x3d: {  	s19 =	sadd.s32 $0x800, s17;
	[sflag:s15] =	ssyncadd.s32 $0xFFFFC000  }
0x3e: {  	[hbm4b:s19+s1] =	stream.linear.scatter [tilespmem:s12], [sflag:$0x5], $0x4000, $0x38;
	[tilespmem:$0x8100] =	vst v63  }
0x3f: {  	_ =	swait.ge [sflag:s14], $0x4000  }
0x40: {  	s17 =	sadd.s32 $0x1000, s17;
	s19 =	smov.u32 s22;
	[sflag:s14] =	ssyncset.done $0x0  }
0x41: {  	s19 =	sadd.s32 s18, s6;
	[sflag:s14] =	ssyncadd.s32 $0xFFFFC000  }
0x42: {  	[tilespmem:s1], [sflag:$0x1] =	stream.linear.gather [hbm4b:s19+s1], $0x80, $0x38;
	[tilespmem:$0x8100] =	vst v63  }
0x43: {  	s30 =	sadd.s32 s18, s7  }
0x44: {  	[tilespmem:s8], [sflag:$0x2] =	stream.linear.gather [hbm4b:s30+s1], $0x80, $0x38;
	[tilespmem:$0x8100] =	vst v63  }
0x45: {  	_ =	swait.ge [sflag:s9], $0x80  }
0x46: {  	[sflag:s9] =	ssyncset.done $0x0  }
0x47: {  	[sflag:s9] =	ssyncadd.s32 $0xFFFFFF80  }
0x48: {  	[tilespmem:s10], [sflag:$0x3] =	stream.indirect.gather [hbm4b:s3+s8], $0x80, s1, s8, $0xb8;
	[tilespmem:$0x8100] =	vst v63  }
0x49: {  	_ =	swait.ge [sflag:s11], $0x80  }
0x4a: {  	[sflag:s11] =	ssyncset.done $0x0  }
0x4b: {  	[sflag:s11] =	ssyncadd.s32 $0xFFFFFF80  }
0x4c: {  	[tilespmem:s12], [sflag:$0x4] =	stream.indirect.gather [hbm4b:s3+s8], $0x80, s8, s8, $0xb8;
	[tilespmem:$0x8100] =	vst v63  }
0x4d: {  	_ =	swait.ge [sflag:s13], $0x4000  }
0x4e: {  	[sflag:s13] =	ssyncset.done $0x0  }
0x4f: {  	[sflag:s13] =	ssyncadd.s32 $0xFFFFC000  }
0x50: {  	[hbm4b:s17+s1] =	stream.linear.scatter [tilespmem:s10], [sflag:$0x5], $0x4000, $0x38;
	[tilespmem:$0x8100] =	vst v63  }
0x51: {  	_ =	swait.ge [sflag:s14], $0x4000  }
0x52: {  	[sflag:s14] =	ssyncset.done $0x0  }
0x53: {  	[sflag:s14] =	ssyncadd.s32 $0xFFFFC000  }
0x54: {  	s16 =	sadd.s32 $0x1, s16;
	_ =	swait.ge [sflag:s15], $0x4000  }
0x55: {  	p0 =	sne.s32 s16, s4;
	[sflag:s15] =	ssyncset.done $0x0  }
.Ltmp1:
0x56: {  	s31 =	sadd.s32 $0x800, s17;
	[sflag:s15] =	ssyncadd.s32 $0xFFFFC000;
	(pc) =	sbr.rel @p0 .LBB2_1-.Ltmp1, $4  }
0x57: {  	[hbm4b:s31+s1] =	stream.linear.scatter [tilespmem:s12], [sflag:$0x5], $0x4000, $0x38;
	[tilespmem:$0x8100] =	vst v63  }
0x58: {  	_ =	swait.ge [sflag:s14], $0x4000  }
0x59: {  	[sflag:s14] =	ssyncset.done $0x0  }
0x5a: {  	[sflag:s14] =	ssyncadd.s32 $0xFFFFC000  }
0x5b: {  	_ =	sfence.sel $0x180000  }
0x5c: {  	[bflag:$0x0] =	sbarrier.arrive $0xFFFF  }
0x5d: {  	p0 =	sne.s32 s2, $0x0;
	_ =	strace $0x90000059  }
0x5e: {  	s0 =	sadd.s32 @!p0 $0x100000, s0;
	[bflag:$0x2] =	sbarrier.arrive $0xFFFF  }
0x5f: {  	[sflag:s0] =	ssyncadd.tile.s32 @!p0 $0x1;
	_ =	shalt  }
.Lfunc_end2:
_tile_overlayer_lowered:
.L_overlay_start_2:
0x60: {  	(tag) =	ssettag $0x2  }
0x61: {  	s0 =	rddreg [dreg:$0x0];
	s2 =	stileid.u32  }
0x62: {  	s1 =	rddreg [dreg:$0x1];
	p0 =	sne.s32 s2, $0x0  }
0x63: {  	s3 =	rddreg [dreg:$0x2];
	[bflag:$0x3] =	sbarrier.arrive $0xFFFF;
	s2 =	simm.s32 @!p0 $0x1C05  }
0x64: {  	[timem:s3], [sflag:s2] =	dma.local @!p0 [hbm:s0], s1  }
0x65: {  	s0 =	simm.s32 @!p0 $0x5  }
0x66: {  	_ =	swait.ge @!p0 [sflag:s0], s1  }
0x67: {  	s1 =	ssub.s32 @!p0 $0x0, s1;
	[sflag:s0] =	ssyncset.done @!p0 $0x0  }
0x68: {  	[sflag:s0] =	ssyncadd.s32 @!p0 s1  }
0x69: {  	[bflag:$0x3] =	sbarrier.arrive $0xFFFF  }
0x6a: {  	_ =	shalt  }

// kernel: scatter_offload_async_start.1
scs
__scs_entry_jumppad:
0x0: {  	(pc) =	sbr.rel $0x88, $3  }
0x1: {  	(tag) =	ssettag $0x0;
	lr =	simm.s32 $0x1  }
0x2: {  	[smem:$0x3F96] =	sst lr;
	_ =	strace $0xD0000000  }
0x3: {  	_ = 	snop  }
0x4: {  	_ = 	snop  }
0x5: {  	_ = 	snop  }
0x6: {  	_ = 	snop  }
0x7: {  	_ = 	snop  }
__scs_overlays_trampoline_lowered:
0x8: {  	[smem:$0x3FA5] =	sst s0  }
0x9: {  	[smem:$0x3FA6] =	sst s1  }
0xa: {  	[smem:$0x3FA7] =	sst s2  }
0xb: {  	[smem:$0x3FA8] =	sst s3  }
0xc: {  	[smem:$0x3FA9] =	sst s4  }
0xd: {  	[smem:$0x3FAA] =	sst s5  }
0xe: {  	[smem:$0x3FAB] =	sst s6  }
0xf: {  	[smem:$0x3FAC] =	sst s7  }
0x10: {  	[smem:$0x3FAD] =	sst s8  }
0x11: {  	[smem:$0x3FAE] =	sst s9;
	s0 =	simm.s32 @!p0 $0x0  }
0x12: {  	s1 =	sld [smem:$0x3F94];
	s0 =	simm.s32 @p0 $0x1  }
0x13: {  	[smem:$0x3FAF] =	sst s0;
	s0 =	simm.s32 @!p1 $0x0  }
0x14: {  	s2 =	sld [smem:$0x3F93];
	s0 =	simm.s32 @p1 $0x1  }
0x15: {  	[smem:$0x3FB0] =	sst s0;
	s0 =	simm.s32 @!p2 $0x0  }
0x16: {  	s3 =	sld [smem:$0x3FDB];
	s0 =	simm.s32 @p2 $0x1  }
0x17: {  	s4 =	simm.s32 $0x1BF5;
	[smem:$0x3FB2] =	sst s0  }
0x18: {  	s0 =	sld [smem:$0x3F95];
	_ =	swait.ge [sflag:s4], $0x0  }
0x19: {  	s7 =	sld [smem:$0x3F96]  }
0x1a: {  	s8 =	sadd.s32 $0xFFFFE003, lr  }
0x1b: {  	s9 =	sadd.s32 $0xFFFFFEF7, lr;
	s5 =	simm.s32 $0xFFFFFFFF;
	p2 =	slt.u32 s8, $0xFFFFF086  }
0x1c: {  	p1 =	slt.u32 s9, $0xF7A;
	s5 =	simm.s32 @!p2 $0x0  }
0x1d: {  	s5 =	simm.s32 @p1 $0x1;
	p0 =	seq.s32 s7, s2  }
0x1e: {  	s7 =	smul.u32 @!p0 $0xF7A, s2;
	p2 =	seq.s32 @!p0 s5, $0x0  }
0x1f: {  	s9 =	smul.u32 $0xF7A, s1;
	s8 =	simm.s32 @!p0 $0x1BF5;
	p2 =	por !p2, p0  }
0x20: {  	[sflag:s8] =	ssyncset.s32 @!p0 $0xFFFFF086;
	s6 =	sadd.s32 @!p0 s3, s7;
	s7 =	simm.s32 @!p0 $0x108  }
0x21: {  	s3 =	sadd.s32 s3, s9;
	s6 =	sadd.s32 @!p0 $0x88, s6;
	s7 =	simm.s32 @p2 $0x1082  }
0x22: {  	[simem:s7], [sflag:s8] =	dma.local @!p0 [hbm:s6], $0xF7A  }
0x23: {  	s9 =	sor.u32 $0xD0000000, s2;
	s6 =	simm.s32 $0x108;
	_ =	swait.ge @!p0 [sflag:s8], $0x0  }
0x24: {  	s3 =	sadd.s32 $0x88, s3;
	s6 =	simm.s32 @!p1 $0x1082;
	[sflag:s4] =	ssyncset.s32 $0xFFFFF086  }
0x25: {  	[simem:s6], [sflag:s4] =	dma.local [hbm:s3], $0xF7A  }
0x26: {  	[smem:$0x3F96] =	sst s1;
	(tag) =	ssettag s2;
	_ =	strace s9  }
0x27: {  	s1 =	sld [smem:$0x3FA6]  }
0x28: {  	s2 =	sld [smem:$0x3FA7]  }
0x29: {  	s4 =	sld [smem:$0x3FA9]  }
0x2a: {  	p0 =	seq.s32 s5, $0x0;
	s5 =	sld [smem:$0x3FAA]  }
0x2b: {  	s6 =	sld [smem:$0x3FAB]  }
0x2c: {  	s7 =	sld [smem:$0x3FAC]  }
0x2d: {  	s3 =	simm.s32 $0x108;
	s8 =	sld [smem:$0x3FAD]  }
0x2e: {  	s3 =	simm.s32 @!p0 $0x1082;
	s9 =	sld [smem:$0x3FAE]  }
0x2f: {  	lr =	sadd.s32 s0, s3;
	s0 =	sld [smem:$0x3FA5]  }
0x30: {  	s3 =	sld [smem:$0x3FA8]  }
0x31: {  	[smem:$0x3FB1] =	sst s10  }
0x32: {  	s10 =	sld [smem:$0x3FAF];
	_ =	sdelay $0x3  }
0x33: {  	p0 =	seq.s32 s10, $0x1;
	s10 =	sld [smem:$0x3FB1];
	_ =	sdelay $0x3  }
0x34: {  	[smem:$0x3FB1] =	sst s10  }
0x35: {  	s10 =	sld [smem:$0x3FB0];
	_ =	sdelay $0x3  }
0x36: {  	p1 =	seq.s32 s10, $0x1;
	s10 =	sld [smem:$0x3FB1];
	_ =	sdelay $0x3  }
0x37: {  	[smem:$0x3FB1] =	sst s10  }
0x38: {  	s10 =	sld [smem:$0x3FB2]  }
0x39: {  	_ = 	snop;
	(pc) =	sbr.ind lr, $3  }
0x3a: {  	_ = 	snop  }
0x3b: {  	_ = 	snop  }
0x3c: {  	p2 =	seq.s32 s10, $0x1;
	s10 =	sld [smem:$0x3FB1]  }
0x3d: {  	_ =	shalt  }
0x3e: {  	_ =	shalt  }
0x3f: {  	_ =	shalt  }
0x40: {  	_ =	shalt  }
0x41: {  	_ =	shalt  }
0x42: {  	_ =	shalt  }
0x43: {  	_ =	shalt  }
0x44: {  	_ =	shalt  }
0x45: {  	_ =	shalt  }
0x46: {  	_ =	shalt  }
0x47: {  	_ =	shalt  }
0x48: {  	_ =	shalt  }
0x49: {  	_ =	shalt  }
0x4a: {  	_ =	shalt  }
0x4b: {  	_ =	shalt  }
0x4c: {  	_ =	shalt  }
0x4d: {  	_ =	shalt  }
0x4e: {  	_ =	shalt  }
0x4f: {  	_ =	shalt  }
0x50: {  	_ =	shalt  }
0x51: {  	_ =	shalt  }
0x52: {  	_ =	shalt  }
0x53: {  	_ =	shalt  }
0x54: {  	_ =	shalt  }
0x55: {  	_ =	shalt  }
0x56: {  	_ =	shalt  }
0x57: {  	_ =	shalt  }
0x58: {  	_ =	shalt  }
0x59: {  	_ =	shalt  }
0x5a: {  	_ =	shalt  }
0x5b: {  	_ =	shalt  }
0x5c: {  	_ =	shalt  }
0x5d: {  	_ =	shalt  }
0x5e: {  	_ =	shalt  }
0x5f: {  	_ =	shalt  }
0x60: {  	_ =	shalt  }
0x61: {  	_ =	shalt  }
0x62: {  	_ =	shalt  }
0x63: {  	_ =	shalt  }
0x64: {  	_ =	shalt  }
0x65: {  	_ =	shalt  }
0x66: {  	_ =	shalt  }
0x67: {  	_ =	shalt  }
0x68: {  	_ =	shalt  }
0x69: {  	_ =	shalt  }
0x6a: {  	_ =	shalt  }
0x6b: {  	_ =	shalt  }
0x6c: {  	_ =	shalt  }
0x6d: {  	_ =	shalt  }
0x6e: {  	_ =	shalt  }
0x6f: {  	_ =	shalt  }
0x70: {  	_ =	shalt  }
0x71: {  	_ =	shalt  }
0x72: {  	_ =	shalt  }
0x73: {  	_ =	shalt  }
0x74: {  	_ =	shalt  }
0x75: {  	_ =	shalt  }
0x76: {  	_ =	shalt  }
0x77: {  	_ =	shalt  }
0x78: {  	_ =	shalt  }
0x79: {  	_ =	shalt  }
0x7a: {  	_ =	shalt  }
0x7b: {  	_ =	shalt  }
0x7c: {  	_ =	shalt  }
0x7d: {  	_ =	shalt  }
0x7e: {  	_ =	shalt  }
0x7f: {  	_ =	shalt  }
0x80: {  	_ =	shalt  }
0x81: {  	_ =	shalt  }
0x82: {  	_ =	shalt  }
0x83: {  	_ =	shalt  }
0x84: {  	_ =	shalt  }
0x85: {  	_ =	shalt  }
0x86: {  	_ =	shalt  }
0x87: {  	_ =	shalt  }
.Lfunc_end0:
.L_simem_size_0:
called_computation.1_lowered:
.L_overlay_start_0:
0x88: {  	s0 =	sld [smem:$0x3FD9]  }
0x89: {  	s1 =	sld [smem:$0x3FFE];
	_ =	sdelay $0x3  }
0x8a: {  	s0 =	sadd.s32 s1, s0  }
0x8b: {  	[smem:$0x3FBD] =	sst s0  }
0x8c: {  	_ = 	snop  }
0x8d: {  	(tm) =	ssettm $0x1  }
0x8e: {  	s14 =	sld [smem:$0x3FFB];
	_ =	sdelay $0x3  }
0x8f: {  	_ =	strace s14  }
0x90: {  	s0 =	sld [smem:$0x3FFC];
	_ =	sdelay $0x3  }
0x91: {  	_ =	strace s0  }
0x92: {  	s0 =	sld [smem:$0x3FFD];
	_ =	sdelay $0x3  }
0x93: {  	_ =	strace s0  }
0x94: {  	_ =	strace $0x8FFFFFFF  }
0x95: {  	s15 =	sld [smem:$0x3FDB];
	_ =	sdelay $0x1  }
0x96: {  	s16 =	simm.s32 $_scs_section_size  }
0x97: {  	s2 =	simm.s32 $_size__tile_overlayer_lowered;
	s3 =	simm.s32 $_tile_overlayer_lowered  }
0x98: {  	s4 =	simm.s32 $0x1BFF;
	s17 =	sshll.u32 s3, $0x1;
	s1 =	sadd.s32 s16, s15  }
0x99: {  	s18 =	simm.s32 $0x0;
	s2 =	sshll.u32 s2, $0x1;
	s3 =	sadd.s32 s17, s1  }
0x9a: {  	[timem:s18], [sflag:s4] =	dma.local [hbm:s3], s2  }
0x9b: {  	_ =	swait.ge [sflag:s4], s2  }
0x9c: {  	s2 =	ssub.s32 $0x0, s2;
	[sflag:s4] =	ssyncset.done $0x0  }
0x9d: {  	[sflag:s4] =	ssyncadd.s32 s2;
	_ =	sdelay $0x1  }
0x9e: {  	s19 =	simm.s32 $0x1B8B  }
0x9f: {  	_ =	swait.ge [sflag:s19], $0x1  }
0xa0: {  	[sflag:s19] =	ssyncset.done $0x0  }
0xa1: {  	s21 =	simm.s32 $0x1B8E;
	s20 =	sld [smem:$0x3FFE];
	[sflag:s19] =	ssyncadd.s32 $0xFFFFFFFF  }
0xa2: {  	s22 =	simm.s32 $execute0_lowered;
	[smem:$0x3FD2] =	sst s21  }
0xa3: {  	s3 =	sshll.u32 s22, $0x1;
	_ =	strace $0x8000004C;
	[dreg:$0x1] =	wrdreg $0xFFFFFFFF  }
0xa4: {  	s23 =	simm.s32 $_size_execute0_lowered;
	s3 =	sadd.s32 s1, s3;
	[dreg:$0x0] =	wrdreg $0x0  }
0xa5: {  	s4 =	sshll.u32 s23, $0x1;
	[dreg:$0x2] =	wrdreg s3  }
0xa6: {  	[dreg:$0x3] =	wrdreg s4  }
0xa7: {  	[dreg:$0x4] =	wrdreg $0xC0  }
0xa8: {  	s24 =	simm.s32 $execute1_lowered;
	_ =	task [dreg:s18], $0x5FFFF  }
0xa9: {  	s3 =	sshll.u32 s24, $0x1;
	[dreg:$0x1] =	wrdreg $0xFFFFFFFF  }
0xaa: {  	s1 =	sadd.s32 s1, s3;
	[dreg:$0x0] =	wrdreg $0x60  }
0xab: {  	[dreg:$0x2] =	wrdreg s1  }
0xac: {  	[dreg:$0x3] =	wrdreg s20  }
0xad: {  	[dreg:$0x4] =	wrdreg $0xB  }
0xae: {  	_ =	task.clear_ibuf [dreg:s18], $0x5FFFF;
	_ =	strace $0x9000004C  }
0xaf: {  	s25 =	simm.s32 $0xB;
	_ =	strace $0x8000004E  }
0xb0: {  	_ =	swait.ge [sflag:s25], $0x1  }
0xb1: {  	[sflag:s25] =	ssyncadd.s32 $0xFFFFFFFF  }
0xb2: {  	_ =	strace $0x9000004E  }
0xb3: {  	_ =	strace $0x8000004F;
	[dreg:$0x1] =	wrdreg $0xFFFFFFFF  }
0xb4: {  	[dreg:$0x0] =	wrdreg $0x2030  }
0xb5: {  	[dreg:$0x2] =	wrdreg s20  }
0xb6: {  	[dreg:$0x3] =	wrdreg $0xC  }
0xb7: {  	_ =	task.clear_ibuf [dreg:s18], $0x4FFFF;
	_ =	strace $0x9000004F  }
0xb8: {  	s26 =	simm.s32 $0xC;
	_ =	strace $0x80000051  }
0xb9: {  	_ =	swait.ge [sflag:s26], $0x1  }
0xba: {  	[sflag:s26] =	ssyncadd.s32 $0xFFFFFFFF  }
0xbb: {  	_ =	strace $0x90000051  }
0xbc: {  	_ =	sfence  }
0xbd: {  	s28 =	sld [smem:$0x0];
	_ =	sdelay $0x1  }
0xbe: {  	s29 =	srdreg.scid  }
0xbf: {  	s30 =	sshll.u32 s29, $0xD;
	s31 =	sshrl.u32 s29, $0x2  }
0xc0: {  	s2 =	sand.u32 $0x1, s29;
	s3 =	sand.u32 $0x4000, s30;
	s1 =	sadd.s32 s31, s28  }
0xc1: {  	s2 =	sor.u32 s3, s2;
	s1 =	sshll.u32 s1, $0x11  }
0xc2: {  	s1 =	sor.u32 s1, s2  }
0xc3: {  	s1 =	sadd.s32 $0x8F2B, s1  }
0xc4: {  	[sflag:s1] =	ssyncadd.remote.s32 $0x1  }
0xc5: {  	_ =	sfence.sel $0xFFFF  }
0xc6: {  	[dreg:$0x0] =	wrdreg $0xFFFFFFFF;
	(pc) =	sbr.abs _section_cstart, $3  }
0xc7: {  	[dreg:$0x1] =	wrdreg $0xFFFFFFFF  }
0xc8: {  	_ =	task.clear_ibuf [dreg:s18], $0x2FFFF;
	_ =	strace $0x9FFFFFFF  }
0xc9: {  	(tm) =	ssettm $0x7FFFFFFF  }
tec
execute0_lowered:
.L_overlay_start_1:
0x0: {  	(tag) =	ssettag $0x1  }
0x1: {  	s2 =	rddreg [dreg:$0x0]  }
0x2: {  	s4 =	rddreg [dreg:$0x1]  }
0x3: {  	s0 =	rddreg [dreg:$0x2];
	s5 =	stileid.u32;
	[bflag:$0x3] =	sbarrier.arrive $0xFFFF  }
0x4: {  	s1 =	simm.s32 $_size_execute1_lowered;
	s9 =	simm.s32 $0x1;
	s31 =	simm.s32 $0x2  }
0x5: {  	s10 =	simm.s32 $0x0;
	p0 =	sne.s32 s5, $0x0;
	s1 =	sshll.u32 s1, $0x1  }
0x6: {  	p1 =	seq.s32 s5, $0x0;
	s3 =	simm.s32 @!p0 $0x1C3F;
	s6 =	simm.s32 @!p0 $0x4060  }
0x7: {  	[timem:s6], [sflag:s3] =	dma.local @!p0 [hbm:s2], s1  }
0x8: {  	s9 =	simm.s32 @!p1 $0x0;
	s2 =	smul.u32 $0x280, s5;
	s6 =	simm.s32 @!p0 $0x2800  }
0x9: {  	s3 =	simm.s32 $0x0;
	s5 =	simm.s32 $0x1;
	s6 =	simm.s32 @p0 $0x0  }
.Ltmp0:
0xa: {  	_ =	strace $0x8000004D;
	s8 =	ssub.s32 $0x2800, s2;
	(pc) =	sbr.rel .LBB2_1-.Ltmp0, $4  }
0xb: {  	s30 =	sshrl.u32 s2, $0x3;
	p1 =	sne.s32 s8, s6;
	s6 =	simm.s32 $0x1  }
0xc: {  	[sflag:s5] =	ssyncpa.u1 $0x0;
	s7 =	sadd.s32 s30, s4;
	s6 =	simm.s32 @!p1 $0x0  }
0xd: {  	s4 =	sadd.s32 $0x5400, s4;
	[sflag:s31] =	ssyncpa.u1 $0x0;
	s6 =	sadd.s32 s9, s6  }
0xe: {  	s7 =	sadd.s32 $0x4800, s7;
	s9 =	simm.s32 $0x0;
	s8 =	sadd.s32 $0x1, s6  }
.LBB2_7:
0xf: {  	p2 =	sne.s32 s9, s8  }
.Ltmp1:
0x10: {  	p1 =	slt.u32 s9, $0x2;
	(pc) =	sbr.rel @!p2 .LBB2_8-.Ltmp1, $4  }
0x11: {  	s10 =	simm.s32 @!p1 $0x2  }
0x12: {  	_ =	swait.ge @!p1 [sflag:s10], $0x280  }
0x13: {  	s11 =	sadd.s32 $0x1, s9;
	[sflag:s10] =	ssyncset.done @!p1 $0x0  }
0x14: {  	s9 =	smov.u32 s11;
	[sflag:s10] =	ssyncadd.s32 @!p1 $0xFFFFFD80;
	s10 =	smov.u32 s2  }
.LBB2_1:
0x15: {  	p1 =	sge.u32 s9, s6  }
0x16: {  	s11 =	sxor.u32 @!p1 $0x1, s9  }
0x17: {  	s11 =	smul.u32 @!p1 $0xA00, s11;
	_ =	sdelay $0x1  }
0x18: {  	s31 =	sadd.s32 $0xFFFFFFFF, s9;
	s12 =	simm.s32 @!p1 $0x0;
	s11 =	sshra.s32 @!p1 s11, $0x2  }
0x19: {  	[tilespmem:s11], [sflag:$0x1] =	stream.linear.gather @!p1 [hbm4b:s7+s12], $0x280, $0x38;
	[tilespmem:$0xA00] =	vst v63  }
0x1a: {  	p1 =	sge.u32 s31, s6  }
.Ltmp2:
0x1b: {  	_ = 	snop;
	(pc) =	sbr.rel @p1 .LBB2_7-.Ltmp2, $1  }
0x1c: {  	_ =	sdelay $0x3  }
0x1d: {  	s11 =	sand.u32 $0x1, s9  }
0x1e: {  	s12 =	simm.s32 $0x280;
	p1 =	seq.s32 s11, $0x1  }
0x1f: {  	s12 =	simm.s32 @!p1 $0x0  }
0x20: {  	v0 =	vmov s12  }
0x21: {  	_ =	swait.ge [sflag:s5], $0x280  }
0x22: {  	[sflag:s5] =	ssyncset.done $0x0;
	s11 =	sor.u32 $0x500, s12  }
0x23: {  	s13 =	simm.s32 $0x0;
	[sflag:s5] =	ssyncadd.s32 $0xFFFFFD80;
	p1 =	por $0x1, $0x1;
	v1 =	vmov s11  }
.LBB2_3:
0x24: {  	s14 =	sor.u32 $0x10, s13  }
0x25: {  	v2 =	vld.idx.msk [tilespmem:v0+s14+$0x0 ss:$0x1], $0xffff  }
0x26: {  	s15 =	sor.u32 $0x20, s13;
	v60 =	vld.idx.msk [tilespmem:v0+s13+$0x0 ss:$0x1], $0xffff  }
0x27: {  	s16 =	sor.u32 $0x30, s13;
	v3 =	vld.idx.msk [tilespmem:v0+s15+$0x0 ss:$0x1], $0xffff  }
0x28: {  	s17 =	sor.u32 $0x40, s13;
	v4 =	vld.idx.msk [tilespmem:v0+s16+$0x0 ss:$0x1], $0xffff  }
0x29: {  	s19 =	sor.u32 $0x60, s13;
	v5 =	vld.idx.msk [tilespmem:v0+s17+$0x0 ss:$0x1], $0xffff  }
0x2a: {  	s18 =	sor.u32 $0x50, s13;
	[tilespmem:v1+s14+$0x0 ss:$0x1] =	vst.idx.msk $0xffff, v2;
	v2 =	vld.idx.msk [tilespmem:v0+s19+$0x0 ss:$0x1], $0xffff  }
0x2b: {  	s23 =	sor.u32 $0x80, s13;
	v6 =	vld.idx.msk [tilespmem:v0+s18+$0x0 ss:$0x1], $0xffff;
	[tilespmem:v1+s13+$0x0 ss:$0x1] =	vst.idx.msk $0xffff, v60  }
0x2c: {  	s24 =	sor.u32 $0x90, s13;
	v58 =	vld.idx.msk [tilespmem:v0+s23+$0x0 ss:$0x1], $0xffff;
	[tilespmem:v1+s15+$0x0 ss:$0x1] =	vst.idx.msk $0xffff, v3  }
0x2d: {  	s22 =	sor.u32 $0x70, s13;
	v59 =	vld.idx.msk [tilespmem:v0+s24+$0x0 ss:$0x1], $0xffff;
	[tilespmem:v1+s16+$0x0 ss:$0x1] =	vst.idx.msk $0xffff, v4  }
0x2e: {  	s25 =	sor.u32 $0xA0, s13;
	v3 =	vld.idx.msk [tilespmem:v0+s22+$0x0 ss:$0x1], $0xffff;
	[tilespmem:v1+s17+$0x0 ss:$0x1] =	vst.idx.msk $0xffff, v5  }
0x2f: {  	s28 =	sor.u32 $0xC0, s13;
	[tilespmem:v1+s19+$0x0 ss:$0x1] =	vst.idx.msk $0xffff, v2;
	v2 =	vld.idx.msk [tilespmem:v0+s25+$0x0 ss:$0x1], $0xffff  }
0x30: {  	s29 =	sor.u32 $0xD0, s13;
	v61 =	vld.idx.msk [tilespmem:v0+s28+$0x0 ss:$0x1], $0xffff;
	[tilespmem:v1+s18+$0x0 ss:$0x1] =	vst.idx.msk $0xffff, v6  }
0x31: {  	s30 =	sor.u32 $0xE0, s13;
	v62 =	vld.idx.msk [tilespmem:v0+s29+$0x0 ss:$0x1], $0xffff;
	[tilespmem:v1+s23+$0x0 ss:$0x1] =	vst.idx.msk $0xffff, v58  }
0x32: {  	s26 =	sor.u32 $0xB0, s13;
	v63 =	vld.idx.msk [tilespmem:v0+s30+$0x0 ss:$0x1], $0xffff;
	[tilespmem:v1+s24+$0x0 ss:$0x1] =	vst.idx.msk $0xffff, v59  }
0x33: {  	s31 =	sor.u32 $0xF0, s13;
	[tilespmem:v1+s22+$0x0 ss:$0x1] =	vst.idx.msk $0xffff, v3;
	v3 =	vld.idx.msk [tilespmem:v0+s26+$0x0 ss:$0x1], $0xffff  }
0x34: {  	p2 =	por p1, p1;
	[tilespmem:v1+s25+$0x0 ss:$0x1] =	vst.idx.msk $0xffff, v2;
	v2 =	vld.idx.msk [tilespmem:v0+s31+$0x0 ss:$0x1], $0xffff  }
.Ltmp3:
0x35: {  	[tilespmem:v1+s28+$0x0 ss:$0x1] =	vst.idx.msk $0xffff, v61;
	(pc) =	sbr.rel @p2 .LBB2_3-.Ltmp3, $4  }
0x36: {  	[tilespmem:v1+s29+$0x0 ss:$0x1] =	vst.idx.msk $0xffff, v62  }
0x37: {  	[tilespmem:v1+s30+$0x0 ss:$0x1] =	vst.idx.msk $0xffff, v63  }
0x38: {  	[tilespmem:v1+s26+$0x0 ss:$0x1] =	vst.idx.msk $0xffff, v3  }
0x39: {  	p1 =	por $0x0, $0x0;
	s13 =	simm.s32 $0x100;
	[tilespmem:v1+s31+$0x0 ss:$0x1] =	vst.idx.msk $0xffff, v2  }
0x3a: {  	s13 =	sadd.s32 $0x700, s12;
	s12 =	sadd.s32 $0x200, s12;
	s14 =	simm.s32 $0x1F0  }
.LBB2_5:
0x3b: {  	s14 =	sadd.s32 $0x10, s14  }
0x3c: {  	v0 =	vld [tilespmem:s12+$0x0];
	p1 =	slt.u32 s14, $0x270  }
.Ltmp4:
0x3d: {  	_ = 	snop;
	(pc) =	sbr.rel @p1 .LBB2_5-.Ltmp4, $2  }
0x3e: {  	_ =	sdelay $0x2  }
0x3f: {  	s12 =	sadd.s32 $0x10, s12;
	[tilespmem:s13+$0x0] =	vst v0;
	s13 =	sadd.s32 $0x10, s13  }
.Ltmp5:
0x40: {  	(pc) =	sbr.rel .LBB2_7-.Ltmp5, $4  }
0x41: {  	_ = 	snop  }
0x42: {  	s10 =	sshrl.u32 s10, $0x3  }
0x43: {  	s10 =	sadd.s32 s4, s10  }
0x44: {  	[hbm4b:s10+s3] =	stream.linear.scatter [tilespmem:s11], [sflag:$0x2], $0x280, $0x38;
	[tilespmem:$0xA00] =	vst v63  }
.LBB2_8:
0x45: {  	_ =	sfence.sel $0x180000  }
0x46: {  	s2 =	simm.s32 $0x1;
	[bflag:$0x0] =	sbarrier.arrive $0xFFFF  }
0x47: {  	s31 =	simm.s32 $0x2;
	[sflag:s2] =	ssyncpa.u1 $0x1  }
0x48: {  	[sflag:s31] =	ssyncpa.u1 $0x1  }
0x49: {  	_ =	strace $0x9000004D  }
0x4a: {  	s0 =	sadd.s32 @!p0 $0x100000, s0;
	[bflag:$0x2] =	sbarrier.arrive $0xFFFF  }
0x4b: {  	[sflag:s0] =	ssyncadd.tile.s32 @!p0 $0x1;
	s0 =	simm.s32 @!p0 $0x3F  }
0x4c: {  	_ =	swait.ge @!p0 [sflag:s0], s1  }
0x4d: {  	s1 =	ssub.s32 @!p0 $0x0, s1;
	[sflag:s0] =	ssyncset.done @!p0 $0x0  }
0x4e: {  	[sflag:s0] =	ssyncadd.s32 @!p0 s1  }
0x4f: {  	[bflag:$0x3] =	sbarrier.arrive $0xFFFF  }
0x50: {  	_ =	shalt  }
.Lfunc_end2:
execute1_lowered:
.L_overlay_start_2:
0x51: {  	(tag) =	ssettag $0x2  }
0x52: {  	s0 =	rddreg [dreg:$0x0];
	_ =	strace $0x80000050;
	s3 =	simm.s32 $0x1  }
0x53: {  	v1 =	vimm.s32 $0xFFFFFFFF;
	[sflag:s3] =	ssyncpa.u1 $0x0  }
0x54: {  	[tilespmem:$0x10] =	vst v1  }
0x55: {  	v0 =	vimm.s32 $0x80000000;
	[tilespmem:$0x20] =	vst v1  }
0x56: {  	[tilespmem:$0x30] =	vst v0  }
0x57: {  	s2 =	simm.s32 $0x2;
	s26 =	stileid.u32;
	[tilespmem:$0x40] =	vst v0  }
0x58: {  	s5 =	simm.s32 $0x7;
	s7 =	simm.s32 $0x8;
	s31 =	simm.s32 $0x9;
	[tilespmem:$0x50] =	vst v0  }
0x59: {  	s14 =	simm.s32 $0x0;
	s15 =	simm.s32 $0x100;
	s19 =	simm.s32 $0xC700;
	[tilespmem:$0x60] =	vst v1  }
0x5a: {  	s20 =	simm.s32 $0xF;
	s21 =	simm.s32 $0x50;
	s22 =	simm.s32 $0x58FF;
	[tilespmem:$0x70] =	vst v1  }
0x5b: {  	s23 =	simm.s32 $0x20;
	s24 =	simm.s32 $0x30;
	s25 =	simm.s32 $0xB0FF;
	[tilespmem:$0x80] =	vst v1  }
0x5c: {  	s30 =	simm.s32 $0x0;
	s29 =	simm.s32 $0x0;
	s6 =	smul.u32 $0x1600, s26;
	v1 =	vimm.s32 $0x0;
	[tilespmem:$0xB0] =	vst v0  }
.Ltmp6:
0x5d: {  	s1 =	sadd.s32 $0x5400, s0;
	s4 =	sadd.s32 $0x1BC00, s0;
	[tilespmem:$0x90] =	vst v1;
	(pc) =	sbr.rel .LBB3_1-.Ltmp6, $4  }
0x5e: {  	s8 =	sadd.s32 $0x1E800, s0;
	s10 =	sshll.u32 s26, $0x1;
	[tilespmem:$0xA0] =	vst v1;
	[sflag:s2] =	ssyncpa.u1 $0x0  }
0x5f: {  	s12 =	sshllo.u32 s26, $0x1;
	s26 =	simm.s32 $0x80;
	[sflag:s5] =	ssyncpa.u1 $0x0  }
0x60: {  	vm0 =	vmmov $0xffff;
	v2 =	vlaneseq.u32;
	s11 =	sor.u32 $0x81, s10;
	s13 =	sor.u32 $0x80, s10;
	[sflag:s7] =	ssyncpa.u1 $0x0  }
0x61: {  	vm1 =	vmxor vm1, vm1;
	vm2 =	vmmov $0x1;
	vm3 =	vcmask $0x3F3C;
	s9 =	sadd.s32 $0x1600, s6;
	s28 =	smov.u32 s6;
	[sflag:s31] =	ssyncpa.u1 $0x0  }
.LBB3_3:
0x62: {  	s0 =	sshrl.u32 s28, $0x3  }
0x63: {  	s2 =	sand.u32 $0x7, s28;
	s0 =	sadd.s32 s4, s0  }
0x64: {  	[tilespmem:s15], [sflag:$0x7] =	stream.linear.gather [hbm4b:s0+s2], $0x1600, $0x38;
	[tilespmem:$0xC720] =	vst v63  }
.LBB3_4:
0x65: {  	s0 =	sadd.s32 $0x1600, s28  }
0x66: {  	s2 =	smov.u32 s6;
	s29 =	sadd.s32 $0x1, s29;
	p0 =	slt.s32 s0, s9  }
0x67: {  	s2 =	smov.u32 @p0 s0;
	p0 =	sne.s32 s29, $0x4  }
.Ltmp7:
0x68: {  	_ = 	snop;
	(pc) =	sbr.rel @!p0 .LBB3_13-.Ltmp7, $2  }
0x69: {  	_ =	sdelay $0x2  }
0x6a: {  	s30 =	smov.u32 s28;
	s28 =	smov.u32 s2  }
.LBB3_1:
0x6b: {  	p0 =	sgt.s32 s29, $0x1  }
.Ltmp8:
0x6c: {  	_ = 	snop;
	(pc) =	sbr.rel @p0 .LBB3_11-.Ltmp8, $1  }
0x6d: {  	_ =	sdelay $0x3  }
0x6e: {  	p0 =	seq.s32 s29, $0x0  }
.Ltmp9:
0x6f: {  	_ = 	snop;
	(pc) =	sbr.rel @p0 .LBB3_3-.Ltmp9, $1  }
0x70: {  	_ =	sdelay $0x3  }
0x71: {  	_ =	swait.ge [sflag:s5], $0x1600  }
0x72: {  	[sflag:s5] =	ssyncset.done $0x0  }
0x73: {  	[sflag:s5] =	ssyncadd.s32 $0xFFFFEA00;
	(ifvalue) =	ssetifvalue $0xFFFFFFFF;
	v3 =	vld.msk [tilespmem:s15+$0x0 ss:$0x1], $0xffff;
	_ =	sdelay $0x4  }
0x74: {  	v4 =	vperm.xlane v3, v1  }
0x75: {  	vm4 =	vlt.u32 v3, $0x2800  }
0x76: {  	v3 =	vnsel vm4, $0xFFFFFFFE, v3;
	vm4 =	vlt.u32 v4, $0x2800  }
0x77: {  	[tilespmem:$0x70] =	vst v3;
	v3 =	vnsel vm4, $0xFFFFFFFE, v4  }
0x78: {  	s17 =	simm.s32 $0x16F0;
	[tilespmem:$0x80] =	vst v3  }
0x79: {  	v3 =	vld.msk [tilespmem:s17+$0x0 ss:$0x1], $0xffff;
	_ =	sdelay $0x4  }
0x7a: {  	(xrf1) =	vunique.msk.u32 $0xffff, v3;
	_ =	sdelay $0xd  }
0x7b: {  	v4 =	vimm.s32 $0xFFFFFFFF;
	v5, _, _ =	vpop (xrf1)  }
0x7c: {  	vm5 =	vne.s32 v3, v4;
	vm4 =	veq.s32 v5, v2  }
0x7d: {  	vm6 =	vlt.u32 v3, $0x2800;
	vm4 =	vmand vm5, vm4  }
0x7e: {  	vm4 =	vmand vm6, vm4  }
0x7f: {  	v4 =	vnsel vm4, $0xFFFFFFFF, v3;
	_ =	sdelay $0x3  }
0x80: {  	s0 =	simm.s32 $0x58F0;
	(ifvalue) =	ssetifvalue $0xFFFFFFFF  }
0x81: {  	v3 =	vperm.xlane v3, v1;
	[tilespmem:s0], [sflag:$0x8] =	stream.indirect_vreg.gather [hbm4b:s1+s14], $0x1, v4, vm0, $0x4038;
	v4 =	vnsel vm6, $0xFFFFFFFE, v4;
	[tilespmem:$0xC720] =	vst v63  }
0x82: {  	s2 =	simm.s32 $0x0;
	s16 =	simm.s32 $0x16E0;
	[tilespmem:s17+$0x0] =	vst v4  }
.LBB3_6:
0x83: {  	v4 =	vld.msk [tilespmem:s16+$0x0 ss:$0x1], $0xffff;
	s2 =	sadd.s32 $0x10, s2;
	v5 =	vmov v3;
	s17 =	smov.u32 s16  }
0x84: {  	p0 =	slt.u32 s2, $0x15F0;
	_ =	sdelay $0x4  }
0x85: {  	v3 =	vperm.xlane v4, v1;
	(xrf1) =	vunique.msk.u32 $0xffff, v4;
	_ =	sdelay $0xd  }
0x86: {  	v6, _, _ =	vpop (xrf1)  }
0x87: {  	vm5 =	vne.s32 v4, v5;
	vm4 =	veq.s32 v6, v2  }
0x88: {  	vm6 =	vlt.u32 v4, $0x2800;
	vm4 =	vmand vm5, vm4  }
0x89: {  	vm4 =	vmand vm6, vm4  }
0x8a: {  	v4 =	vnsel vm4, $0xFFFFFFFF, v4  }
.Ltmp10:
0x8b: {  	v5 =	vnsel vm6, $0xFFFFFFFE, v4;
	(pc) =	sbr.rel @p0 .LBB3_6-.Ltmp10, $3  }
0x8c: {  	_ =	sdelay $0x1  }
0x8d: {  	s16 =	sadd.s32 $0xFFFFFFF0, s16;
	s0 =	sadd.s32 $0xFFFFFFF0, s0;
	(ifvalue) =	ssetifvalue $0xFFFFFFFF  }
0x8e: {  	[tilespmem:s0], [sflag:$0x8] =	stream.indirect_vreg.gather [hbm4b:s1+s14], $0x1, v4, vm0, $0x4038;
	[tilespmem:s17+$0x0] =	vst v5  }
.Ltmp11:
0x8f: {  	(pc) =	sbr.rel .LBB3_4-.Ltmp11, $4  }
0x90: {  	_ = 	snop  }
0x91: {  	s0 =	sshrl.u32 s30, $0x3  }
0x92: {  	s2 =	simm.s32 $0x6F00;
	s0 =	sadd.s32 s8, s0  }
0x93: {  	[tilespmem:s2], [sflag:$0x8] =	stream.linear.gather [hbm:s0], $0x1600, $0x38;
	[tilespmem:$0xC720] =	vst v63  }
.LBB3_11:
0x94: {  	p0 =	seq.s32 s29, $0x2  }
.Ltmp12:
0x95: {  	_ = 	snop;
	(pc) =	sbr.rel @!p0 .LBB3_12-.Ltmp12, $1  }
0x96: {  	_ =	sdelay $0x3  }
0x97: {  	_ =	swait.ge [sflag:s7], $0x2C00  }
0x98: {  	[sflag:s7] =	ssyncset.done $0x0  }
0x99: {  	s0 =	simm.s32 $0x16FF;
	[sflag:s7] =	ssyncadd.s32 $0xFFFFD400  }
0x9a: {  	[spmem:s11] =	stream.linear.scatter [tilespmem:s0], [sflag:$0x1], $0x1, $0x38;
	[tilespmem:$0xC720] =	vst v63  }
0x9b: {  	_ =	swait.ge [sflag:s3], $0x1  }
0x9c: {  	[sflag:s3] =	ssyncset.done $0x0  }
0x9d: {  	[sflag:s3] =	ssyncadd.s32 $0xFFFFFFFF  }
0x9e: {  	v4 =	vld [tilespmem:$0x10]  }
0x9f: {  	v5 =	vld [tilespmem:$0x70]  }
0xa0: {  	v3 =	vld [tilespmem:$0x80];
	_ =	sdelay $0x2  }
0xa1: {  	(v2sf) =	vpush v4, $0x0  }
0xa2: {  	(v2sf) =	vpush v5, $0x0  }
0xa3: {  	(v2sf) =	vpush v3, $0x0;
	_ =	sdelay $0xc  }
0xa4: {  	s18 =	spop (v2sf)  }
0xa5: {  	s2 =	spop (v2sf)  }
0xa6: {  	s30 =	spop (v2sf)  }
0xa7: {  	p0 =	seq.s32 s18, s2;
	p1 =	seq.s32 s30, s18  }
0xa8: {  	p1 =	por p0, p1  }
0xa9: {  	s2 =	simm.s32 $0x10;
	v4 =	vpsel p1, $0xFFFFFFFF, v4  }
0xaa: {  	[tilespmem:s2+$0x0] =	vst.msk $0x1, v4  }
0xab: {  	v4 =	vld [tilespmem:$0x30]  }
0xac: {  	v5 =	vld [tilespmem:$0x6F00]  }
0xad: {  	v6 =	vld [tilespmem:$0x40];
	_ =	sdelay $0x3  }
0xae: {  	vm4 =	vmmov vm1;
	vm6 =	vmmov vm2;
	vm5 =	vgt.s32 v4, v5  }
0xaf: {  	s16 =	simm.s32 $0x6F00;
	vm4 =	vmmov @p0 vm2;
	v5 =	vsel vm5, v4, v5;
	vm5 =	vgt.s32 v4, v6  }
0xb0: {  	vm6 =	vmmov @p1 vm1;
	v4 =	vsel vm5, v4, v6;
	[tilespmem:s16+$0x0] =	vst.msk vm4, v5  }
0xb1: {  	[tilespmem:s19+$0x0] =	vst.msk vm6, v4  }
0xb2: {  	v4 =	vld [tilespmem:$0x58F0];
	_ =	sdelay $0x4  }
0xb3: {  	v4 =	vshift.insert v4, v1, s20;
	_ =	sdelay $0x1  }
0xb4: {  	v5 =	vimm.s32 $0x80000000;
	[tilespmem:s21+$0x0] =	vst.msk $0x1, v4  }
0xb5: {  	[tilespmem:s22+$0x0] =	vst.msk $0x1, v5  }
0xb6: {  	v4 =	vld [tilespmem:$0x16F0];
	_ =	sdelay $0x4  }
0xb7: {  	v4 =	vshift.insert v4, v1, s20;
	_ =	sdelay $0x1  }
0xb8: {  	[tilespmem:s23+$0x0] =	vst.msk $0x1, v4  }
0xb9: {  	v6 =	vld [tilespmem:s16+$0x0]  }
0xba: {  	s17 =	simm.s32 $0x100  }
0xbb: {  	v7 =	vld [tilespmem:s17+$0x0];
	_ =	sdelay $0x2  }
0xbc: {  	vm4 =	vgt.s32 v6, v5  }
0xbd: {  	v5 =	vsel vm4, v6, v5  }
0xbe: {  	vm4 =	vne.s32 v7, $0xFFFFFFFF;
	v5 =	vxor.u32 $0x80000000, v5  }
0xbf: {  	(xrf0) =	vmax.seg.scan.u32 vm4, v5  }
0xc0: {  	s18 =	simm.s32 $0x4300  }
0xc1: {  	v8 =	vld [tilespmem:s18+$0x0]  }
0xc2: {  	v6 =	vld [tilespmem:$0xA0];
	_ =	sdelay $0x2  }
0xc3: {  	v5 =	vperm.xlane v4, v1;
	v9, _, _ =	vpop (xrf0)  }
0xc4: {  	vm6 =	veq.s32 v7, v3;
	v9 =	vxor.u32 $0x80000000, v9  }
0xc5: {  	vm8 =	veq.s32 v7, v5;
	vm5 =	veq.s32 v6, $0x1;
	vm7 =	vgt.s32 v9, v8  }
0xc6: {  	vm8 =	vmor vm8, vm6;
	v6 =	vsel vm7, v9, v8;
	vm7 =	vgt.u32 v7, $0xFFFFFFFD  }
0xc7: {  	v10 =	vld [tilespmem:$0x90];
	vm9 =	vmand vm4, vm3;
	vm4 =	vmor vm5, vm6;
	vm5 =	vmor vm8, vm7  }
0xc8: {  	v8 =	vsel vm5, $0xFFFFFFFF, v7;
	_ =	sdelay $0x1  }
0xc9: {  	s31 =	simm.s32 $0x9B00  }
0xca: {  	s0 =	simm.s32 $0x0;
	s2 =	simm.s32 $0x6F10;
	s16 =	simm.s32 $0x110;
	v11 =	vsel vm9, $0x80000000, v9;
	v6 =	vsel vm6, v9, v6  }
0xcb: {  	s17 =	simm.s32 $0x9B10;
	s18 =	simm.s32 $0x4310;
	[tilespmem:s31+$0x0] =	vst v6;
	v6 =	vsel vm6, v9, v10;
	v7 =	vshift.insert v11, v0, s20;
	(ifvalue) =	ssetifvalue $0xFFFFFFFF  }
.LBB3_9:
0xcc: {  	[hbm4b:s1+s14] =	stream.indirect_vreg.scatter [tilespmem:s31], [sflag:$0x2], $0x1, v8, vm0, $0x4038;
	[tilespmem:$0xC720] =	vst v63  }
0xcd: {  	s0 =	sadd.s32 $0x10, s0;
	s31 =	smov.u32 s17;
	v8 =	vld [tilespmem:s2+$0x0]  }
0xce: {  	p0 =	slt.u32 s0, $0x15F0  }
0xcf: {  	v9 =	vld [tilespmem:s16+$0x0];
	_ =	sdelay $0x2  }
0xd0: {  	vm5 =	vgt.s32 v8, v7  }
0xd1: {  	v7 =	vsel vm5, v8, v7  }
0xd2: {  	vm5 =	vne.s32 v9, $0xFFFFFFFF;
	v7 =	vxor.u32 $0x80000000, v7  }
0xd3: {  	(xrf0) =	vmax.seg.scan.u32 vm5, v7;
	_ =	sdelay $0x2  }
0xd4: {  	v7 =	vld [tilespmem:s18+$0x0];
	_ =	sdelay $0x1  }
0xd5: {  	vm6 =	veq.s32 v9, v3;
	vm7 =	veq.s32 v9, v5  }
0xd6: {  	vm8 =	vgt.u32 v9, $0xFFFFFFFD;
	vm4 =	vmor vm4, vm6;
	vm7 =	vmor vm7, vm6;
	v8, _, _ =	vpop (xrf0)  }
0xd7: {  	vm5 =	vmand vm5, vm3;
	vm7 =	vmor vm7, vm8;
	v10 =	vxor.u32 $0x80000000, v8  }
.Ltmp13:
0xd8: {  	v8 =	vsel vm7, $0xFFFFFFFF, v9;
	vm7 =	vgt.s32 v10, v7;
	v9 =	vsel vm5, $0x80000000, v10;
	(pc) =	sbr.rel @p0 .LBB3_9-.Ltmp13, $4  }
0xd9: {  	v6 =	vsel vm6, v10, v6;
	v11 =	vsel vm7, v10, v7;
	v7 =	vshift.insert v9, v0, s20  }
0xda: {  	v9 =	vsel vm6, v10, v11  }
0xdb: {  	s2 =	sadd.s32 $0x10, s2;
	s16 =	sadd.s32 $0x10, s16;
	[tilespmem:s17+$0x0] =	vst v9  }
0xdc: {  	s18 =	sadd.s32 $0x10, s18;
	s17 =	sadd.s32 $0x10, s17;
	(ifvalue) =	ssetifvalue $0xFFFFFFFF  }
0xdd: {  	_ =	sdelay $0x3  }
0xde: {  	[hbm4b:s1+s14] =	stream.indirect_vreg.scatter [tilespmem:s31], [sflag:$0x2], $0x1, v8, vm0, $0x4038;
	[tilespmem:$0xC720] =	vst v63  }
0xdf: {  	v3 =	vld [tilespmem:$0xB0F0];
	_ =	sdelay $0x4  }
0xe0: {  	v3 =	vshift.insert v3, v1, s20;
	_ =	sdelay $0x1  }
0xe1: {  	[tilespmem:s24+$0x0] =	vst.msk $0x1, v3  }
0xe2: {  	v3 =	vsel vm4, $0x1, v1;
	[tilespmem:$0x90] =	vst v6  }
0xe3: {  	[tilespmem:$0xA0] =	vst v3  }
0xe4: {  	[spmem:s12] =	stream.linear.scatter [tilespmem:s25], [sflag:$0x1], $0x1, $0x38;
	[tilespmem:$0xC720] =	vst v63  }
0xe5: {  	v3 =	vmctz.xlane vm4;
	_ =	swait.ge [sflag:s3], $0x1  }
0xe6: {  	(v2sf) =	vpush v4, $0x0  }
0xe7: {  	(v2sf) =	vpush v3, $0x0;
	_ =	sdelay $0xd  }
0xe8: {  	s0 =	spop (v2sf)  }
0xe9: {  	s2 =	spop (v2sf)  }
0xea: {  	[sflag:s3] =	ssyncset.done $0x0;
	p0 =	sne.s32 s30, s0;
	p1 =	slt.s32 s2, $0xF  }
0xeb: {  	[sflag:s3] =	ssyncadd.s32 $0xFFFFFFFF;
	v3 =	vimm.s32 @!p0 $0xFFFFFFFF;
	s2 =	simm.s32 @!p1 $0xF  }
0xec: {  	[tilespmem:$0x80] =	vst @!p0 v3;
	s31 =	sadd.s32 $0x90, s2  }
0xed: {  	[spmem:s10] =	stream.linear.scatter [tilespmem:s31], [sflag:$0x1], $0x1, $0x38;
	[tilespmem:$0xC720] =	vst v63  }
0xee: {  	_ =	swait.ge [sflag:s3], $0x1  }
0xef: {  	[sflag:s3] =	ssyncset.done $0x0  }
0xf0: {  	[sflag:s3] =	ssyncadd.s32 $0xFFFFFFFF  }
0xf1: {  	[spmem:s13] =	stream.linear.scatter [tilespmem:s26], [sflag:$0x1], $0x1, $0x38;
	[tilespmem:$0xC720] =	vst v63  }
0xf2: {  	_ =	swait.ge [sflag:s3], $0x1  }
0xf3: {  	[sflag:s3] =	ssyncset.done $0x0  }
0xf4: {  	[sflag:s3] =	ssyncadd.s32 $0xFFFFFFFF;
	(ifvalue) =	ssetifvalue $0xFFFFFFFF;
	v3 =	vld [tilespmem:$0x10];
	_ =	sdelay $0x3  }
.Ltmp14:
0xf5: {  	_ = 	snop;
	(pc) =	sbr.rel .LBB3_4-.Ltmp14, $3  }
0xf6: {  	_ =	sdelay $0x1  }
0xf7: {  	(ifvalue) =	ssetifvalue $0xFFFFFFFF  }
0xf8: {  	[hbm4b:s1+s14] =	stream.indirect_vreg.scatter [tilespmem:s19], [sflag:$0x9], $0x1, v3, vm0, $0x4038;
	[tilespmem:$0xC720] =	vst v63  }
.LBB3_12:
0xf9: {  	s0 =	simm.s32 $0x2  }
0xfa: {  	_ =	swait.ge [sflag:s0], $0x1600  }
0xfb: {  	[sflag:s0] =	ssyncset.done $0x0  }
0xfc: {  	s31 =	simm.s32 $0x9;
	[sflag:s0] =	ssyncadd.s32 $0xFFFFEA00  }
0xfd: {  	_ =	swait.ge [sflag:s31], $0x10  }
0xfe: {  	[sflag:s31] =	ssyncset.done $0x0  }
0xff: {  	[sflag:s31] =	ssyncadd.s32 $0xFFFFFFF0  }
.LBB3_13:
0x100: {  	_ =	sfence.sel $0x180000  }
0x101: {  	s0 =	simm.s32 $0x7;
	[bflag:$0x0] =	sbarrier.arrive $0xFFFF  }
0x102: {  	s26 =	simm.s32 $0x8;
	[sflag:s0] =	ssyncpa.u1 $0x1  }
0x103: {  	s28 =	simm.s32 $0x9;
	[sflag:s26] =	ssyncpa.u1 $0x1  }
0x104: {  	[sflag:s28] =	ssyncpa.u1 $0x1  }
0x105: {  	_ =	sfence.stream.spmem  }
0x106: {  	s29 =	simm.s32 $0x3;
	[bflag:$0x0] =	sbarrier.arrive $0xFFFF  }
0x107: {  	s30 =	simm.s32 $0x4;
	[sflag:s29] =	ssyncpa.u1 $0x1  }
0x108: {  	s31 =	simm.s32 $0x3C;
	s2 =	stileid.u32;
	[sflag:s30] =	ssyncpa.u1 $0x1  }
0x109: {  	p0 =	sne.s32 s2, $0x0;
	[sflag:s31] =	ssyncpa.u1 $0x1  }
0x10a: {  	s0 =	simm.s32 @p0 $0x1;
	_ =	sfence @p0  }
0x10b: {  	[sflag:s0] =	ssyncpa.u1 @p0 $0x1;
	s0 =	simm.s32 @p0 $0x2  }
0x10c: {  	[sflag:s0] =	ssyncpa.u1 @p0 $0x1  }
0x10d: {  	_ =	strace @p0 $0x90000050  }
0x10e: {  	[bflag:$0x2] =	sbarrier.arrive @p0 $0xFFFF  }
0x10f: {  	_ =	shalt @p0  }
.LBB3_14:
0x110: {  	_ =	sfence.stream.spmem;
	s0 =	simm.s32 $0x5  }
0x111: {  	s2 =	simm.s32 $0x80;
	s3 =	simm.s32 $0xC0;
	[sflag:s0] =	ssyncpa.u1 $0x0  }
0x112: {  	[tilespmem:s3], [sflag:$0x5] =	stream.linear.gather [spmem:s2], $0x20, $0x38;
	[tilespmem:$0xC720] =	vst v63  }
0x113: {  	s30 =	simm.s32 $0xE0;
	s2 =	simm.s32 $0x0  }
0x114: {  	[tilespmem:s30], [sflag:$0x5] =	stream.linear.gather [spmem:s2], $0x20, $0x38;
	[tilespmem:$0xC720] =	vst v63  }
.Ltmp15:
0x115: {  	_ = 	snop;
	(pc) =	sbr.rel .LBB3_15-.Ltmp15, $4  }
0x116: {  	_ =	swait.ge [sflag:s0], $0x40  }
0x117: {  	[sflag:s0] =	ssyncset.done $0x0  }
0x118: {  	s31 =	simm.s32 $0x6;
	[sflag:s0] =	ssyncadd.s32 $0xFFFFFFC0  }
0x119: {  	s3 =	simm.s32 $0x0;
	[sflag:s31] =	ssyncpa.u1 $0x0  }
.LBB3_20:
0x11a: {  	p0 =	sgt.u32 s4, $0x27FF  }
0x11b: {  	s0 =	sshrl.u32 @!p0 s4, $0x3  }
0x11c: {  	s4 =	sand.u32 @!p0 $0x7, s4;
	s5 =	simm.s32 @!p0 $0xB0;
	s0 =	sadd.s32 @!p0 s1, s0  }
0x11d: {  	[tilespmem:s5], [sflag:$0x6] =	stream.linear.gather @!p0 [hbm4b:s0+s4], $0x1, $0x38;
	[tilespmem:$0xC720] =	vst v63  }
0x11e: {  	s0 =	simm.s32 @!p0 $0x6  }
0x11f: {  	_ =	swait.ge @!p0 [sflag:s0], $0x1  }
0x120: {  	[sflag:s0] =	ssyncset.done @!p0 $0x0  }
0x121: {  	[sflag:s0] =	ssyncadd.s32 @!p0 $0xFFFFFFFF  }
0x122: {  	v1 =	vld.msk @!p0 [tilespmem:$0xB0], $0x1  }
0x123: {  	v2 =	vld.msk @!p0 [tilespmem:s3+$0xE0], $0x1;
	_ =	sdelay $0x4  }
0x124: {  	vm0 =	vgt.s32 @!p0 v2, v1  }
0x125: {  	v1 =	vsel @!p0 vm0, v2, v1  }
0x126: {  	[tilespmem:s3+$0xE0] =	vst.msk @!p0 $0x1, v1  }
0x127: {  	[tilespmem:s2+$0xC0] =	vst.msk $0x1, v0  }
0x128: {  	v0 =	vld.msk [tilespmem:s3+$0xE0], $0x1;
	_ =	sdelay $0x4  }
0x129: {  	[tilespmem:s2+$0xE0] =	vst.msk $0x1, v0;
	s2 =	sadd.s32 $0x1, s2  }
.LBB3_22:
0x12a: {  	s3 =	sadd.s32 $0x1, s3  }
0x12b: {  	p0 =	sne.s32 s3, $0x20  }
.Ltmp16:
0x12c: {  	_ = 	snop;
	(pc) =	sbr.rel @!p0 .LBB3_23-.Ltmp16, $1  }
0x12d: {  	_ =	sdelay $0x3  }
.LBB3_15:
0x12e: {  	v0 =	vld.msk [tilespmem:s3+$0xC0], $0x1;
	_ =	sdelay $0x4  }
0x12f: {  	(v2sf) =	vpush v0, $0x0;
	_ =	sdelay $0xe  }
0x130: {  	s4 =	spop (v2sf)  }
0x131: {  	p0 =	seq.s32 s4, $0xFFFFFFFF  }
.Ltmp17:
0x132: {  	_ = 	snop;
	(pc) =	sbr.rel @p0 .LBB3_22-.Ltmp17, $1  }
0x133: {  	_ =	sdelay $0x3  }
0x134: {  	p0 =	slt.s32 s2, $0x1  }
.Ltmp18:
0x135: {  	_ = 	snop;
	(pc) =	sbr.rel @p0 .LBB3_20-.Ltmp18, $1  }
0x136: {  	_ =	sdelay $0x3  }
0x137: {  	s0 =	simm.s32 $0xC0;
	p0 =	por $0x0, $0x0  }
0x138: {  	v1 =	vld.msk @!p0 [tilespmem:s0+$0x0], $0x1;
	_ =	sdelay $0x4  }
0x139: {  	(v2sf) =	vpush @!p0 v1, $0x0;
	_ =	sdelay $0xd  }
0x13a: {  	p2 =	sne.s32 s2, $0x1  }
.Ltmp19:
0x13b: {  	s5 =	spop @!p0 (v2sf);
	(pc) =	sbr.rel @!p2 .LBB3_19-.Ltmp19, $4  }
0x13c: {  	p1 =	seq.s32 @!p0 s4, s5  }
0x13d: {  	s5 =	simm.s32 $0x0;
	p1 =	por !p1, p0  }
0x13e: {  	s7 =	simm.s32 $0xFFFFFFFF;
	s5 =	simm.s32 @p1 $0xFFFFFFFF  }
0x13f: {  	s6 =	simm.s32 $0x1;
	s5 =	smov.u32 @p0 s7  }
.LBB3_18:
0x140: {  	s7 =	smov.u32 s5;
	p0 =	sne.s32 s5, $0xFFFFFFFF  }
0x141: {  	s0 =	sadd.s32 $0x1, s0;
	s5 =	smov.u32 s6;
	s6 =	sadd.s32 $0x1, s6  }
0x142: {  	p1 =	sne.s32 s2, s6;
	v1 =	vld.msk @!p0 [tilespmem:s0+$0x0], $0x1;
	_ =	sdelay $0x4  }
0x143: {  	(v2sf) =	vpush @!p0 v1, $0x0;
	_ =	sdelay $0xe  }
.Ltmp20:
0x144: {  	s8 =	spop @!p0 (v2sf);
	(pc) =	sbr.rel @p1 .LBB3_18-.Ltmp20, $4  }
0x145: {  	p2 =	seq.s32 @!p0 s4, s8  }
0x146: {  	p2 =	por !p2, p0  }
0x147: {  	s5 =	simm.s32 @p2 $0xFFFFFFFF  }
0x148: {  	s5 =	smov.u32 @p0 s7  }
.LBB3_19:
0x149: {  	p0 =	sne.s32 s5, $0xFFFFFFFF  }
.Ltmp21:
0x14a: {  	_ = 	snop;
	(pc) =	sbr.rel @!p0 .LBB3_20-.Ltmp21, $1  }
0x14b: {  	_ =	sdelay $0x3  }
0x14c: {  	v0 =	vld.msk [tilespmem:s3+$0xE0], $0x1  }
0x14d: {  	v1 =	vld.msk [tilespmem:s5+$0xE0], $0x1;
	_ =	sdelay $0x2  }
.Ltmp22:
0x14e: {  	_ = 	snop;
	(pc) =	sbr.rel .LBB3_22-.Ltmp22, $4  }
0x14f: {  	_ = 	snop  }
0x150: {  	vm0 =	vgt.s32 v1, v0  }
0x151: {  	v0 =	vsel vm0, v1, v0  }
0x152: {  	[tilespmem:s5+$0xE0] =	vst.msk $0x1, v0  }
.LBB3_23:
0x153: {  	p0 =	slt.s32 s2, $0x1  }
.Ltmp23:
0x154: {  	_ = 	snop;
	(pc) =	sbr.rel @p0 .LBB3_27-.Ltmp23, $3  }
0x155: {  	_ =	sdelay $0x1  }
0x156: {  	s0 =	simm.s32 $0x6  }
0x157: {  	[sflag:s0] =	ssyncpa.u1 $0x1;
	s0 =	simm.s32 $0x0  }
0x158: {  	s3 =	simm.s32 $0xC0  }
0x159: {  	v0 =	vld.msk [tilespmem:s3+$0x0], $0x1;
	_ =	sdelay $0x4  }
0x15a: {  	(v2sf) =	vpush v0, $0x0;
	_ =	sdelay $0xe  }
0x15b: {  	s2 =	sadd.s32 $0xFFFFFFFF, s2;
	s4 =	spop (v2sf)  }
0x15c: {  	p1 =	sne.s32 s2, $0x0;
	p0 =	sgt.u32 s4, $0x27FF  }
.Ltmp24:
0x15d: {  	s5 =	sshrl.u32 @!p0 s4, $0x3;
	(pc) =	sbr.rel @!p1 .LBB3_26-.Ltmp24, $4  }
0x15e: {  	s3 =	simm.s32 $0xE0;
	s4 =	sand.u32 @!p0 $0x7, s4;
	s5 =	sadd.s32 @!p0 s1, s5  }
0x15f: {  	[hbm4b:s5+s4] =	stream.linear.scatter @!p0 [tilespmem:s3], [sflag:$0x5], $0x1, $0x38;
	[tilespmem:$0xC720] =	vst v63  }
0x160: {  	s5 =	simm.s32 $0x0  }
0x161: {  	s4 =	simm.s32 $0xC1;
	s5 =	simm.s32 @!p0 $0x4  }
.LBB3_25:
0x162: {  	v0 =	vld.msk [tilespmem:s4+$0x0], $0x1;
	s2 =	sadd.s32 $0xFFFFFFFF, s2;
	s0 =	sadd.s32 s0, s5  }
0x163: {  	p0 =	sne.s32 s2, $0x0;
	_ =	sdelay $0x3  }
0x164: {  	(v2sf) =	vpush v0, $0x0;
	_ =	sdelay $0xe  }
.Ltmp25:
0x165: {  	s6 =	spop (v2sf);
	(pc) =	sbr.rel @p0 .LBB3_25-.Ltmp25, $4  }
0x166: {  	s5 =	simm.s32 $0x0;
	p1 =	sgt.u32 s6, $0x27FF  }
0x167: {  	s3 =	sadd.s32 $0x1, s3;
	s5 =	simm.s32 @!p1 $0x4;
	s7 =	sshrl.u32 @!p1 s6, $0x3  }
0x168: {  	s4 =	sadd.s32 $0x1, s4;
	s6 =	sand.u32 @!p1 $0x7, s6;
	s7 =	sadd.s32 @!p1 s1, s7  }
0x169: {  	[hbm4b:s7+s6] =	stream.linear.scatter @!p1 [tilespmem:s3], [sflag:$0x5], $0x1, $0x38;
	[tilespmem:$0xC720] =	vst v63  }
.LBB3_26:
0x16a: {  	s0 =	sadd.s32 s0, s5  }
0x16b: {  	s0 =	sshrl.u32 s0, $0x2  }
.LBB3_27:
0x16c: {  	s1 =	simm.s32 $0x5  }
0x16d: {  	_ =	swait.ge [sflag:s1], s0  }
0x16e: {  	s28 =	ssub.s32 $0x0, s0;
	[sflag:s1] =	ssyncset.done $0x0  }
0x16f: {  	[sflag:s1] =	ssyncadd.s32 s28  }
0x170: {  	[sflag:s1] =	ssyncpa.u1 $0x1  }
0x171: {  	s29 =	simm.s32 $0x1;
	_ =	sfence  }
0x172: {  	s30 =	simm.s32 $0x2;
	[sflag:s29] =	ssyncpa.u1 $0x1  }
0x173: {  	[sflag:s30] =	ssyncpa.u1 $0x1  }
0x174: {  	_ =	strace $0x90000050  }
0x175: {  	[bflag:$0x2] =	sbarrier.arrive $0xFFFF  }
0x176: {  	s31 =	rddreg [dreg:$0x1]  }
0x177: {  	s0 =	sadd.s32 $0x100000, s31  }
0x178: {  	[sflag:s0] =	ssyncadd.tile.s32 $0x1;
	_ =	shalt  }
.Lfunc_end3:
_tile_overlayer_lowered:
.L_overlay_start_3:
0x179: {  	(tag) =	ssettag $0x3  }
0x17a: {  	s0 =	rddreg [dreg:$0x0];
	s2 =	stileid.u32  }
0x17b: {  	s1 =	rddreg [dreg:$0x1];
	p0 =	sne.s32 s2, $0x0  }
0x17c: {  	s3 =	rddreg [dreg:$0x2];
	[bflag:$0x3] =	sbarrier.arrive $0xFFFF;
	s2 =	simm.s32 @!p0 $0x1C01  }
0x17d: {  	[timem:s3], [sflag:s2] =	dma.local @!p0 [hbm:s0], s1  }
0x17e: {  	s0 =	simm.s32 @!p0 $0x1  }
0x17f: {  	_ =	swait.ge @!p0 [sflag:s0], s1  }
0x180: {  	s1 =	ssub.s32 @!p0 $0x0, s1;
	[sflag:s0] =	ssyncset.done @!p0 $0x0  }
0x181: {  	[sflag:s0] =	ssyncadd.s32 @!p0 s1  }
0x182: {  	[bflag:$0x3] =	sbarrier.arrive $0xFFFF  }
0x183: {  	_ =	shalt  }

// kernel: scatter_offload_async_start
scs
__scs_entry_jumppad:
0x0: {  	(pc) =	sbr.rel $0x88, $3  }
0x1: {  	(tag) =	ssettag $0x0;
	lr =	simm.s32 $0x1  }
0x2: {  	[smem:$0x3F96] =	sst lr;
	_ =	strace $0xD0000000  }
0x3: {  	_ = 	snop  }
0x4: {  	_ = 	snop  }
0x5: {  	_ = 	snop  }
0x6: {  	_ = 	snop  }
0x7: {  	_ = 	snop  }
__scs_overlays_trampoline_lowered:
0x8: {  	[smem:$0x3FA5] =	sst s0  }
0x9: {  	[smem:$0x3FA6] =	sst s1  }
0xa: {  	[smem:$0x3FA7] =	sst s2  }
0xb: {  	[smem:$0x3FA8] =	sst s3  }
0xc: {  	[smem:$0x3FA9] =	sst s4  }
0xd: {  	[smem:$0x3FAA] =	sst s5  }
0xe: {  	[smem:$0x3FAB] =	sst s6  }
0xf: {  	[smem:$0x3FAC] =	sst s7  }
0x10: {  	[smem:$0x3FAD] =	sst s8  }
0x11: {  	[smem:$0x3FAE] =	sst s9;
	s0 =	simm.s32 @!p0 $0x0  }
0x12: {  	s1 =	sld [smem:$0x3F94];
	s0 =	simm.s32 @p0 $0x1  }
0x13: {  	[smem:$0x3FAF] =	sst s0;
	s0 =	simm.s32 @!p1 $0x0  }
0x14: {  	s2 =	sld [smem:$0x3F93];
	s0 =	simm.s32 @p1 $0x1  }
0x15: {  	[smem:$0x3FB0] =	sst s0;
	s0 =	simm.s32 @!p2 $0x0  }
0x16: {  	s3 =	sld [smem:$0x3FDB];
	s0 =	simm.s32 @p2 $0x1  }
0x17: {  	s4 =	simm.s32 $0x1BF5;
	[smem:$0x3FB2] =	sst s0  }
0x18: {  	s0 =	sld [smem:$0x3F95];
	_ =	swait.ge [sflag:s4], $0x0  }
0x19: {  	s7 =	sld [smem:$0x3F96]  }
0x1a: {  	s8 =	sadd.s32 $0xFFFFE003, lr  }
0x1b: {  	s9 =	sadd.s32 $0xFFFFFEF7, lr;
	s5 =	simm.s32 $0xFFFFFFFF;
	p2 =	slt.u32 s8, $0xFFFFF086  }
0x1c: {  	p1 =	slt.u32 s9, $0xF7A;
	s5 =	simm.s32 @!p2 $0x0  }
0x1d: {  	s5 =	simm.s32 @p1 $0x1;
	p0 =	seq.s32 s7, s2  }
0x1e: {  	s7 =	smul.u32 @!p0 $0xF7A, s2;
	p2 =	seq.s32 @!p0 s5, $0x0  }
0x1f: {  	s9 =	smul.u32 $0xF7A, s1;
	s8 =	simm.s32 @!p0 $0x1BF5;
	p2 =	por !p2, p0  }
0x20: {  	[sflag:s8] =	ssyncset.s32 @!p0 $0xFFFFF086;
	s6 =	sadd.s32 @!p0 s3, s7;
	s7 =	simm.s32 @!p0 $0x108  }
0x21: {  	s3 =	sadd.s32 s3, s9;
	s6 =	sadd.s32 @!p0 $0x88, s6;
	s7 =	simm.s32 @p2 $0x1082  }
0x22: {  	[simem:s7], [sflag:s8] =	dma.local @!p0 [hbm:s6], $0xF7A  }
0x23: {  	s9 =	sor.u32 $0xD0000000, s2;
	s6 =	simm.s32 $0x108;
	_ =	swait.ge @!p0 [sflag:s8], $0x0  }
0x24: {  	s3 =	sadd.s32 $0x88, s3;
	s6 =	simm.s32 @!p1 $0x1082;
	[sflag:s4] =	ssyncset.s32 $0xFFFFF086  }
0x25: {  	[simem:s6], [sflag:s4] =	dma.local [hbm:s3], $0xF7A  }
0x26: {  	[smem:$0x3F96] =	sst s1;
	(tag) =	ssettag s2;
	_ =	strace s9  }
0x27: {  	s1 =	sld [smem:$0x3FA6]  }
0x28: {  	s2 =	sld [smem:$0x3FA7]  }
0x29: {  	s4 =	sld [smem:$0x3FA9]  }
0x2a: {  	p0 =	seq.s32 s5, $0x0;
	s5 =	sld [smem:$0x3FAA]  }
0x2b: {  	s6 =	sld [smem:$0x3FAB]  }
0x2c: {  	s7 =	sld [smem:$0x3FAC]  }
0x2d: {  	s3 =	simm.s32 $0x108;
	s8 =	sld [smem:$0x3FAD]  }
0x2e: {  	s3 =	simm.s32 @!p0 $0x1082;
	s9 =	sld [smem:$0x3FAE]  }
0x2f: {  	lr =	sadd.s32 s0, s3;
	s0 =	sld [smem:$0x3FA5]  }
0x30: {  	s3 =	sld [smem:$0x3FA8]  }
0x31: {  	[smem:$0x3FB1] =	sst s10  }
0x32: {  	s10 =	sld [smem:$0x3FAF];
	_ =	sdelay $0x3  }
0x33: {  	p0 =	seq.s32 s10, $0x1;
	s10 =	sld [smem:$0x3FB1];
	_ =	sdelay $0x3  }
0x34: {  	[smem:$0x3FB1] =	sst s10  }
0x35: {  	s10 =	sld [smem:$0x3FB0];
	_ =	sdelay $0x3  }
0x36: {  	p1 =	seq.s32 s10, $0x1;
	s10 =	sld [smem:$0x3FB1];
	_ =	sdelay $0x3  }
0x37: {  	[smem:$0x3FB1] =	sst s10  }
0x38: {  	s10 =	sld [smem:$0x3FB2]  }
0x39: {  	_ = 	snop;
	(pc) =	sbr.ind lr, $3  }
0x3a: {  	_ = 	snop  }
0x3b: {  	_ = 	snop  }
0x3c: {  	p2 =	seq.s32 s10, $0x1;
	s10 =	sld [smem:$0x3FB1]  }
0x3d: {  	_ =	shalt  }
0x3e: {  	_ =	shalt  }
0x3f: {  	_ =	shalt  }
0x40: {  	_ =	shalt  }
0x41: {  	_ =	shalt  }
0x42: {  	_ =	shalt  }
0x43: {  	_ =	shalt  }
0x44: {  	_ =	shalt  }
0x45: {  	_ =	shalt  }
0x46: {  	_ =	shalt  }
0x47: {  	_ =	shalt  }
0x48: {  	_ =	shalt  }
0x49: {  	_ =	shalt  }
0x4a: {  	_ =	shalt  }
0x4b: {  	_ =	shalt  }
0x4c: {  	_ =	shalt  }
0x4d: {  	_ =	shalt  }
0x4e: {  	_ =	shalt  }
0x4f: {  	_ =	shalt  }
0x50: {  	_ =	shalt  }
0x51: {  	_ =	shalt  }
0x52: {  	_ =	shalt  }
0x53: {  	_ =	shalt  }
0x54: {  	_ =	shalt  }
0x55: {  	_ =	shalt  }
0x56: {  	_ =	shalt  }
0x57: {  	_ =	shalt  }
0x58: {  	_ =	shalt  }
0x59: {  	_ =	shalt  }
0x5a: {  	_ =	shalt  }
0x5b: {  	_ =	shalt  }
0x5c: {  	_ =	shalt  }
0x5d: {  	_ =	shalt  }
0x5e: {  	_ =	shalt  }
0x5f: {  	_ =	shalt  }
0x60: {  	_ =	shalt  }
0x61: {  	_ =	shalt  }
0x62: {  	_ =	shalt  }
0x63: {  	_ =	shalt  }
0x64: {  	_ =	shalt  }
0x65: {  	_ =	shalt  }
0x66: {  	_ =	shalt  }
0x67: {  	_ =	shalt  }
0x68: {  	_ =	shalt  }
0x69: {  	_ =	shalt  }
0x6a: {  	_ =	shalt  }
0x6b: {  	_ =	shalt  }
0x6c: {  	_ =	shalt  }
0x6d: {  	_ =	shalt  }
0x6e: {  	_ =	shalt  }
0x6f: {  	_ =	shalt  }
0x70: {  	_ =	shalt  }
0x71: {  	_ =	shalt  }
0x72: {  	_ =	shalt  }
0x73: {  	_ =	shalt  }
0x74: {  	_ =	shalt  }
0x75: {  	_ =	shalt  }
0x76: {  	_ =	shalt  }
0x77: {  	_ =	shalt  }
0x78: {  	_ =	shalt  }
0x79: {  	_ =	shalt  }
0x7a: {  	_ =	shalt  }
0x7b: {  	_ =	shalt  }
0x7c: {  	_ =	shalt  }
0x7d: {  	_ =	shalt  }
0x7e: {  	_ =	shalt  }
0x7f: {  	_ =	shalt  }
0x80: {  	_ =	shalt  }
0x81: {  	_ =	shalt  }
0x82: {  	_ =	shalt  }
0x83: {  	_ =	shalt  }
0x84: {  	_ =	shalt  }
0x85: {  	_ =	shalt  }
0x86: {  	_ =	shalt  }
0x87: {  	_ =	shalt  }
.Lfunc_end0:
.L_simem_size_0:
called_computation_lowered:
.L_overlay_start_0:
0x88: {  	s0 =	sld [smem:$0x3FD9]  }
0x89: {  	s1 =	sld [smem:$0x3FFE];
	_ =	sdelay $0x3  }
0x8a: {  	s0 =	sadd.s32 s1, s0  }
0x8b: {  	[smem:$0x3FBD] =	sst s0  }
0x8c: {  	_ = 	snop  }
0x8d: {  	(tm) =	ssettm $0x1  }
0x8e: {  	s14 =	sld [smem:$0x3FFB];
	_ =	sdelay $0x3  }
0x8f: {  	_ =	strace s14  }
0x90: {  	s0 =	sld [smem:$0x3FFC];
	_ =	sdelay $0x3  }
0x91: {  	_ =	strace s0  }
0x92: {  	s0 =	sld [smem:$0x3FFD];
	_ =	sdelay $0x3  }
0x93: {  	_ =	strace s0  }
0x94: {  	_ =	strace $0x8FFFFFFF  }
0x95: {  	s15 =	sld [smem:$0x3FDB];
	_ =	sdelay $0x1  }
0x96: {  	s16 =	simm.s32 $_scs_section_size  }
0x97: {  	s2 =	simm.s32 $_size__tile_overlayer_lowered;
	s3 =	simm.s32 $_tile_overlayer_lowered  }
0x98: {  	s4 =	simm.s32 $0x1BFF;
	s17 =	sshll.u32 s3, $0x1;
	s1 =	sadd.s32 s16, s15  }
0x99: {  	s18 =	simm.s32 $0x0;
	s2 =	sshll.u32 s2, $0x1;
	s3 =	sadd.s32 s17, s1  }
0x9a: {  	[timem:s18], [sflag:s4] =	dma.local [hbm:s3], s2  }
0x9b: {  	_ =	swait.ge [sflag:s4], s2  }
0x9c: {  	s2 =	ssub.s32 $0x0, s2;
	[sflag:s4] =	ssyncset.done $0x0  }
0x9d: {  	[sflag:s4] =	ssyncadd.s32 s2;
	_ =	sdelay $0x1  }
0x9e: {  	s19 =	simm.s32 $0x1B8B  }
0x9f: {  	_ =	swait.ge [sflag:s19], $0x1  }
0xa0: {  	[sflag:s19] =	ssyncset.done $0x0  }
0xa1: {  	s21 =	simm.s32 $0x1B8E;
	s20 =	sld [smem:$0x3FFE];
	[sflag:s19] =	ssyncadd.s32 $0xFFFFFFFF  }
0xa2: {  	s22 =	simm.s32 $execute0_lowered;
	[smem:$0x3FD2] =	sst s21  }
0xa3: {  	s3 =	sshll.u32 s22, $0x1;
	_ =	strace $0x80000046;
	[dreg:$0x1] =	wrdreg $0xFFFFFFFF  }
0xa4: {  	s23 =	simm.s32 $_size_execute0_lowered;
	s3 =	sadd.s32 s1, s3;
	[dreg:$0x0] =	wrdreg $0x0  }
0xa5: {  	s4 =	sshll.u32 s23, $0x1;
	[dreg:$0x2] =	wrdreg s3  }
0xa6: {  	[dreg:$0x3] =	wrdreg s4  }
0xa7: {  	[dreg:$0x4] =	wrdreg $0xC0  }
0xa8: {  	s24 =	simm.s32 $execute1_lowered;
	_ =	task [dreg:s18], $0x5FFFF  }
0xa9: {  	s3 =	sshll.u32 s24, $0x1;
	[dreg:$0x1] =	wrdreg $0xFFFFFFFF  }
0xaa: {  	s1 =	sadd.s32 s1, s3;
	[dreg:$0x0] =	wrdreg $0x60  }
0xab: {  	[dreg:$0x2] =	wrdreg s1  }
0xac: {  	[dreg:$0x3] =	wrdreg s20  }
0xad: {  	[dreg:$0x4] =	wrdreg $0x9  }
0xae: {  	_ =	task.clear_ibuf [dreg:s18], $0x5FFFF;
	_ =	strace $0x90000046  }
0xaf: {  	s25 =	simm.s32 $0x9;
	_ =	strace $0x80000048  }
0xb0: {  	_ =	swait.ge [sflag:s25], $0x1  }
0xb1: {  	[sflag:s25] =	ssyncadd.s32 $0xFFFFFFFF  }
0xb2: {  	_ =	strace $0x90000048  }
0xb3: {  	_ =	strace $0x80000049;
	[dreg:$0x1] =	wrdreg $0xFFFFFFFF  }
0xb4: {  	[dreg:$0x0] =	wrdreg $0x2030  }
0xb5: {  	[dreg:$0x2] =	wrdreg s20  }
0xb6: {  	[dreg:$0x3] =	wrdreg $0xA  }
0xb7: {  	_ =	task.clear_ibuf [dreg:s18], $0x4FFFF;
	_ =	strace $0x90000049  }
0xb8: {  	s26 =	simm.s32 $0xA;
	_ =	strace $0x8000004B  }
0xb9: {  	_ =	swait.ge [sflag:s26], $0x1  }
0xba: {  	[sflag:s26] =	ssyncadd.s32 $0xFFFFFFFF  }
0xbb: {  	_ =	strace $0x9000004B  }
0xbc: {  	_ =	sfence  }
0xbd: {  	s28 =	sld [smem:$0x0];
	_ =	sdelay $0x1  }
0xbe: {  	s29 =	srdreg.scid  }
0xbf: {  	s30 =	sshll.u32 s29, $0xD;
	s31 =	sshrl.u32 s29, $0x2  }
0xc0: {  	s2 =	sand.u32 $0x1, s29;
	s3 =	sand.u32 $0x4000, s30;
	s1 =	sadd.s32 s31, s28  }
0xc1: {  	s2 =	sor.u32 s3, s2;
	s1 =	sshll.u32 s1, $0x11  }
0xc2: {  	s1 =	sor.u32 s1, s2  }
0xc3: {  	s1 =	sadd.s32 $0x8F2B, s1  }
0xc4: {  	[sflag:s1] =	ssyncadd.remote.s32 $0x1  }
0xc5: {  	_ =	sfence.sel $0xFFFF  }
0xc6: {  	[dreg:$0x0] =	wrdreg $0xFFFFFFFF;
	(pc) =	sbr.abs _section_cstart, $3  }
0xc7: {  	[dreg:$0x1] =	wrdreg $0xFFFFFFFF  }
0xc8: {  	_ =	task.clear_ibuf [dreg:s18], $0x2FFFF;
	_ =	strace $0x9FFFFFFF  }
0xc9: {  	(tm) =	ssettm $0x7FFFFFFF  }
tec
execute0_lowered:
.L_overlay_start_1:
0x0: {  	(tag) =	ssettag $0x1  }
0x1: {  	s2 =	rddreg [dreg:$0x0]  }
0x2: {  	s4 =	rddreg [dreg:$0x1]  }
0x3: {  	s0 =	rddreg [dreg:$0x2];
	s5 =	stileid.u32;
	[bflag:$0x3] =	sbarrier.arrive $0xFFFF  }
0x4: {  	s1 =	simm.s32 $_size_execute1_lowered;
	s9 =	simm.s32 $0x1;
	s31 =	simm.s32 $0x2  }
0x5: {  	s10 =	simm.s32 $0x0;
	p0 =	sne.s32 s5, $0x0;
	s1 =	sshll.u32 s1, $0x1  }
0x6: {  	p1 =	seq.s32 s5, $0x0;
	s3 =	simm.s32 @!p0 $0x1C3F;
	s6 =	simm.s32 @!p0 $0x4060  }
0x7: {  	[timem:s6], [sflag:s3] =	dma.local @!p0 [hbm:s2], s1  }
0x8: {  	s9 =	simm.s32 @!p1 $0x0;
	s2 =	smul.u32 $0x280, s5;
	s6 =	simm.s32 @!p0 $0x2800  }
0x9: {  	s3 =	simm.s32 $0x0;
	s5 =	simm.s32 $0x1;
	s6 =	simm.s32 @p0 $0x0  }
.Ltmp0:
0xa: {  	_ =	strace $0x80000047;
	s8 =	ssub.s32 $0x2800, s2;
	(pc) =	sbr.rel .LBB2_1-.Ltmp0, $4  }
0xb: {  	s30 =	sshrl.u32 s2, $0x3;
	p1 =	sne.s32 s8, s6;
	s6 =	simm.s32 $0x1  }
0xc: {  	[sflag:s5] =	ssyncpa.u1 $0x0;
	s7 =	sadd.s32 s30, s4;
	s6 =	simm.s32 @!p1 $0x0  }
0xd: {  	s4 =	sadd.s32 $0x4E00, s4;
	[sflag:s31] =	ssyncpa.u1 $0x0;
	s6 =	sadd.s32 s9, s6  }
0xe: {  	s7 =	sadd.s32 $0x4800, s7;
	s9 =	simm.s32 $0x0;
	s8 =	sadd.s32 $0x1, s6  }
.LBB2_7:
0xf: {  	p2 =	sne.s32 s9, s8  }
.Ltmp1:
0x10: {  	p1 =	slt.u32 s9, $0x2;
	(pc) =	sbr.rel @!p2 .LBB2_8-.Ltmp1, $4  }
0x11: {  	s10 =	simm.s32 @!p1 $0x2  }
0x12: {  	_ =	swait.ge @!p1 [sflag:s10], $0x280  }
0x13: {  	s11 =	sadd.s32 $0x1, s9;
	[sflag:s10] =	ssyncset.done @!p1 $0x0  }
0x14: {  	s9 =	smov.u32 s11;
	[sflag:s10] =	ssyncadd.s32 @!p1 $0xFFFFFD80;
	s10 =	smov.u32 s2  }
.LBB2_1:
0x15: {  	p1 =	sge.u32 s9, s6  }
0x16: {  	s11 =	sxor.u32 @!p1 $0x1, s9  }
0x17: {  	s11 =	smul.u32 @!p1 $0xA00, s11;
	_ =	sdelay $0x1  }
0x18: {  	s31 =	sadd.s32 $0xFFFFFFFF, s9;
	s12 =	simm.s32 @!p1 $0x0;
	s11 =	sshra.s32 @!p1 s11, $0x2  }
0x19: {  	[tilespmem:s11], [sflag:$0x1] =	stream.linear.gather @!p1 [hbm4b:s7+s12], $0x280, $0x38;
	[tilespmem:$0xA00] =	vst v63  }
0x1a: {  	p1 =	sge.u32 s31, s6  }
.Ltmp2:
0x1b: {  	_ = 	snop;
	(pc) =	sbr.rel @p1 .LBB2_7-.Ltmp2, $1  }
0x1c: {  	_ =	sdelay $0x3  }
0x1d: {  	s11 =	sand.u32 $0x1, s9  }
0x1e: {  	s12 =	simm.s32 $0x280;
	p1 =	seq.s32 s11, $0x1  }
0x1f: {  	s12 =	simm.s32 @!p1 $0x0  }
0x20: {  	v0 =	vmov s12  }
0x21: {  	_ =	swait.ge [sflag:s5], $0x280  }
0x22: {  	[sflag:s5] =	ssyncset.done $0x0;
	s11 =	sor.u32 $0x500, s12  }
0x23: {  	s13 =	simm.s32 $0x0;
	[sflag:s5] =	ssyncadd.s32 $0xFFFFFD80;
	p1 =	por $0x1, $0x1;
	v1 =	vmov s11  }
.LBB2_3:
0x24: {  	s14 =	sor.u32 $0x10, s13  }
0x25: {  	v2 =	vld.idx.msk [tilespmem:v0+s14+$0x0 ss:$0x1], $0xffff  }
0x26: {  	s15 =	sor.u32 $0x20, s13;
	v60 =	vld.idx.msk [tilespmem:v0+s13+$0x0 ss:$0x1], $0xffff  }
0x27: {  	s16 =	sor.u32 $0x30, s13;
	v3 =	vld.idx.msk [tilespmem:v0+s15+$0x0 ss:$0x1], $0xffff  }
0x28: {  	s17 =	sor.u32 $0x40, s13;
	v4 =	vld.idx.msk [tilespmem:v0+s16+$0x0 ss:$0x1], $0xffff  }
0x29: {  	s19 =	sor.u32 $0x60, s13;
	v5 =	vld.idx.msk [tilespmem:v0+s17+$0x0 ss:$0x1], $0xffff  }
0x2a: {  	s18 =	sor.u32 $0x50, s13;
	[tilespmem:v1+s14+$0x0 ss:$0x1] =	vst.idx.msk $0xffff, v2;
	v2 =	vld.idx.msk [tilespmem:v0+s19+$0x0 ss:$0x1], $0xffff  }
0x2b: {  	s23 =	sor.u32 $0x80, s13;
	v6 =	vld.idx.msk [tilespmem:v0+s18+$0x0 ss:$0x1], $0xffff;
	[tilespmem:v1+s13+$0x0 ss:$0x1] =	vst.idx.msk $0xffff, v60  }
0x2c: {  	s24 =	sor.u32 $0x90, s13;
	v58 =	vld.idx.msk [tilespmem:v0+s23+$0x0 ss:$0x1], $0xffff;
	[tilespmem:v1+s15+$0x0 ss:$0x1] =	vst.idx.msk $0xffff, v3  }
0x2d: {  	s22 =	sor.u32 $0x70, s13;
	v59 =	vld.idx.msk [tilespmem:v0+s24+$0x0 ss:$0x1], $0xffff;
	[tilespmem:v1+s16+$0x0 ss:$0x1] =	vst.idx.msk $0xffff, v4  }
0x2e: {  	s25 =	sor.u32 $0xA0, s13;
	v3 =	vld.idx.msk [tilespmem:v0+s22+$0x0 ss:$0x1], $0xffff;
	[tilespmem:v1+s17+$0x0 ss:$0x1] =	vst.idx.msk $0xffff, v5  }
0x2f: {  	s28 =	sor.u32 $0xC0, s13;
	[tilespmem:v1+s19+$0x0 ss:$0x1] =	vst.idx.msk $0xffff, v2;
	v2 =	vld.idx.msk [tilespmem:v0+s25+$0x0 ss:$0x1], $0xffff  }
0x30: {  	s29 =	sor.u32 $0xD0, s13;
	v61 =	vld.idx.msk [tilespmem:v0+s28+$0x0 ss:$0x1], $0xffff;
	[tilespmem:v1+s18+$0x0 ss:$0x1] =	vst.idx.msk $0xffff, v6  }
0x31: {  	s30 =	sor.u32 $0xE0, s13;
	v62 =	vld.idx.msk [tilespmem:v0+s29+$0x0 ss:$0x1], $0xffff;
	[tilespmem:v1+s23+$0x0 ss:$0x1] =	vst.idx.msk $0xffff, v58  }
0x32: {  	s26 =	sor.u32 $0xB0, s13;
	v63 =	vld.idx.msk [tilespmem:v0+s30+$0x0 ss:$0x1], $0xffff;
	[tilespmem:v1+s24+$0x0 ss:$0x1] =	vst.idx.msk $0xffff, v59  }
0x33: {  	s31 =	sor.u32 $0xF0, s13;
	[tilespmem:v1+s22+$0x0 ss:$0x1] =	vst.idx.msk $0xffff, v3;
	v3 =	vld.idx.msk [tilespmem:v0+s26+$0x0 ss:$0x1], $0xffff  }
0x34: {  	p2 =	por p1, p1;
	[tilespmem:v1+s25+$0x0 ss:$0x1] =	vst.idx.msk $0xffff, v2;
	v2 =	vld.idx.msk [tilespmem:v0+s31+$0x0 ss:$0x1], $0xffff  }
.Ltmp3:
0x35: {  	[tilespmem:v1+s28+$0x0 ss:$0x1] =	vst.idx.msk $0xffff, v61;
	(pc) =	sbr.rel @p2 .LBB2_3-.Ltmp3, $4  }
0x36: {  	[tilespmem:v1+s29+$0x0 ss:$0x1] =	vst.idx.msk $0xffff, v62  }
0x37: {  	[tilespmem:v1+s30+$0x0 ss:$0x1] =	vst.idx.msk $0xffff, v63  }
0x38: {  	[tilespmem:v1+s26+$0x0 ss:$0x1] =	vst.idx.msk $0xffff, v3  }
0x39: {  	p1 =	por $0x0, $0x0;
	s13 =	simm.s32 $0x100;
	[tilespmem:v1+s31+$0x0 ss:$0x1] =	vst.idx.msk $0xffff, v2  }
0x3a: {  	s13 =	sadd.s32 $0x700, s12;
	s12 =	sadd.s32 $0x200, s12;
	s14 =	simm.s32 $0x1F0  }
.LBB2_5:
0x3b: {  	s14 =	sadd.s32 $0x10, s14  }
0x3c: {  	v0 =	vld [tilespmem:s12+$0x0];
	p1 =	slt.u32 s14, $0x270  }
.Ltmp4:
0x3d: {  	_ = 	snop;
	(pc) =	sbr.rel @p1 .LBB2_5-.Ltmp4, $2  }
0x3e: {  	_ =	sdelay $0x2  }
0x3f: {  	s12 =	sadd.s32 $0x10, s12;
	[tilespmem:s13+$0x0] =	vst v0;
	s13 =	sadd.s32 $0x10, s13  }
.Ltmp5:
0x40: {  	(pc) =	sbr.rel .LBB2_7-.Ltmp5, $4  }
0x41: {  	_ = 	snop  }
0x42: {  	s10 =	sshrl.u32 s10, $0x3  }
0x43: {  	s10 =	sadd.s32 s4, s10  }
0x44: {  	[hbm4b:s10+s3] =	stream.linear.scatter [tilespmem:s11], [sflag:$0x2], $0x280, $0x38;
	[tilespmem:$0xA00] =	vst v63  }
.LBB2_8:
0x45: {  	_ =	sfence.sel $0x180000  }
0x46: {  	s2 =	simm.s32 $0x1;
	[bflag:$0x0] =	sbarrier.arrive $0xFFFF  }
0x47: {  	s31 =	simm.s32 $0x2;
	[sflag:s2] =	ssyncpa.u1 $0x1  }
0x48: {  	[sflag:s31] =	ssyncpa.u1 $0x1  }
0x49: {  	_ =	strace $0x90000047  }
0x4a: {  	s0 =	sadd.s32 @!p0 $0x100000, s0;
	[bflag:$0x2] =	sbarrier.arrive $0xFFFF  }
0x4b: {  	[sflag:s0] =	ssyncadd.tile.s32 @!p0 $0x1;
	s0 =	simm.s32 @!p0 $0x3F  }
0x4c: {  	_ =	swait.ge @!p0 [sflag:s0], s1  }
0x4d: {  	s1 =	ssub.s32 @!p0 $0x0, s1;
	[sflag:s0] =	ssyncset.done @!p0 $0x0  }
0x4e: {  	[sflag:s0] =	ssyncadd.s32 @!p0 s1  }
0x4f: {  	[bflag:$0x3] =	sbarrier.arrive $0xFFFF  }
0x50: {  	_ =	shalt  }
.Lfunc_end2:
execute1_lowered:
.L_overlay_start_2:
0x51: {  	(tag) =	ssettag $0x2  }
0x52: {  	s0 =	rddreg [dreg:$0x0];
	_ =	strace $0x8000004A;
	s3 =	simm.s32 $0x1  }
0x53: {  	v1 =	vimm.s32 $0xFFFFFFFF;
	[sflag:s3] =	ssyncpa.u1 $0x0  }
0x54: {  	[tilespmem:$0x10] =	vst v1  }
0x55: {  	v0 =	vimm.s32 $0x80000000;
	[tilespmem:$0x20] =	vst v1  }
0x56: {  	[tilespmem:$0x30] =	vst v0  }
0x57: {  	s2 =	simm.s32 $0x2;
	s26 =	stileid.u32;
	[tilespmem:$0x40] =	vst v0  }
0x58: {  	s5 =	simm.s32 $0x7;
	s7 =	simm.s32 $0x8;
	s31 =	simm.s32 $0x9;
	[tilespmem:$0x50] =	vst v0  }
0x59: {  	s14 =	simm.s32 $0x0;
	s15 =	simm.s32 $0x100;
	s19 =	simm.s32 $0xC700;
	[tilespmem:$0x60] =	vst v1  }
0x5a: {  	s20 =	simm.s32 $0xF;
	s21 =	simm.s32 $0x50;
	s22 =	simm.s32 $0x58FF;
	[tilespmem:$0x70] =	vst v1  }
0x5b: {  	s23 =	simm.s32 $0x20;
	s24 =	simm.s32 $0x30;
	s25 =	simm.s32 $0xB0FF;
	[tilespmem:$0x80] =	vst v1  }
0x5c: {  	s30 =	simm.s32 $0x0;
	s29 =	simm.s32 $0x0;
	s6 =	smul.u32 $0x1600, s26;
	v1 =	vimm.s32 $0x0;
	[tilespmem:$0xB0] =	vst v0  }
.Ltmp6:
0x5d: {  	s1 =	sadd.s32 $0x4E00, s0;
	s4 =	sadd.s32 $0x21400, s0;
	[tilespmem:$0x90] =	vst v1;
	(pc) =	sbr.rel .LBB3_1-.Ltmp6, $4  }
0x5e: {  	s8 =	sadd.s32 $0x24000, s0;
	s10 =	sshll.u32 s26, $0x1;
	[tilespmem:$0xA0] =	vst v1;
	[sflag:s2] =	ssyncpa.u1 $0x0  }
0x5f: {  	s12 =	sshllo.u32 s26, $0x1;
	s26 =	simm.s32 $0x80;
	[sflag:s5] =	ssyncpa.u1 $0x0  }
0x60: {  	vm0 =	vmmov $0xffff;
	v2 =	vlaneseq.u32;
	s11 =	sor.u32 $0x81, s10;
	s13 =	sor.u32 $0x80, s10;
	[sflag:s7] =	ssyncpa.u1 $0x0  }
0x61: {  	vm1 =	vmxor vm1, vm1;
	vm2 =	vmmov $0x1;
	vm3 =	vcmask $0x3F3C;
	s9 =	sadd.s32 $0x1600, s6;
	s28 =	smov.u32 s6;
	[sflag:s31] =	ssyncpa.u1 $0x0  }
.LBB3_3:
0x62: {  	s0 =	sshrl.u32 s28, $0x3  }
0x63: {  	s2 =	sand.u32 $0x7, s28;
	s0 =	sadd.s32 s4, s0  }
0x64: {  	[tilespmem:s15], [sflag:$0x7] =	stream.linear.gather [hbm4b:s0+s2], $0x1600, $0x38;
	[tilespmem:$0xC720] =	vst v63  }
.LBB3_4:
0x65: {  	s0 =	sadd.s32 $0x1600, s28  }
0x66: {  	s2 =	smov.u32 s6;
	s29 =	sadd.s32 $0x1, s29;
	p0 =	slt.s32 s0, s9  }
0x67: {  	s2 =	smov.u32 @p0 s0;
	p0 =	sne.s32 s29, $0x4  }
.Ltmp7:
0x68: {  	_ = 	snop;
	(pc) =	sbr.rel @!p0 .LBB3_13-.Ltmp7, $2  }
0x69: {  	_ =	sdelay $0x2  }
0x6a: {  	s30 =	smov.u32 s28;
	s28 =	smov.u32 s2  }
.LBB3_1:
0x6b: {  	p0 =	sgt.s32 s29, $0x1  }
.Ltmp8:
0x6c: {  	_ = 	snop;
	(pc) =	sbr.rel @p0 .LBB3_11-.Ltmp8, $1  }
0x6d: {  	_ =	sdelay $0x3  }
0x6e: {  	p0 =	seq.s32 s29, $0x0  }
.Ltmp9:
0x6f: {  	_ = 	snop;
	(pc) =	sbr.rel @p0 .LBB3_3-.Ltmp9, $1  }
0x70: {  	_ =	sdelay $0x3  }
0x71: {  	_ =	swait.ge [sflag:s5], $0x1600  }
0x72: {  	[sflag:s5] =	ssyncset.done $0x0  }
0x73: {  	[sflag:s5] =	ssyncadd.s32 $0xFFFFEA00;
	(ifvalue) =	ssetifvalue $0xFFFFFFFF;
	v3 =	vld.msk [tilespmem:s15+$0x0 ss:$0x1], $0xffff;
	_ =	sdelay $0x4  }
0x74: {  	v4 =	vperm.xlane v3, v1  }
0x75: {  	vm4 =	vlt.u32 v3, $0x2800  }
0x76: {  	v3 =	vnsel vm4, $0xFFFFFFFE, v3;
	vm4 =	vlt.u32 v4, $0x2800  }
0x77: {  	[tilespmem:$0x70] =	vst v3;
	v3 =	vnsel vm4, $0xFFFFFFFE, v4  }
0x78: {  	s17 =	simm.s32 $0x16F0;
	[tilespmem:$0x80] =	vst v3  }
0x79: {  	v3 =	vld.msk [tilespmem:s17+$0x0 ss:$0x1], $0xffff;
	_ =	sdelay $0x4  }
0x7a: {  	(xrf1) =	vunique.msk.u32 $0xffff, v3;
	_ =	sdelay $0xd  }
0x7b: {  	v4 =	vimm.s32 $0xFFFFFFFF;
	v5, _, _ =	vpop (xrf1)  }
0x7c: {  	vm5 =	vne.s32 v3, v4;
	vm4 =	veq.s32 v5, v2  }
0x7d: {  	vm6 =	vlt.u32 v3, $0x2800;
	vm4 =	vmand vm5, vm4  }
0x7e: {  	vm4 =	vmand vm6, vm4  }
0x7f: {  	v4 =	vnsel vm4, $0xFFFFFFFF, v3;
	_ =	sdelay $0x3  }
0x80: {  	s0 =	simm.s32 $0x58F0;
	(ifvalue) =	ssetifvalue $0xFFFFFFFF  }
0x81: {  	v3 =	vperm.xlane v3, v1;
	[tilespmem:s0], [sflag:$0x8] =	stream.indirect_vreg.gather [hbm4b:s1+s14], $0x1, v4, vm0, $0x4038;
	v4 =	vnsel vm6, $0xFFFFFFFE, v4;
	[tilespmem:$0xC720] =	vst v63  }
0x82: {  	s2 =	simm.s32 $0x0;
	s16 =	simm.s32 $0x16E0;
	[tilespmem:s17+$0x0] =	vst v4  }
.LBB3_6:
0x83: {  	v4 =	vld.msk [tilespmem:s16+$0x0 ss:$0x1], $0xffff;
	s2 =	sadd.s32 $0x10, s2;
	v5 =	vmov v3;
	s17 =	smov.u32 s16  }
0x84: {  	p0 =	slt.u32 s2, $0x15F0;
	_ =	sdelay $0x4  }
0x85: {  	v3 =	vperm.xlane v4, v1;
	(xrf1) =	vunique.msk.u32 $0xffff, v4;
	_ =	sdelay $0xd  }
0x86: {  	v6, _, _ =	vpop (xrf1)  }
0x87: {  	vm5 =	vne.s32 v4, v5;
	vm4 =	veq.s32 v6, v2  }
0x88: {  	vm6 =	vlt.u32 v4, $0x2800;
	vm4 =	vmand vm5, vm4  }
0x89: {  	vm4 =	vmand vm6, vm4  }
0x8a: {  	v4 =	vnsel vm4, $0xFFFFFFFF, v4  }
.Ltmp10:
0x8b: {  	v5 =	vnsel vm6, $0xFFFFFFFE, v4;
	(pc) =	sbr.rel @p0 .LBB3_6-.Ltmp10, $3  }
0x8c: {  	_ =	sdelay $0x1  }
0x8d: {  	s16 =	sadd.s32 $0xFFFFFFF0, s16;
	s0 =	sadd.s32 $0xFFFFFFF0, s0;
	(ifvalue) =	ssetifvalue $0xFFFFFFFF  }
0x8e: {  	[tilespmem:s0], [sflag:$0x8] =	stream.indirect_vreg.gather [hbm4b:s1+s14], $0x1, v4, vm0, $0x4038;
	[tilespmem:s17+$0x0] =	vst v5  }
.Ltmp11:
0x8f: {  	(pc) =	sbr.rel .LBB3_4-.Ltmp11, $4  }
0x90: {  	_ = 	snop  }
0x91: {  	s0 =	sshrl.u32 s30, $0x3  }
0x92: {  	s2 =	simm.s32 $0x6F00;
	s0 =	sadd.s32 s8, s0  }
0x93: {  	[tilespmem:s2], [sflag:$0x8] =	stream.linear.gather [hbm:s0], $0x1600, $0x38;
	[tilespmem:$0xC720] =	vst v63  }
.LBB3_11:
0x94: {  	p0 =	seq.s32 s29, $0x2  }
.Ltmp12:
0x95: {  	_ = 	snop;
	(pc) =	sbr.rel @!p0 .LBB3_12-.Ltmp12, $1  }
0x96: {  	_ =	sdelay $0x3  }
0x97: {  	_ =	swait.ge [sflag:s7], $0x2C00  }
0x98: {  	[sflag:s7] =	ssyncset.done $0x0  }
0x99: {  	s0 =	simm.s32 $0x16FF;
	[sflag:s7] =	ssyncadd.s32 $0xFFFFD400  }
0x9a: {  	[spmem:s11] =	stream.linear.scatter [tilespmem:s0], [sflag:$0x1], $0x1, $0x38;
	[tilespmem:$0xC720] =	vst v63  }
0x9b: {  	_ =	swait.ge [sflag:s3], $0x1  }
0x9c: {  	[sflag:s3] =	ssyncset.done $0x0  }
0x9d: {  	[sflag:s3] =	ssyncadd.s32 $0xFFFFFFFF  }
0x9e: {  	v4 =	vld [tilespmem:$0x10]  }
0x9f: {  	v5 =	vld [tilespmem:$0x70]  }
0xa0: {  	v3 =	vld [tilespmem:$0x80];
	_ =	sdelay $0x2  }
0xa1: {  	(v2sf) =	vpush v4, $0x0  }
0xa2: {  	(v2sf) =	vpush v5, $0x0  }
0xa3: {  	(v2sf) =	vpush v3, $0x0;
	_ =	sdelay $0xc  }
0xa4: {  	s18 =	spop (v2sf)  }
0xa5: {  	s2 =	spop (v2sf)  }
0xa6: {  	s30 =	spop (v2sf)  }
0xa7: {  	p0 =	seq.s32 s18, s2;
	p1 =	seq.s32 s30, s18  }
0xa8: {  	p1 =	por p0, p1  }
0xa9: {  	s2 =	simm.s32 $0x10;
	v4 =	vpsel p1, $0xFFFFFFFF, v4  }
0xaa: {  	[tilespmem:s2+$0x0] =	vst.msk $0x1, v4  }
0xab: {  	v4 =	vld [tilespmem:$0x30]  }
0xac: {  	v5 =	vld [tilespmem:$0x6F00]  }
0xad: {  	v6 =	vld [tilespmem:$0x40];
	_ =	sdelay $0x3  }
0xae: {  	vm4 =	vmmov vm1;
	vm6 =	vmmov vm2;
	vm5 =	vgt.s32 v4, v5  }
0xaf: {  	s16 =	simm.s32 $0x6F00;
	vm4 =	vmmov @p0 vm2;
	v5 =	vsel vm5, v4, v5;
	vm5 =	vgt.s32 v4, v6  }
0xb0: {  	vm6 =	vmmov @p1 vm1;
	v4 =	vsel vm5, v4, v6;
	[tilespmem:s16+$0x0] =	vst.msk vm4, v5  }
0xb1: {  	[tilespmem:s19+$0x0] =	vst.msk vm6, v4  }
0xb2: {  	v4 =	vld [tilespmem:$0x58F0];
	_ =	sdelay $0x4  }
0xb3: {  	v4 =	vshift.insert v4, v1, s20;
	_ =	sdelay $0x1  }
0xb4: {  	v5 =	vimm.s32 $0x80000000;
	[tilespmem:s21+$0x0] =	vst.msk $0x1, v4  }
0xb5: {  	[tilespmem:s22+$0x0] =	vst.msk $0x1, v5  }
0xb6: {  	v4 =	vld [tilespmem:$0x16F0];
	_ =	sdelay $0x4  }
0xb7: {  	v4 =	vshift.insert v4, v1, s20;
	_ =	sdelay $0x1  }
0xb8: {  	[tilespmem:s23+$0x0] =	vst.msk $0x1, v4  }
0xb9: {  	v6 =	vld [tilespmem:s16+$0x0]  }
0xba: {  	s17 =	simm.s32 $0x100  }
0xbb: {  	v7 =	vld [tilespmem:s17+$0x0];
	_ =	sdelay $0x2  }
0xbc: {  	vm4 =	vgt.s32 v6, v5  }
0xbd: {  	v5 =	vsel vm4, v6, v5  }
0xbe: {  	vm4 =	vne.s32 v7, $0xFFFFFFFF;
	v5 =	vxor.u32 $0x80000000, v5  }
0xbf: {  	(xrf0) =	vmax.seg.scan.u32 vm4, v5  }
0xc0: {  	s18 =	simm.s32 $0x4300  }
0xc1: {  	v8 =	vld [tilespmem:s18+$0x0]  }
0xc2: {  	v6 =	vld [tilespmem:$0xA0];
	_ =	sdelay $0x2  }
0xc3: {  	v5 =	vperm.xlane v4, v1;
	v9, _, _ =	vpop (xrf0)  }
0xc4: {  	vm6 =	veq.s32 v7, v3;
	v9 =	vxor.u32 $0x80000000, v9  }
0xc5: {  	vm8 =	veq.s32 v7, v5;
	vm5 =	veq.s32 v6, $0x1;
	vm7 =	vgt.s32 v9, v8  }
0xc6: {  	vm8 =	vmor vm8, vm6;
	v6 =	vsel vm7, v9, v8;
	vm7 =	vgt.u32 v7, $0xFFFFFFFD  }
0xc7: {  	v10 =	vld [tilespmem:$0x90];
	vm9 =	vmand vm4, vm3;
	vm4 =	vmor vm5, vm6;
	vm5 =	vmor vm8, vm7  }
0xc8: {  	v8 =	vsel vm5, $0xFFFFFFFF, v7;
	_ =	sdelay $0x1  }
0xc9: {  	s31 =	simm.s32 $0x9B00  }
0xca: {  	s0 =	simm.s32 $0x0;
	s2 =	simm.s32 $0x6F10;
	s16 =	simm.s32 $0x110;
	v11 =	vsel vm9, $0x80000000, v9;
	v6 =	vsel vm6, v9, v6  }
0xcb: {  	s17 =	simm.s32 $0x9B10;
	s18 =	simm.s32 $0x4310;
	[tilespmem:s31+$0x0] =	vst v6;
	v6 =	vsel vm6, v9, v10;
	v7 =	vshift.insert v11, v0, s20;
	(ifvalue) =	ssetifvalue $0xFFFFFFFF  }
.LBB3_9:
0xcc: {  	[hbm4b:s1+s14] =	stream.indirect_vreg.scatter [tilespmem:s31], [sflag:$0x2], $0x1, v8, vm0, $0x4038;
	[tilespmem:$0xC720] =	vst v63  }
0xcd: {  	s0 =	sadd.s32 $0x10, s0;
	s31 =	smov.u32 s17;
	v8 =	vld [tilespmem:s2+$0x0]  }
0xce: {  	p0 =	slt.u32 s0, $0x15F0  }
0xcf: {  	v9 =	vld [tilespmem:s16+$0x0];
	_ =	sdelay $0x2  }
0xd0: {  	vm5 =	vgt.s32 v8, v7  }
0xd1: {  	v7 =	vsel vm5, v8, v7  }
0xd2: {  	vm5 =	vne.s32 v9, $0xFFFFFFFF;
	v7 =	vxor.u32 $0x80000000, v7  }
0xd3: {  	(xrf0) =	vmax.seg.scan.u32 vm5, v7;
	_ =	sdelay $0x2  }
0xd4: {  	v7 =	vld [tilespmem:s18+$0x0];
	_ =	sdelay $0x1  }
0xd5: {  	vm6 =	veq.s32 v9, v3;
	vm7 =	veq.s32 v9, v5  }
0xd6: {  	vm8 =	vgt.u32 v9, $0xFFFFFFFD;
	vm4 =	vmor vm4, vm6;
	vm7 =	vmor vm7, vm6;
	v8, _, _ =	vpop (xrf0)  }
0xd7: {  	vm5 =	vmand vm5, vm3;
	vm7 =	vmor vm7, vm8;
	v10 =	vxor.u32 $0x80000000, v8  }
.Ltmp13:
0xd8: {  	v8 =	vsel vm7, $0xFFFFFFFF, v9;
	vm7 =	vgt.s32 v10, v7;
	v9 =	vsel vm5, $0x80000000, v10;
	(pc) =	sbr.rel @p0 .LBB3_9-.Ltmp13, $4  }
0xd9: {  	v6 =	vsel vm6, v10, v6;
	v11 =	vsel vm7, v10, v7;
	v7 =	vshift.insert v9, v0, s20  }
0xda: {  	v9 =	vsel vm6, v10, v11  }
0xdb: {  	s2 =	sadd.s32 $0x10, s2;
	s16 =	sadd.s32 $0x10, s16;
	[tilespmem:s17+$0x0] =	vst v9  }
0xdc: {  	s18 =	sadd.s32 $0x10, s18;
	s17 =	sadd.s32 $0x10, s17;
	(ifvalue) =	ssetifvalue $0xFFFFFFFF  }
0xdd: {  	_ =	sdelay $0x3  }
0xde: {  	[hbm4b:s1+s14] =	stream.indirect_vreg.scatter [tilespmem:s31], [sflag:$0x2], $0x1, v8, vm0, $0x4038;
	[tilespmem:$0xC720] =	vst v63  }
0xdf: {  	v3 =	vld [tilespmem:$0xB0F0];
	_ =	sdelay $0x4  }
0xe0: {  	v3 =	vshift.insert v3, v1, s20;
	_ =	sdelay $0x1  }
0xe1: {  	[tilespmem:s24+$0x0] =	vst.msk $0x1, v3  }
0xe2: {  	v3 =	vsel vm4, $0x1, v1;
	[tilespmem:$0x90] =	vst v6  }
0xe3: {  	[tilespmem:$0xA0] =	vst v3  }
0xe4: {  	[spmem:s12] =	stream.linear.scatter [tilespmem:s25], [sflag:$0x1], $0x1, $0x38;
	[tilespmem:$0xC720] =	vst v63  }
0xe5: {  	v3 =	vmctz.xlane vm4;
	_ =	swait.ge [sflag:s3], $0x1  }
0xe6: {  	(v2sf) =	vpush v4, $0x0  }
0xe7: {  	(v2sf) =	vpush v3, $0x0;
	_ =	sdelay $0xd  }
0xe8: {  	s0 =	spop (v2sf)  }
0xe9: {  	s2 =	spop (v2sf)  }
0xea: {  	[sflag:s3] =	ssyncset.done $0x0;
	p0 =	sne.s32 s30, s0;
	p1 =	slt.s32 s2, $0xF  }
0xeb: {  	[sflag:s3] =	ssyncadd.s32 $0xFFFFFFFF;
	v3 =	vimm.s32 @!p0 $0xFFFFFFFF;
	s2 =	simm.s32 @!p1 $0xF  }
0xec: {  	[tilespmem:$0x80] =	vst @!p0 v3;
	s31 =	sadd.s32 $0x90, s2  }
0xed: {  	[spmem:s10] =	stream.linear.scatter [tilespmem:s31], [sflag:$0x1], $0x1, $0x38;
	[tilespmem:$0xC720] =	vst v63  }
0xee: {  	_ =	swait.ge [sflag:s3], $0x1  }
0xef: {  	[sflag:s3] =	ssyncset.done $0x0  }
0xf0: {  	[sflag:s3] =	ssyncadd.s32 $0xFFFFFFFF  }
0xf1: {  	[spmem:s13] =	stream.linear.scatter [tilespmem:s26], [sflag:$0x1], $0x1, $0x38;
	[tilespmem:$0xC720] =	vst v63  }
0xf2: {  	_ =	swait.ge [sflag:s3], $0x1  }
0xf3: {  	[sflag:s3] =	ssyncset.done $0x0  }
0xf4: {  	[sflag:s3] =	ssyncadd.s32 $0xFFFFFFFF;
	(ifvalue) =	ssetifvalue $0xFFFFFFFF;
	v3 =	vld [tilespmem:$0x10];
	_ =	sdelay $0x3  }
.Ltmp14:
0xf5: {  	_ = 	snop;
	(pc) =	sbr.rel .LBB3_4-.Ltmp14, $3  }
0xf6: {  	_ =	sdelay $0x1  }
0xf7: {  	(ifvalue) =	ssetifvalue $0xFFFFFFFF  }
0xf8: {  	[hbm4b:s1+s14] =	stream.indirect_vreg.scatter [tilespmem:s19], [sflag:$0x9], $0x1, v3, vm0, $0x4038;
	[tilespmem:$0xC720] =	vst v63  }
.LBB3_12:
0xf9: {  	s0 =	simm.s32 $0x2  }
0xfa: {  	_ =	swait.ge [sflag:s0], $0x1600  }
0xfb: {  	[sflag:s0] =	ssyncset.done $0x0  }
0xfc: {  	s31 =	simm.s32 $0x9;
	[sflag:s0] =	ssyncadd.s32 $0xFFFFEA00  }
0xfd: {  	_ =	swait.ge [sflag:s31], $0x10  }
0xfe: {  	[sflag:s31] =	ssyncset.done $0x0  }
0xff: {  	[sflag:s31] =	ssyncadd.s32 $0xFFFFFFF0  }
.LBB3_13:
0x100: {  	_ =	sfence.sel $0x180000  }
0x101: {  	s0 =	simm.s32 $0x7;
	[bflag:$0x0] =	sbarrier.arrive $0xFFFF  }
0x102: {  	s26 =	simm.s32 $0x8;
	[sflag:s0] =	ssyncpa.u1 $0x1  }
0x103: {  	s28 =	simm.s32 $0x9;
	[sflag:s26] =	ssyncpa.u1 $0x1  }
0x104: {  	[sflag:s28] =	ssyncpa.u1 $0x1  }
0x105: {  	_ =	sfence.stream.spmem  }
0x106: {  	s29 =	simm.s32 $0x3;
	[bflag:$0x0] =	sbarrier.arrive $0xFFFF  }
0x107: {  	s30 =	simm.s32 $0x4;
	[sflag:s29] =	ssyncpa.u1 $0x1  }
0x108: {  	s31 =	simm.s32 $0x3C;
	s2 =	stileid.u32;
	[sflag:s30] =	ssyncpa.u1 $0x1  }
0x109: {  	p0 =	sne.s32 s2, $0x0;
	[sflag:s31] =	ssyncpa.u1 $0x1  }
0x10a: {  	s0 =	simm.s32 @p0 $0x1;
	_ =	sfence @p0  }
0x10b: {  	[sflag:s0] =	ssyncpa.u1 @p0 $0x1;
	s0 =	simm.s32 @p0 $0x2  }
0x10c: {  	[sflag:s0] =	ssyncpa.u1 @p0 $0x1  }
0x10d: {  	_ =	strace @p0 $0x9000004A  }
0x10e: {  	[bflag:$0x2] =	sbarrier.arrive @p0 $0xFFFF  }
0x10f: {  	_ =	shalt @p0  }
.LBB3_14:
0x110: {  	_ =	sfence.stream.spmem;
	s0 =	simm.s32 $0x5  }
0x111: {  	s2 =	simm.s32 $0x80;
	s3 =	simm.s32 $0xC0;
	[sflag:s0] =	ssyncpa.u1 $0x0  }
0x112: {  	[tilespmem:s3], [sflag:$0x5] =	stream.linear.gather [spmem:s2], $0x20, $0x38;
	[tilespmem:$0xC720] =	vst v63  }
0x113: {  	s30 =	simm.s32 $0xE0;
	s2 =	simm.s32 $0x0  }
0x114: {  	[tilespmem:s30], [sflag:$0x5] =	stream.linear.gather [spmem:s2], $0x20, $0x38;
	[tilespmem:$0xC720] =	vst v63  }
.Ltmp15:
0x115: {  	_ = 	snop;
	(pc) =	sbr.rel .LBB3_15-.Ltmp15, $4  }
0x116: {  	_ =	swait.ge [sflag:s0], $0x40  }
0x117: {  	[sflag:s0] =	ssyncset.done $0x0  }
0x118: {  	s31 =	simm.s32 $0x6;
	[sflag:s0] =	ssyncadd.s32 $0xFFFFFFC0  }
0x119: {  	s3 =	simm.s32 $0x0;
	[sflag:s31] =	ssyncpa.u1 $0x0  }
.LBB3_20:
0x11a: {  	p0 =	sgt.u32 s4, $0x27FF  }
0x11b: {  	s0 =	sshrl.u32 @!p0 s4, $0x3  }
0x11c: {  	s4 =	sand.u32 @!p0 $0x7, s4;
	s5 =	simm.s32 @!p0 $0xB0;
	s0 =	sadd.s32 @!p0 s1, s0  }
0x11d: {  	[tilespmem:s5], [sflag:$0x6] =	stream.linear.gather @!p0 [hbm4b:s0+s4], $0x1, $0x38;
	[tilespmem:$0xC720] =	vst v63  }
0x11e: {  	s0 =	simm.s32 @!p0 $0x6  }
0x11f: {  	_ =	swait.ge @!p0 [sflag:s0], $0x1  }
0x120: {  	[sflag:s0] =	ssyncset.done @!p0 $0x0  }
0x121: {  	[sflag:s0] =	ssyncadd.s32 @!p0 $0xFFFFFFFF  }
0x122: {  	v1 =	vld.msk @!p0 [tilespmem:$0xB0], $0x1  }
0x123: {  	v2 =	vld.msk @!p0 [tilespmem:s3+$0xE0], $0x1;
	_ =	sdelay $0x4  }
0x124: {  	vm0 =	vgt.s32 @!p0 v2, v1  }
0x125: {  	v1 =	vsel @!p0 vm0, v2, v1  }
0x126: {  	[tilespmem:s3+$0xE0] =	vst.msk @!p0 $0x1, v1  }
0x127: {  	[tilespmem:s2+$0xC0] =	vst.msk $0x1, v0  }
0x128: {  	v0 =	vld.msk [tilespmem:s3+$0xE0], $0x1;
	_ =	sdelay $0x4  }
0x129: {  	[tilespmem:s2+$0xE0] =	vst.msk $0x1, v0;
	s2 =	sadd.s32 $0x1, s2  }
.LBB3_22:
0x12a: {  	s3 =	sadd.s32 $0x1, s3  }
0x12b: {  	p0 =	sne.s32 s3, $0x20  }
.Ltmp16:
0x12c: {  	_ = 	snop;
	(pc) =	sbr.rel @!p0 .LBB3_23-.Ltmp16, $1  }
0x12d: {  	_ =	sdelay $0x3  }
.LBB3_15:
0x12e: {  	v0 =	vld.msk [tilespmem:s3+$0xC0], $0x1;
	_ =	sdelay $0x4  }
0x12f: {  	(v2sf) =	vpush v0, $0x0;
	_ =	sdelay $0xe  }
0x130: {  	s4 =	spop (v2sf)  }
0x131: {  	p0 =	seq.s32 s4, $0xFFFFFFFF  }
.Ltmp17:
0x132: {  	_ = 	snop;
	(pc) =	sbr.rel @p0 .LBB3_22-.Ltmp17, $1  }
0x133: {  	_ =	sdelay $0x3  }
0x134: {  	p0 =	slt.s32 s2, $0x1  }
.Ltmp18:
0x135: {  	_ = 	snop;
	(pc) =	sbr.rel @p0 .LBB3_20-.Ltmp18, $1  }
0x136: {  	_ =	sdelay $0x3  }
0x137: {  	s0 =	simm.s32 $0xC0;
	p0 =	por $0x0, $0x0  }
0x138: {  	v1 =	vld.msk @!p0 [tilespmem:s0+$0x0], $0x1;
	_ =	sdelay $0x4  }
0x139: {  	(v2sf) =	vpush @!p0 v1, $0x0;
	_ =	sdelay $0xd  }
0x13a: {  	p2 =	sne.s32 s2, $0x1  }
.Ltmp19:
0x13b: {  	s5 =	spop @!p0 (v2sf);
	(pc) =	sbr.rel @!p2 .LBB3_19-.Ltmp19, $4  }
0x13c: {  	p1 =	seq.s32 @!p0 s4, s5  }
0x13d: {  	s5 =	simm.s32 $0x0;
	p1 =	por !p1, p0  }
0x13e: {  	s7 =	simm.s32 $0xFFFFFFFF;
	s5 =	simm.s32 @p1 $0xFFFFFFFF  }
0x13f: {  	s6 =	simm.s32 $0x1;
	s5 =	smov.u32 @p0 s7  }
.LBB3_18:
0x140: {  	s7 =	smov.u32 s5;
	p0 =	sne.s32 s5, $0xFFFFFFFF  }
0x141: {  	s0 =	sadd.s32 $0x1, s0;
	s5 =	smov.u32 s6;
	s6 =	sadd.s32 $0x1, s6  }
0x142: {  	p1 =	sne.s32 s2, s6;
	v1 =	vld.msk @!p0 [tilespmem:s0+$0x0], $0x1;
	_ =	sdelay $0x4  }
0x143: {  	(v2sf) =	vpush @!p0 v1, $0x0;
	_ =	sdelay $0xe  }
.Ltmp20:
0x144: {  	s8 =	spop @!p0 (v2sf);
	(pc) =	sbr.rel @p1 .LBB3_18-.Ltmp20, $4  }
0x145: {  	p2 =	seq.s32 @!p0 s4, s8  }
0x146: {  	p2 =	por !p2, p0  }
0x147: {  	s5 =	simm.s32 @p2 $0xFFFFFFFF  }
0x148: {  	s5 =	smov.u32 @p0 s7  }
.LBB3_19:
0x149: {  	p0 =	sne.s32 s5, $0xFFFFFFFF  }
.Ltmp21:
0x14a: {  	_ = 	snop;
	(pc) =	sbr.rel @!p0 .LBB3_20-.Ltmp21, $1  }
0x14b: {  	_ =	sdelay $0x3  }
0x14c: {  	v0 =	vld.msk [tilespmem:s3+$0xE0], $0x1  }
0x14d: {  	v1 =	vld.msk [tilespmem:s5+$0xE0], $0x1;
	_ =	sdelay $0x2  }
.Ltmp22:
0x14e: {  	_ = 	snop;
	(pc) =	sbr.rel .LBB3_22-.Ltmp22, $4  }
0x14f: {  	_ = 	snop  }
0x150: {  	vm0 =	vgt.s32 v1, v0  }
0x151: {  	v0 =	vsel vm0, v1, v0  }
0x152: {  	[tilespmem:s5+$0xE0] =	vst.msk $0x1, v0  }
.LBB3_23:
0x153: {  	p0 =	slt.s32 s2, $0x1  }
.Ltmp23:
0x154: {  	_ = 	snop;
	(pc) =	sbr.rel @p0 .LBB3_27-.Ltmp23, $3  }
0x155: {  	_ =	sdelay $0x1  }
0x156: {  	s0 =	simm.s32 $0x6  }
0x157: {  	[sflag:s0] =	ssyncpa.u1 $0x1;
	s0 =	simm.s32 $0x0  }
0x158: {  	s3 =	simm.s32 $0xC0  }
0x159: {  	v0 =	vld.msk [tilespmem:s3+$0x0], $0x1;
	_ =	sdelay $0x4  }
0x15a: {  	(v2sf) =	vpush v0, $0x0;
	_ =	sdelay $0xe  }
0x15b: {  	s2 =	sadd.s32 $0xFFFFFFFF, s2;
	s4 =	spop (v2sf)  }
0x15c: {  	p1 =	sne.s32 s2, $0x0;
	p0 =	sgt.u32 s4, $0x27FF  }
.Ltmp24:
0x15d: {  	s5 =	sshrl.u32 @!p0 s4, $0x3;
	(pc) =	sbr.rel @!p1 .LBB3_26-.Ltmp24, $4  }
0x15e: {  	s3 =	simm.s32 $0xE0;
	s4 =	sand.u32 @!p0 $0x7, s4;
	s5 =	sadd.s32 @!p0 s1, s5  }
0x15f: {  	[hbm4b:s5+s4] =	stream.linear.scatter @!p0 [tilespmem:s3], [sflag:$0x5], $0x1, $0x38;
	[tilespmem:$0xC720] =	vst v63  }
0x160: {  	s5 =	simm.s32 $0x0  }
0x161: {  	s4 =	simm.s32 $0xC1;
	s5 =	simm.s32 @!p0 $0x4  }
.LBB3_25:
0x162: {  	v0 =	vld.msk [tilespmem:s4+$0x0], $0x1;
	s2 =	sadd.s32 $0xFFFFFFFF, s2;
	s0 =	sadd.s32 s0, s5  }
0x163: {  	p0 =	sne.s32 s2, $0x0;
	_ =	sdelay $0x3  }
0x164: {  	(v2sf) =	vpush v0, $0x0;
	_ =	sdelay $0xe  }
.Ltmp25:
0x165: {  	s6 =	spop (v2sf);
	(pc) =	sbr.rel @p0 .LBB3_25-.Ltmp25, $4  }
0x166: {  	s5 =	simm.s32 $0x0;
	p1 =	sgt.u32 s6, $0x27FF  }
0x167: {  	s3 =	sadd.s32 $0x1, s3;
	s5 =	simm.s32 @!p1 $0x4;
	s7 =	sshrl.u32 @!p1 s6, $0x3  }
0x168: {  	s4 =	sadd.s32 $0x1, s4;
	s6 =	sand.u32 @!p1 $0x7, s6;
	s7 =	sadd.s32 @!p1 s1, s7  }
0x169: {  	[hbm4b:s7+s6] =	stream.linear.scatter @!p1 [tilespmem:s3], [sflag:$0x5], $0x1, $0x38;
	[tilespmem:$0xC720] =	vst v63  }
.LBB3_26:
0x16a: {  	s0 =	sadd.s32 s0, s5  }
0x16b: {  	s0 =	sshrl.u32 s0, $0x2  }
.LBB3_27:
0x16c: {  	s1 =	simm.s32 $0x5  }
0x16d: {  	_ =	swait.ge [sflag:s1], s0  }
0x16e: {  	s28 =	ssub.s32 $0x0, s0;
	[sflag:s1] =	ssyncset.done $0x0  }
0x16f: {  	[sflag:s1] =	ssyncadd.s32 s28  }
0x170: {  	[sflag:s1] =	ssyncpa.u1 $0x1  }
0x171: {  	s29 =	simm.s32 $0x1;
	_ =	sfence  }
0x172: {  	s30 =	simm.s32 $0x2;
	[sflag:s29] =	ssyncpa.u1 $0x1  }
0x173: {  	[sflag:s30] =	ssyncpa.u1 $0x1  }
0x174: {  	_ =	strace $0x9000004A  }
0x175: {  	[bflag:$0x2] =	sbarrier.arrive $0xFFFF  }
0x176: {  	s31 =	rddreg [dreg:$0x1]  }
0x177: {  	s0 =	sadd.s32 $0x100000, s31  }
0x178: {  	[sflag:s0] =	ssyncadd.tile.s32 $0x1;
	_ =	shalt  }
.Lfunc_end3:
_tile_overlayer_lowered:
.L_overlay_start_3:
0x179: {  	(tag) =	ssettag $0x3  }
0x17a: {  	s0 =	rddreg [dreg:$0x0];
	s2 =	stileid.u32  }
0x17b: {  	s1 =	rddreg [dreg:$0x1];
	p0 =	sne.s32 s2, $0x0  }
0x17c: {  	s3 =	rddreg [dreg:$0x2];
	[bflag:$0x3] =	sbarrier.arrive $0xFFFF;
	s2 =	simm.s32 @!p0 $0x1C01  }
0x17d: {  	[timem:s3], [sflag:s2] =	dma.local @!p0 [hbm:s0], s1  }
0x17e: {  	s0 =	simm.s32 @!p0 $0x1  }
0x17f: {  	_ =	swait.ge @!p0 [sflag:s0], s1  }
0x180: {  	s1 =	ssub.s32 @!p0 $0x0, s1;
	[sflag:s0] =	ssyncset.done @!p0 $0x0  }
0x181: {  	[sflag:s0] =	ssyncadd.s32 @!p0 s1  }
0x182: {  	[bflag:$0x3] =	sbarrier.arrive $0xFFFF  }
0x183: {  	_ =	shalt  }

</sc_bundles>
